<compile_context>
chip_gen: v7x
topology: tpu7x:2x2x1
jax: 0.10.2.dev20260603
libtpu: 0.0.44.dev20260713+nightly
codegen_flags: <defaults>
</compile_context>

<pallas_src>
import functools

import jax
import jax.numpy as jnp
from jax import lax
from jax.experimental import pallas as pl
from jax.experimental.pallas import tpu as pltpu
from jax.experimental.pallas import tpu_sc as plsc

NC = 2
NS = 16
NW = NC * NS
CK = 2
G = 128


def _edge_agg_call(h, src2d, dst2d, n_pad):
    D = h.shape[1]
    rows_per_w = src2d.shape[0] // NW
    rpt = n_pad // NS
    mesh = plsc.VectorSubcoreMesh(core_axis_name="c", subcore_axis_name="s")

    @functools.partial(
        pl.kernel,
        out_type=jax.ShapeDtypeStruct((NC, n_pad, D), jnp.float32),
        mesh=mesh,
        scratch_types=[
            pltpu.VMEM((CK, 128), jnp.int32),
            pltpu.VMEM((CK, 128), jnp.int32),
            pltpu.VMEM((CK, 128, D), jnp.float32),
            pltpu.VMEM((8, D), jnp.float32),
            pltpu.VMEM_SHARED((n_pad, D), jnp.float32),
            pltpu.SemaphoreType.DMA,
        ],
    )
    def k(h_hbm, src_hbm, dst_hbm, out_hbm, src_v, dst_v, rows_v, zero_v,
          acc_sh, sem):
        c = lax.axis_index("c")
        s = lax.axis_index("s")
        w = c * NS + s
        zv = jnp.zeros((16,), jnp.float32)
        for r in range(8):
            for q in range(D // 16):
                zero_v[r, pl.ds(q * 16, 16)] = zv

        def zrow(i, carry):
            pltpu.sync_copy(zero_v, acc_sh.at[pl.ds(s * rpt + i * 8, 8)])
            return carry
        lax.fori_loop(0, rpt // 8, zrow, 0)
        plsc.subcore_barrier()

        def chunk(g, carry):
            r0 = w * rows_per_w + g * CK
            pltpu.sync_copy(src_hbm.at[pl.ds(r0, CK)], src_v)
            pltpu.sync_copy(dst_hbm.at[pl.ds(r0, CK)], dst_v)
            descs = [
                pltpu.async_copy(h_hbm.at[src_v.at[j]], rows_v.at[j], sem)
                for j in range(CK)
            ]
            for d in descs:
                d.wait()
            for j in range(CK):
                pltpu.sync_copy(rows_v.at[j], acc_sh.at[dst_v.at[j]], add=True)
            return carry
        lax.fori_loop(0, rows_per_w // CK, chunk, 0)
        plsc.subcore_barrier()
        pltpu.sync_copy(acc_sh.at[pl.ds(s * rpt, rpt)],
                        out_hbm.at[c, pl.ds(s * rpt, rpt)])

    return k(h, src2d, dst2d)


def _layer_pre(h, agg, W1l, b1l, tn):
    N, D = h.shape
    nt = N // tn

    def body(h_ref, agg_ref, w_ref, b_ref, z_ref, st_ref):
        i = pl.program_id(0)
        x = h_ref[...] + agg_ref[0] + agg_ref[1]
        z = jnp.dot(x, w_ref[...], preferred_element_type=jnp.float32, precision=lax.Precision.HIGHEST)
        z = z + b_ref[...]
        z_ref[...] = z
        s1 = jnp.sum(z, axis=0, keepdims=True)
        s2 = jnp.sum(z * z, axis=0, keepdims=True)
        st = jnp.concatenate([s1, s2], axis=0)

        @pl.when(i == 0)
        def _():
            st_ref[...] = st

        @pl.when(i > 0)
        def _():
            st_ref[...] += st

    return pl.pallas_call(
        body,
        grid=(nt,),
        in_specs=[
            pl.BlockSpec((tn, D), lambda i: (i, 0)),
            pl.BlockSpec((NC, tn, D), lambda i: (0, i, 0)),
            pl.BlockSpec((D, D), lambda i: (0, 0)),
            pl.BlockSpec((1, D), lambda i: (0, 0)),
        ],
        out_specs=[
            pl.BlockSpec((tn, D), lambda i: (i, 0)),
            pl.BlockSpec((2, D), lambda i: (0, 0)),
        ],
        out_shape=[
            jax.ShapeDtypeStruct((N, D), jnp.float32),
            jax.ShapeDtypeStruct((2, D), jnp.float32),
        ],
    )(h, agg, W1l, b1l)


def _layer_post(z, stats, gammal, betal, W2l, b2l, batch2d, tn):
    N, D = z.shape
    nt = N // tn

    def body(z_ref, st_ref, g_ref, be_ref, w_ref, b_ref, bt_ref, h_ref, p_ref):
        i = pl.program_id(0)
        n = jnp.float32(N)
        mean = st_ref[0:1] / n
        var = st_ref[1:2] / n - mean * mean
        rstd = lax.rsqrt(var + 1e-5)
        zn = (z_ref[...] - mean) * (rstd * g_ref[...]) + be_ref[...]
        a = jnp.maximum(zn, 0.0)
        h2 = jnp.dot(a, w_ref[...], preferred_element_type=jnp.float32, precision=lax.Precision.HIGHEST)
        h2 = jnp.maximum(h2 + b_ref[...], 0.0)
        h_ref[...] = h2
        gidx = bt_ref[...]
        oh = (gidx == lax.broadcasted_iota(jnp.int32, (tn, G), 1))
        oh = oh.astype(jnp.float32)
        pool = lax.dot_general(oh, h2, (((0,), (0,)), ((), ())),
                               preferred_element_type=jnp.float32, precision=lax.Precision.HIGHEST)

        @pl.when(i == 0)
        def _():
            p_ref[...] = pool

        @pl.when(i > 0)
        def _():
            p_ref[...] += pool

    return pl.pallas_call(
        body,
        grid=(nt,),
        in_specs=[
            pl.BlockSpec((tn, D), lambda i: (i, 0)),
            pl.BlockSpec((2, D), lambda i: (0, 0)),
            pl.BlockSpec((1, D), lambda i: (0, 0)),
            pl.BlockSpec((1, D), lambda i: (0, 0)),
            pl.BlockSpec((D, D), lambda i: (0, 0)),
            pl.BlockSpec((1, D), lambda i: (0, 0)),
            pl.BlockSpec((tn, 1), lambda i: (i, 0)),
        ],
        out_specs=[
            pl.BlockSpec((tn, D), lambda i: (i, 0)),
            pl.BlockSpec((G, D), lambda i: (0, 0)),
        ],
        out_shape=[
            jax.ShapeDtypeStruct((N, D), jnp.float32),
            jax.ShapeDtypeStruct((G, D), jnp.float32),
        ],
    )(z, stats, gammal, betal, W2l, b2l, batch2d)


def _head(p1, p2, p3, wa, wb, wc, bc1, Wc2, bc2, Wc3p, bc3p):
    D = p1.shape[1]

    def body(p1r, p2r, p3r, war, wbr, wcr, b1r, w2r, b2r, w3r, b3r, out):
        o = (jnp.dot(p1r[...], war[...], preferred_element_type=jnp.float32, precision=lax.Precision.HIGHEST)
             + jnp.dot(p2r[...], wbr[...], preferred_element_type=jnp.float32, precision=lax.Precision.HIGHEST)
             + jnp.dot(p3r[...], wcr[...], preferred_element_type=jnp.float32, precision=lax.Precision.HIGHEST))
        o = jnp.maximum(o + b1r[...], 0.0)
        o = jnp.dot(o, w2r[...], preferred_element_type=jnp.float32, precision=lax.Precision.HIGHEST)
        o = jnp.maximum(o + b2r[...], 0.0)
        out[...] = jnp.dot(o, w3r[...],
                           preferred_element_type=jnp.float32, precision=lax.Precision.HIGHEST) + b3r[...]

    return pl.pallas_call(
        body,
        out_shape=jax.ShapeDtypeStruct((G, D), jnp.float32),
    )(p1, p2, p3, wa, wb, wc, bc1, Wc2, bc2, Wc3p, bc3p)


def kernel(X, edge_index, batch, W1, b1, gamma, beta, W2, b2,
           Wc1, bc1, Wc2, bc2, Wc3, bc3):
    N, D = X.shape
    E = edge_index.shape[1]
    L = W1.shape[0]

    rows = -(-E // 128)
    rows_pad = -(-rows // (NW * CK)) * (NW * CK)
    e_pad = rows_pad * 128
    n_pad = -(-(N + 1) // 256) * 256
    src = jnp.concatenate(
        [edge_index[0], jnp.zeros((e_pad - E,), jnp.int32)]).reshape(-1, 128)
    dst = jnp.concatenate(
        [edge_index[1], jnp.full((e_pad - E,), N, jnp.int32)]).reshape(-1, 128)
    batch2d = batch.reshape(N, 1)

    tn = 1000
    h = X
    pooled = []
    for l in range(L):
        agg = _edge_agg_call(h, src, dst, n_pad)
        z, stats = _layer_pre(h, agg, W1[l], b1[l].reshape(1, D), tn)
        h, pool = _layer_post(z, stats, gamma[l].reshape(1, D),
                              beta[l].reshape(1, D), W2[l],
                              b2[l].reshape(1, D), batch2d, tn)
        pooled.append(pool)

    wa, wb, wc = Wc1[0:D], Wc1[D:2 * D], Wc1[2 * D:3 * D]
    Wc3p = jnp.pad(Wc3, ((0, 0), (0, D - Wc3.shape[1])))
    bc3p = jnp.pad(bc3, (0, D - bc3.shape[0])).reshape(1, D)
    out = _head(pooled[0], pooled[1], pooled[2], wa, wb, wc,
                bc1.reshape(1, D), Wc2, bc2.reshape(1, D), Wc3p, bc3p)
    return out[:, :1]

# --- scband reference (transcript-rebuilt; emitter-appended) ---
"""Pipeline reference for scband-barebone-gin-30786325577782 (READ-ONLY COPY).

The authoritative reference and input builder live on the scoring server;
editing this copy changes nothing except your own understanding.
"""

import jax, jax.numpy as jnp
import numpy as np

N = 10000
E = 320000
D = 128
L = 3
G = 128


def setup_inputs(seed: int = 0) -> dict:
    key = jax.random.key(seed)
    ks = jax.random.split(key, 16)
    X = jax.random.normal(ks[0], (N, D), dtype=jnp.float32)
    edge_index = jax.random.randint(ks[1], (2, E), 0, N, dtype=jnp.int32)
    batch = jnp.sort(jax.random.randint(ks[2], (N,), 0, G, dtype=jnp.int32))
    # GIN MLP params, stacked over layers (in_channels == D == hidden for all layers)
    W1 = jax.random.normal(ks[3], (L, D, D), dtype=jnp.float32) * 0.05
    b1 = jnp.zeros((L, D), dtype=jnp.float32)
    gamma = jnp.ones((L, D), dtype=jnp.float32)
    beta = jnp.zeros((L, D), dtype=jnp.float32)
    W2 = jax.random.normal(ks[4], (L, D, D), dtype=jnp.float32) * 0.05
    b2 = jnp.zeros((L, D), dtype=jnp.float32)
    # classification head
    Wc1 = jax.random.normal(ks[5], (D * L, D), dtype=jnp.float32) * 0.05
    bc1 = jnp.zeros((D,), dtype=jnp.float32)
    Wc2 = jax.random.normal(ks[6], (D, D), dtype=jnp.float32) * 0.05
    bc2 = jnp.zeros((D,), dtype=jnp.float32)
    Wc3 = jax.random.normal(ks[7], (D, 1), dtype=jnp.float32) * 0.05
    bc3 = jnp.zeros((1,), dtype=jnp.float32)
    return {"X": X, "edge_index": edge_index, "batch": batch,
            "W1": W1, "b1": b1, "gamma": gamma, "beta": beta, "W2": W2, "b2": b2,
            "Wc1": Wc1, "bc1": bc1, "Wc2": Wc2, "bc2": bc2, "Wc3": Wc3, "bc3": bc3}


def reference(X, edge_index, batch, W1, b1, gamma, beta, W2, b2,
              Wc1, bc1, Wc2, bc2, Wc3, bc3):
    # BareboneGIN forward (eval mode: dropout is identity).
    # GINConv (train_eps=False, eps=0): h_i' = MLP(x_i + sum_{j->i} x_j)
    # MLP(num_layers=2): Linear -> BatchNorm -> ReLU -> Linear (PyG MLP default norm)
    src = edge_index[0]
    dst = edge_index[1]
    h = X
    xs = []
    for l in range(L):
        agg = jax.ops.segment_sum(h[src], dst, num_segments=N)
        z = h + agg
        z = z @ W1[l] + b1[l]
        mean = jnp.mean(z, axis=0)
        var = jnp.var(z, axis=0)
        z = (z - mean) / jnp.sqrt(var + 1e-5) * gamma[l] + beta[l]
        z = jax.nn.relu(z)
        z = z @ W2[l] + b2[l]
        h = jax.nn.relu(z)  # dropout (p=0.5) is identity in eval mode
        graph_repr = jax.ops.segment_sum(h, batch, num_segments=G)
        xs.append(graph_repr)
    hcat = jnp.concatenate(xs, axis=1)  # JumpingKnowledge mode='cat'
    o = jax.nn.relu(hcat @ Wc1 + bc1)
    o = jax.nn.relu(o @ Wc2 + bc2)
    logits = o @ Wc3 + bc3
    return logits

if __name__ == "__main__":
    import jax
    _d = setup_inputs()
    print(jax.jit(kernel)(*tuple(_d.values())))

</pallas_src>

<mosaic_0001>
#map = affine_map<(d0, d1) -> (0, 0)>
#map1 = affine_map<(d0, d1) -> (0, 0, 0)>
module attributes {stable_mosaic.version = 14 : i64} {
  func.func @k(%arg0: i32, %arg1: i32, %arg2: memref<10000x128xf32, #tpu.memory_space<hbm>>, %arg3: memref<2560x128xi32, #tpu.memory_space<hbm>>, %arg4: memref<2560x128xi32, #tpu.memory_space<hbm>>, %arg5: memref<2x10240x128xf32, #tpu.memory_space<hbm>>, %arg6: memref<2x128xi32, #tpu.memory_space<vmem>>, %arg7: memref<2x128xi32, #tpu.memory_space<vmem>>, %arg8: memref<2x128x128xf32, #tpu.memory_space<vmem>>, %arg9: memref<8x128xf32, #tpu.memory_space<vmem>>, %arg10: memref<10240x128xf32, #tpu.memory_space<vmem_shared>>, %arg11: memref<!tpu.dma_semaphore, #tpu.memory_space<semaphore_mem>>) attributes {dimension_semantics = [#tpu.dimension_semantics<core_parallel>, #tpu.dimension_semantics<subcore_parallel>], iteration_bounds = array<i64: 2, 16>, scalar_prefetch = 0 : i64, scratch_operands = 6 : i64, tpu.core_type = #tpu.core_type<sc_vector_subcore>, window_params = [{transform_indices = #map}, {transform_indices = #map}, {transform_indices = #map}, {transform_indices = #map1}]} {
    %mul3A = arith.constant 16 : i32
    %mul3A_0 = arith.muli %arg0, %mul3A : i32
    %add3A = arith.addi %mul3A_0, %arg1 : i32
    %broadcast_in_dim3A = arith.constant 0.000000e+00 : f32
    %broadcast_in_dim3A_1 = vector.broadcast %broadcast_in_dim3A : f32 to vector<16xf32>
    %swap3A = arith.constant 0 : i32
    %swap3A_2 = arith.index_cast %swap3A : i32 to index
    %swap3A_3 = arith.constant 0 : index
    %swap3A_4 = tpu.vector_load %arg9[%swap3A_2, %swap3A_3] {strides = array<i32>} : memref<8x128xf32, #tpu.memory_space<vmem>>, vector<1x16xf32>,
    %swap3A_5 = vector.shape_cast %swap3A_4 : vector<1x16xf32> to vector<16xf32>
    %swap3A_6 = vector.shape_cast %broadcast_in_dim3A_1 : vector<16xf32> to vector<1x16xf32>
    tpu.vector_store %arg9[%swap3A_2, %swap3A_3], %swap3A_6 {strides = array<i32>} : memref<8x128xf32, #tpu.memory_space<vmem>>, vector<1x16xf32>,
    %swap3A_7 = arith.constant 0 : i32
    %swap3A_8 = arith.index_cast %swap3A_7 : i32 to index
    %swap3A_9 = arith.constant 16 : index
    %swap3A_10 = tpu.vector_load %arg9[%swap3A_8, %swap3A_9] {strides = array<i32>} : memref<8x128xf32, #tpu.memory_space<vmem>>, vector<1x16xf32>,
    %swap3A_11 = vector.shape_cast %swap3A_10 : vector<1x16xf32> to vector<16xf32>
    %swap3A_12 = vector.shape_cast %broadcast_in_dim3A_1 : vector<16xf32> to vector<1x16xf32>
    tpu.vector_store %arg9[%swap3A_8, %swap3A_9], %swap3A_12 {strides = array<i32>} : memref<8x128xf32, #tpu.memory_space<vmem>>, vector<1x16xf32>,
    %swap3A_13 = arith.constant 0 : i32
    %swap3A_14 = arith.index_cast %swap3A_13 : i32 to index
    %swap3A_15 = arith.constant 32 : index
    %swap3A_16 = tpu.vector_load %arg9[%swap3A_14, %swap3A_15] {strides = array<i32>} : memref<8x128xf32, #tpu.memory_space<vmem>>, vector<1x16xf32>,
    %swap3A_17 = vector.shape_cast %swap3A_16 : vector<1x16xf32> to vector<16xf32>
    %swap3A_18 = vector.shape_cast %broadcast_in_dim3A_1 : vector<16xf32> to vector<1x16xf32>
    tpu.vector_store %arg9[%swap3A_14, %swap3A_15], %swap3A_18 {strides = array<i32>} : memref<8x128xf32, #tpu.memory_space<vmem>>, vector<1x16xf32>,
    %swap3A_19 = arith.constant 0 : i32
    %swap3A_20 = arith.index_cast %swap3A_19 : i32 to index
    %swap3A_21 = arith.constant 48 : index
    %swap3A_22 = tpu.vector_load %arg9[%swap3A_20, %swap3A_21] {strides = array<i32>} : memref<8x128xf32, #tpu.memory_space<vmem>>, vector<1x16xf32>,
    %swap3A_23 = vector.shape_cast %swap3A_22 : vector<1x16xf32> to vector<16xf32>
    %swap3A_24 = vector.shape_cast %broadcast_in_dim3A_1 : vector<16xf32> to vector<1x16xf32>
    tpu.vector_store %arg9[%swap3A_20, %swap3A_21], %swap3A_24 {strides = array<i32>} : memref<8x128xf32, #tpu.memory_space<vmem>>, vector<1x16xf32>,
    %swap3A_25 = arith.constant 0 : i32
    %swap3A_26 = arith.index_cast %swap3A_25 : i32 to index
    %swap3A_27 = arith.constant 64 : index
    %swap3A_28 = tpu.vector_load %arg9[%swap3A_26, %swap3A_27] {strides = array<i32>} : memref<8x128xf32, #tpu.memory_space<vmem>>, vector<1x16xf32>,
    %swap3A_29 = vector.shape_cast %swap3A_28 : vector<1x16xf32> to vector<16xf32>
    %swap3A_30 = vector.shape_cast %broadcast_in_dim3A_1 : vector<16xf32> to vector<1x16xf32>
    tpu.vector_store %arg9[%swap3A_26, %swap3A_27], %swap3A_30 {strides = array<i32>} : memref<8x128xf32, #tpu.memory_space<vmem>>, vector<1x16xf32>,
    %swap3A_31 = arith.constant 0 : i32
    %swap3A_32 = arith.index_cast %swap3A_31 : i32 to index
    %swap3A_33 = arith.constant 80 : index
    %swap3A_34 = tpu.vector_load %arg9[%swap3A_32, %swap3A_33] {strides = array<i32>} : memref<8x128xf32, #tpu.memory_space<vmem>>, vector<1x16xf32>,
    %swap3A_35 = vector.shape_cast %swap3A_34 : vector<1x16xf32> to vector<16xf32>
    %swap3A_36 = vector.shape_cast %broadcast_in_dim3A_1 : vector<16xf32> to vector<1x16xf32>
    tpu.vector_store %arg9[%swap3A_32, %swap3A_33], %swap3A_36 {strides = array<i32>} : memref<8x128xf32, #tpu.memory_space<vmem>>, vector<1x16xf32>,
    %swap3A_37 = arith.constant 0 : i32
    %swap3A_38 = arith.index_cast %swap3A_37 : i32 to index
    %swap3A_39 = arith.constant 96 : index
    %swap3A_40 = tpu.vector_load %arg9[%swap3A_38, %swap3A_39] {strides = array<i32>} : memref<8x128xf32, #tpu.memory_space<vmem>>, vector<1x16xf32>,
    %swap3A_41 = vector.shape_cast %swap3A_40 : vector<1x16xf32> to vector<16xf32>
    %swap3A_42 = vector.shape_cast %broadcast_in_dim3A_1 : vector<16xf32> to vector<1x16xf32>
    tpu.vector_store %arg9[%swap3A_38, %swap3A_39], %swap3A_42 {strides = array<i32>} : memref<8x128xf32, #tpu.memory_space<vmem>>, vector<1x16xf32>,
    %swap3A_43 = arith.constant 0 : i32
    %swap3A_44 = arith.index_cast %swap3A_43 : i32 to index
    %swap3A_45 = arith.constant 112 : index
    %swap3A_46 = tpu.vector_load %arg9[%swap3A_44, %swap3A_45] {strides = array<i32>} : memref<8x128xf32, #tpu.memory_space<vmem>>, vector<1x16xf32>,
    %swap3A_47 = vector.shape_cast %swap3A_46 : vector<1x16xf32> to vector<16xf32>
    %swap3A_48 = vector.shape_cast %broadcast_in_dim3A_1 : vector<16xf32> to vector<1x16xf32>
    tpu.vector_store %arg9[%swap3A_44, %swap3A_45], %swap3A_48 {strides = array<i32>} : memref<8x128xf32, #tpu.memory_space<vmem>>, vector<1x16xf32>,
    %swap3A_49 = arith.constant 1 : i32
    %swap3A_50 = arith.index_cast %swap3A_49 : i32 to index
    %swap3A_51 = arith.constant 0 : index
    %swap3A_52 = tpu.vector_load %arg9[%swap3A_50, %swap3A_51] {strides = array<i32>} : memref<8x128xf32, #tpu.memory_space<vmem>>, vector<1x16xf32>,
    %swap3A_53 = vector.shape_cast %swap3A_52 : vector<1x16xf32> to vector<16xf32>
    %swap3A_54 = vector.shape_cast %broadcast_in_dim3A_1 : vector<16xf32> to vector<1x16xf32>
    tpu.vector_store %arg9[%swap3A_50, %swap3A_51], %swap3A_54 {strides = array<i32>} : memref<8x128xf32, #tpu.memory_space<vmem>>, vector<1x16xf32>,
    %swap3A_55 = arith.constant 1 : i32
    %swap3A_56 = arith.index_cast %swap3A_55 : i32 to index
    %swap3A_57 = arith.constant 16 : index
    %swap3A_58 = tpu.vector_load %arg9[%swap3A_56, %swap3A_57] {strides = array<i32>} : memref<8x128xf32, #tpu.memory_space<vmem>>, vector<1x16xf32>,
    %swap3A_59 = vector.shape_cast %swap3A_58 : vector<1x16xf32> to vector<16xf32>
    %swap3A_60 = vector.shape_cast %broadcast_in_dim3A_1 : vector<16xf32> to vector<1x16xf32>
    tpu.vector_store %arg9[%swap3A_56, %swap3A_57], %swap3A_60 {strides = array<i32>} : memref<8x128xf32, #tpu.memory_space<vmem>>, vector<1x16xf32>,
    %swap3A_61 = arith.constant 1 : i32
    %swap3A_62 = arith.index_cast %swap3A_61 : i32 to index
    %swap3A_63 = arith.constant 32 : index
    %swap3A_64 = tpu.vector_load %arg9[%swap3A_62, %swap3A_63] {strides = array<i32>} : memref<8x128xf32, #tpu.memory_space<vmem>>, vector<1x16xf32>,
    %swap3A_65 = vector.shape_cast %swap3A_64 : vector<1x16xf32> to vector<16xf32>
    %swap3A_66 = vector.shape_cast %broadcast_in_dim3A_1 : vector<16xf32> to vector<1x16xf32>
    tpu.vector_store %arg9[%swap3A_62, %swap3A_63], %swap3A_66 {strides = array<i32>} : memref<8x128xf32, #tpu.memory_space<vmem>>, vector<1x16xf32>,
    %swap3A_67 = arith.constant 1 : i32
    %swap3A_68 = arith.index_cast %swap3A_67 : i32 to index
    %swap3A_69 = arith.constant 48 : index
    %swap3A_70 = tpu.vector_load %arg9[%swap3A_68, %swap3A_69] {strides = array<i32>} : memref<8x128xf32, #tpu.memory_space<vmem>>, vector<1x16xf32>,
    %swap3A_71 = vector.shape_cast %swap3A_70 : vector<1x16xf32> to vector<16xf32>
    %swap3A_72 = vector.shape_cast %broadcast_in_dim3A_1 : vector<16xf32> to vector<1x16xf32>
    tpu.vector_store %arg9[%swap3A_68, %swap3A_69], %swap3A_72 {strides = array<i32>} : memref<8x128xf32, #tpu.memory_space<vmem>>, vector<1x16xf32>,
    %swap3A_73 = arith.constant 1 : i32
    %swap3A_74 = arith.index_cast %swap3A_73 : i32 to index
    %swap3A_75 = arith.constant 64 : index
    %swap3A_76 = tpu.vector_load %arg9[%swap3A_74, %swap3A_75] {strides = array<i32>} : memref<8x128xf32, #tpu.memory_space<vmem>>, vector<1x16xf32>,
    %swap3A_77 = vector.shape_cast %swap3A_76 : vector<1x16xf32> to vector<16xf32>
    %swap3A_78 = vector.shape_cast %broadcast_in_dim3A_1 : vector<16xf32> to vector<1x16xf32>
    tpu.vector_store %arg9[%swap3A_74, %swap3A_75], %swap3A_78 {strides = array<i32>} : memref<8x128xf32, #tpu.memory_space<vmem>>, vector<1x16xf32>,
    %swap3A_79 = arith.constant 1 : i32
    %swap3A_80 = arith.index_cast %swap3A_79 : i32 to index
    %swap3A_81 = arith.constant 80 : index
    %swap3A_82 = tpu.vector_load %arg9[%swap3A_80, %swap3A_81] {strides = array<i32>} : memref<8x128xf32, #tpu.memory_space<vmem>>, vector<1x16xf32>,
    %swap3A_83 = vector.shape_cast %swap3A_82 : vector<1x16xf32> to vector<16xf32>
    %swap3A_84 = vector.shape_cast %broadcast_in_dim3A_1 : vector<16xf32> to vector<1x16xf32>
    tpu.vector_store %arg9[%swap3A_80, %swap3A_81], %swap3A_84 {strides = array<i32>} : memref<8x128xf32, #tpu.memory_space<vmem>>, vector<1x16xf32>,
    %swap3A_85 = arith.constant 1 : i32
    %swap3A_86 = arith.index_cast %swap3A_85 : i32 to index
    %swap3A_87 = arith.constant 96 : index
    %swap3A_88 = tpu.vector_load %arg9[%swap3A_86, %swap3A_87] {strides = array<i32>} : memref<8x128xf32, #tpu.memory_space<vmem>>, vector<1x16xf32>,
    %swap3A_89 = vector.shape_cast %swap3A_88 : vector<1x16xf32> to vector<16xf32>
    %swap3A_90 = vector.shape_cast %broadcast_in_dim3A_1 : vector<16xf32> to vector<1x16xf32>
    tpu.vector_store %arg9[%swap3A_86, %swap3A_87], %swap3A_90 {strides = array<i32>} : memref<8x128xf32, #tpu.memory_space<vmem>>, vector<1x16xf32>,
    %swap3A_91 = arith.constant 1 : i32
    %swap3A_92 = arith.index_cast %swap3A_91 : i32 to index
    %swap3A_93 = arith.constant 112 : index
    %swap3A_94 = tpu.vector_load %arg9[%swap3A_92, %swap3A_93] {strides = array<i32>} : memref<8x128xf32, #tpu.memory_space<vmem>>, vector<1x16xf32>,
    %swap3A_95 = vector.shape_cast %swap3A_94 : vector<1x16xf32> to vector<16xf32>
    %swap3A_96 = vector.shape_cast %broadcast_in_dim3A_1 : vector<16xf32> to vector<1x16xf32>
    tpu.vector_store %arg9[%swap3A_92, %swap3A_93], %swap3A_96 {strides = array<i32>} : memref<8x128xf32, #tpu.memory_space<vmem>>, vector<1x16xf32>,
    %swap3A_97 = arith.constant 2 : i32
    %swap3A_98 = arith.index_cast %swap3A_97 : i32 to index
    %swap3A_99 = arith.constant 0 : index
    %swap3A_100 = tpu.vector_load %arg9[%swap3A_98, %swap3A_99] {strides = array<i32>} : memref<8x128xf32, #tpu.memory_space<vmem>>, vector<1x16xf32>,
    %swap3A_101 = vector.shape_cast %swap3A_100 : vector<1x16xf32> to vector<16xf32>
    %swap3A_102 = vector.shape_cast %broadcast_in_dim3A_1 : vector<16xf32> to vector<1x16xf32>
    tpu.vector_store %arg9[%swap3A_98, %swap3A_99], %swap3A_102 {strides = array<i32>} : memref<8x128xf32, #tpu.memory_space<vmem>>, vector<1x16xf32>,
    %swap3A_103 = arith.constant 2 : i32
    %swap3A_104 = arith.index_cast %swap3A_103 : i32 to index
    %swap3A_105 = arith.constant 16 : index
    %swap3A_106 = tpu.vector_load %arg9[%swap3A_104, %swap3A_105] {strides = array<i32>} : memref<8x128xf32, #tpu.memory_space<vmem>>, vector<1x16xf32>,
    %swap3A_107 = vector.shape_cast %swap3A_106 : vector<1x16xf32> to vector<16xf32>
    %swap3A_108 = vector.shape_cast %broadcast_in_dim3A_1 : vector<16xf32> to vector<1x16xf32>
    tpu.vector_store %arg9[%swap3A_104, %swap3A_105], %swap3A_108 {strides = array<i32>} : memref<8x128xf32, #tpu.memory_space<vmem>>, vector<1x16xf32>,
    %swap3A_109 = arith.constant 2 : i32
    %swap3A_110 = arith.index_cast %swap3A_109 : i32 to index
    %swap3A_111 = arith.constant 32 : index
    %swap3A_112 = tpu.vector_load %arg9[%swap3A_110, %swap3A_111] {strides = array<i32>} : memref<8x128xf32, #tpu.memory_space<vmem>>, vector<1x16xf32>,
    %swap3A_113 = vector.shape_cast %swap3A_112 : vector<1x16xf32> to vector<16xf32>
    %swap3A_114 = vector.shape_cast %broadcast_in_dim3A_1 : vector<16xf32> to vector<1x16xf32>
    tpu.vector_store %arg9[%swap3A_110, %swap3A_111], %swap3A_114 {strides = array<i32>} : memref<8x128xf32, #tpu.memory_space<vmem>>, vector<1x16xf32>,
    %swap3A_115 = arith.constant 2 : i32
    %swap3A_116 = arith.index_cast %swap3A_115 : i32 to index
    %swap3A_117 = arith.constant 48 : index
    %swap3A_118 = tpu.vector_load %arg9[%swap3A_116, %swap3A_117] {strides = array<i32>} : memref<8x128xf32, #tpu.memory_space<vmem>>, vector<1x16xf32>,
    %swap3A_119 = vector.shape_cast %swap3A_118 : vector<1x16xf32> to vector<16xf32>
    %swap3A_120 = vector.shape_cast %broadcast_in_dim3A_1 : vector<16xf32> to vector<1x16xf32>
    tpu.vector_store %arg9[%swap3A_116, %swap3A_117], %swap3A_120 {strides = array<i32>} : memref<8x128xf32, #tpu.memory_space<vmem>>, vector<1x16xf32>,
    %swap3A_121 = arith.constant 2 : i32
    %swap3A_122 = arith.index_cast %swap3A_121 : i32 to index
    %swap3A_123 = arith.constant 64 : index
    %swap3A_124 = tpu.vector_load %arg9[%swap3A_122, %swap3A_123] {strides = array<i32>} : memref<8x128xf32, #tpu.memory_space<vmem>>, vector<1x16xf32>,
    %swap3A_125 = vector.shape_cast %swap3A_124 : vector<1x16xf32> to vector<16xf32>
    %swap3A_126 = vector.shape_cast %broadcast_in_dim3A_1 : vector<16xf32> to vector<1x16xf32>
    tpu.vector_store %arg9[%swap3A_122, %swap3A_123], %swap3A_126 {strides = array<i32>} : memref<8x128xf32, #tpu.memory_space<vmem>>, vector<1x16xf32>,
    %swap3A_127 = arith.constant 2 : i32
    %swap3A_128 = arith.index_cast %swap3A_127 : i32 to index
    %swap3A_129 = arith.constant 80 : index
    %swap3A_130 = tpu.vector_load %arg9[%swap3A_128, %swap3A_129] {strides = array<i32>} : memref<8x128xf32, #tpu.memory_space<vmem>>, vector<1x16xf32>,
    %swap3A_131 = vector.shape_cast %swap3A_130 : vector<1x16xf32> to vector<16xf32>
    %swap3A_132 = vector.shape_cast %broadcast_in_dim3A_1 : vector<16xf32> to vector<1x16xf32>
    tpu.vector_store %arg9[%swap3A_128, %swap3A_129], %swap3A_132 {strides = array<i32>} : memref<8x128xf32, #tpu.memory_space<vmem>>, vector<1x16xf32>,
    %swap3A_133 = arith.constant 2 : i32
    %swap3A_134 = arith.index_cast %swap3A_133 : i32 to index
    %swap3A_135 = arith.constant 96 : index
    %swap3A_136 = tpu.vector_load %arg9[%swap3A_134, %swap3A_135] {strides = array<i32>} : memref<8x128xf32, #tpu.memory_space<vmem>>, vector<1x16xf32>,
    %swap3A_137 = vector.shape_cast %swap3A_136 : vector<1x16xf32> to vector<16xf32>
    %swap3A_138 = vector.shape_cast %broadcast_in_dim3A_1 : vector<16xf32> to vector<1x16xf32>
    tpu.vector_store %arg9[%swap3A_134, %swap3A_135], %swap3A_138 {strides = array<i32>} : memref<8x128xf32, #tpu.memory_space<vmem>>, vector<1x16xf32>,
    %swap3A_139 = arith.constant 2 : i32
    %swap3A_140 = arith.index_cast %swap3A_139 : i32 to index
    %swap3A_141 = arith.constant 112 : index
    %swap3A_142 = tpu.vector_load %arg9[%swap3A_140, %swap3A_141] {strides = array<i32>} : memref<8x128xf32, #tpu.memory_space<vmem>>, vector<1x16xf32>,
    %swap3A_143 = vector.shape_cast %swap3A_142 : vector<1x16xf32> to vector<16xf32>
    %swap3A_144 = vector.shape_cast %broadcast_in_dim3A_1 : vector<16xf32> to vector<1x16xf32>
    tpu.vector_store %arg9[%swap3A_140, %swap3A_141], %swap3A_144 {strides = array<i32>} : memref<8x128xf32, #tpu.memory_space<vmem>>, vector<1x16xf32>,
    %swap3A_145 = arith.constant 3 : i32
    %swap3A_146 = arith.index_cast %swap3A_145 : i32 to index
    %swap3A_147 = arith.constant 0 : index
    %swap3A_148 = tpu.vector_load %arg9[%swap3A_146, %swap3A_147] {strides = array<i32>} : memref<8x128xf32, #tpu.memory_space<vmem>>, vector<1x16xf32>,
    %swap3A_149 = vector.shape_cast %swap3A_148 : vector<1x16xf32> to vector<16xf32>
    %swap3A_150 = vector.shape_cast %broadcast_in_dim3A_1 : vector<16xf32> to vector<1x16xf32>
    tpu.vector_store %arg9[%swap3A_146, %swap3A_147], %swap3A_150 {strides = array<i32>} : memref<8x128xf32, #tpu.memory_space<vmem>>, vector<1x16xf32>,
    %swap3A_151 = arith.constant 3 : i32
    %swap3A_152 = arith.index_cast %swap3A_151 : i32 to index
    %swap3A_153 = arith.constant 16 : index
    %swap3A_154 = tpu.vector_load %arg9[%swap3A_152, %swap3A_153] {strides = array<i32>} : memref<8x128xf32, #tpu.memory_space<vmem>>, vector<1x16xf32>,
    %swap3A_155 = vector.shape_cast %swap3A_154 : vector<1x16xf32> to vector<16xf32>
    %swap3A_156 = vector.shape_cast %broadcast_in_dim3A_1 : vector<16xf32> to vector<1x16xf32>
    tpu.vector_store %arg9[%swap3A_152, %swap3A_153], %swap3A_156 {strides = array<i32>} : memref<8x128xf32, #tpu.memory_space<vmem>>, vector<1x16xf32>,
    %swap3A_157 = arith.constant 3 : i32
    %swap3A_158 = arith.index_cast %swap3A_157 : i32 to index
    %swap3A_159 = arith.constant 32 : index
    %swap3A_160 = tpu.vector_load %arg9[%swap3A_158, %swap3A_159] {strides = array<i32>} : memref<8x128xf32, #tpu.memory_space<vmem>>, vector<1x16xf32>,
    %swap3A_161 = vector.shape_cast %swap3A_160 : vector<1x16xf32> to vector<16xf32>
    %swap3A_162 = vector.shape_cast %broadcast_in_dim3A_1 : vector<16xf32> to vector<1x16xf32>
    tpu.vector_store %arg9[%swap3A_158, %swap3A_159], %swap3A_162 {strides = array<i32>} : memref<8x128xf32, #tpu.memory_space<vmem>>, vector<1x16xf32>,
    %swap3A_163 = arith.constant 3 : i32
    %swap3A_164 = arith.index_cast %swap3A_163 : i32 to index
    %swap3A_165 = arith.constant 48 : index
    %swap3A_166 = tpu.vector_load %arg9[%swap3A_164, %swap3A_165] {strides = array<i32>} : memref<8x128xf32, #tpu.memory_space<vmem>>, vector<1x16xf32>,
    %swap3A_167 = vector.shape_cast %swap3A_166 : vector<1x16xf32> to vector<16xf32>
    %swap3A_168 = vector.shape_cast %broadcast_in_dim3A_1 : vector<16xf32> to vector<1x16xf32>
    tpu.vector_store %arg9[%swap3A_164, %swap3A_165], %swap3A_168 {strides = array<i32>} : memref<8x128xf32, #tpu.memory_space<vmem>>, vector<1x16xf32>,
    %swap3A_169 = arith.constant 3 : i32
    %swap3A_170 = arith.index_cast %swap3A_169 : i32 to index
    %swap3A_171 = arith.constant 64 : index
    %swap3A_172 = tpu.vector_load %arg9[%swap3A_170, %swap3A_171] {strides = array<i32>} : memref<8x128xf32, #tpu.memory_space<vmem>>, vector<1x16xf32>,
    %swap3A_173 = vector.shape_cast %swap3A_172 : vector<1x16xf32> to vector<16xf32>
    %swap3A_174 = vector.shape_cast %broadcast_in_dim3A_1 : vector<16xf32> to vector<1x16xf32>
    tpu.vector_store %arg9[%swap3A_170, %swap3A_171], %swap3A_174 {strides = array<i32>} : memref<8x128xf32, #tpu.memory_space<vmem>>, vector<1x16xf32>,
    %swap3A_175 = arith.constant 3 : i32
    %swap3A_176 = arith.index_cast %swap3A_175 : i32 to index
    %swap3A_177 = arith.constant 80 : index
    %swap3A_178 = tpu.vector_load %arg9[%swap3A_176, %swap3A_177] {strides = array<i32>} : memref<8x128xf32, #tpu.memory_space<vmem>>, vector<1x16xf32>,
    %swap3A_179 = vector.shape_cast %swap3A_178 : vector<1x16xf32> to vector<16xf32>
    %swap3A_180 = vector.shape_cast %broadcast_in_dim3A_1 : vector<16xf32> to vector<1x16xf32>
    tpu.vector_store %arg9[%swap3A_176, %swap3A_177], %swap3A_180 {strides = array<i32>} : memref<8x128xf32, #tpu.memory_space<vmem>>, vector<1x16xf32>,
    %swap3A_181 = arith.constant 3 : i32
    %swap3A_182 = arith.index_cast %swap3A_181 : i32 to index
    %swap3A_183 = arith.constant 96 : index
    %swap3A_184 = tpu.vector_load %arg9[%swap3A_182, %swap3A_183] {strides = array<i32>} : memref<8x128xf32, #tpu.memory_space<vmem>>, vector<1x16xf32>,
    %swap3A_185 = vector.shape_cast %swap3A_184 : vector<1x16xf32> to vector<16xf32>
    %swap3A_186 = vector.shape_cast %broadcast_in_dim3A_1 : vector<16xf32> to vector<1x16xf32>
    tpu.vector_store %arg9[%swap3A_182, %swap3A_183], %swap3A_186 {strides = array<i32>} : memref<8x128xf32, #tpu.memory_space<vmem>>, vector<1x16xf32>,
    %swap3A_187 = arith.constant 3 : i32
    %swap3A_188 = arith.index_cast %swap3A_187 : i32 to index
    %swap3A_189 = arith.constant 112 : index
    %swap3A_190 = tpu.vector_load %arg9[%swap3A_188, %swap3A_189] {strides = array<i32>} : memref<8x128xf32, #tpu.memory_space<vmem>>, vector<1x16xf32>,
    %swap3A_191 = vector.shape_cast %swap3A_190 : vector<1x16xf32> to vector<16xf32>
    %swap3A_192 = vector.shape_cast %broadcast_in_dim3A_1 : vector<16xf32> to vector<1x16xf32>
    tpu.vector_store %arg9[%swap3A_188, %swap3A_189], %swap3A_192 {strides = array<i32>} : memref<8x128xf32, #tpu.memory_space<vmem>>, vector<1x16xf32>,
    %swap3A_193 = arith.constant 4 : i32
    %swap3A_194 = arith.index_cast %swap3A_193 : i32 to index
    %swap3A_195 = arith.constant 0 : index
    %swap3A_196 = tpu.vector_load %arg9[%swap3A_194, %swap3A_195] {strides = array<i32>} : memref<8x128xf32, #tpu.memory_space<vmem>>, vector<1x16xf32>,
    %swap3A_197 = vector.shape_cast %swap3A_196 : vector<1x16xf32> to vector<16xf32>
    %swap3A_198 = vector.shape_cast %broadcast_in_dim3A_1 : vector<16xf32> to vector<1x16xf32>
    tpu.vector_store %arg9[%swap3A_194, %swap3A_195], %swap3A_198 {strides = array<i32>} : memref<8x128xf32, #tpu.memory_space<vmem>>, vector<1x16xf32>,
    %swap3A_199 = arith.constant 4 : i32
    %swap3A_200 = arith.index_cast %swap3A_199 : i32 to index
    %swap3A_201 = arith.constant 16 : index
    %swap3A_202 = tpu.vector_load %arg9[%swap3A_200, %swap3A_201] {strides = array<i32>} : memref<8x128xf32, #tpu.memory_space<vmem>>, vector<1x16xf32>,
    %swap3A_203 = vector.shape_cast %swap3A_202 : vector<1x16xf32> to vector<16xf32>
    %swap3A_204 = vector.shape_cast %broadcast_in_dim3A_1 : vector<16xf32> to vector<1x16xf32>
    tpu.vector_store %arg9[%swap3A_200, %swap3A_201], %swap3A_204 {strides = array<i32>} : memref<8x128xf32, #tpu.memory_space<vmem>>, vector<1x16xf32>,
    %swap3A_205 = arith.constant 4 : i32
    %swap3A_206 = arith.index_cast %swap3A_205 : i32 to index
    %swap3A_207 = arith.constant 32 : index
    %swap3A_208 = tpu.vector_load %arg9[%swap3A_206, %swap3A_207] {strides = array<i32>} : memref<8x128xf32, #tpu.memory_space<vmem>>, vector<1x16xf32>,
    %swap3A_209 = vector.shape_cast %swap3A_208 : vector<1x16xf32> to vector<16xf32>
    %swap3A_210 = vector.shape_cast %broadcast_in_dim3A_1 : vector<16xf32> to vector<1x16xf32>
    tpu.vector_store %arg9[%swap3A_206, %swap3A_207], %swap3A_210 {strides = array<i32>} : memref<8x128xf32, #tpu.memory_space<vmem>>, vector<1x16xf32>,
    %swap3A_211 = arith.constant 4 : i32
    %swap3A_212 = arith.index_cast %swap3A_211 : i32 to index
    %swap3A_213 = arith.constant 48 : index
    %swap3A_214 = tpu.vector_load %arg9[%swap3A_212, %swap3A_213] {strides = array<i32>} : memref<8x128xf32, #tpu.memory_space<vmem>>, vector<1x16xf32>,
    %swap3A_215 = vector.shape_cast %swap3A_214 : vector<1x16xf32> to vector<16xf32>
    %swap3A_216 = vector.shape_cast %broadcast_in_dim3A_1 : vector<16xf32> to vector<1x16xf32>
    tpu.vector_store %arg9[%swap3A_212, %swap3A_213], %swap3A_216 {strides = array<i32>} : memref<8x128xf32, #tpu.memory_space<vmem>>, vector<1x16xf32>,
    %swap3A_217 = arith.constant 4 : i32
    %swap3A_218 = arith.index_cast %swap3A_217 : i32 to index
    %swap3A_219 = arith.constant 64 : index
    %swap3A_220 = tpu.vector_load %arg9[%swap3A_218, %swap3A_219] {strides = array<i32>} : memref<8x128xf32, #tpu.memory_space<vmem>>, vector<1x16xf32>,
    %swap3A_221 = vector.shape_cast %swap3A_220 : vector<1x16xf32> to vector<16xf32>
    %swap3A_222 = vector.shape_cast %broadcast_in_dim3A_1 : vector<16xf32> to vector<1x16xf32>
    tpu.vector_store %arg9[%swap3A_218, %swap3A_219], %swap3A_222 {strides = array<i32>} : memref<8x128xf32, #tpu.memory_space<vmem>>, vector<1x16xf32>,
    %swap3A_223 = arith.constant 4 : i32
    %swap3A_224 = arith.index_cast %swap3A_223 : i32 to index
    %swap3A_225 = arith.constant 80 : index
    %swap3A_226 = tpu.vector_load %arg9[%swap3A_224, %swap3A_225] {strides = array<i32>} : memref<8x128xf32, #tpu.memory_space<vmem>>, vector<1x16xf32>,
    %swap3A_227 = vector.shape_cast %swap3A_226 : vector<1x16xf32> to vector<16xf32>
    %swap3A_228 = vector.shape_cast %broadcast_in_dim3A_1 : vector<16xf32> to vector<1x16xf32>
    tpu.vector_store %arg9[%swap3A_224, %swap3A_225], %swap3A_228 {strides = array<i32>} : memref<8x128xf32, #tpu.memory_space<vmem>>, vector<1x16xf32>,
    %swap3A_229 = arith.constant 4 : i32
    %swap3A_230 = arith.index_cast %swap3A_229 : i32 to index
    %swap3A_231 = arith.constant 96 : index
    %swap3A_232 = tpu.vector_load %arg9[%swap3A_230, %swap3A_231] {strides = array<i32>} : memref<8x128xf32, #tpu.memory_space<vmem>>, vector<1x16xf32>,
    %swap3A_233 = vector.shape_cast %swap3A_232 : vector<1x16xf32> to vector<16xf32>
    %swap3A_234 = vector.shape_cast %broadcast_in_dim3A_1 : vector<16xf32> to vector<1x16xf32>
    tpu.vector_store %arg9[%swap3A_230, %swap3A_231], %swap3A_234 {strides = array<i32>} : memref<8x128xf32, #tpu.memory_space<vmem>>, vector<1x16xf32>,
    %swap3A_235 = arith.constant 4 : i32
    %swap3A_236 = arith.index_cast %swap3A_235 : i32 to index
    %swap3A_237 = arith.constant 112 : index
    %swap3A_238 = tpu.vector_load %arg9[%swap3A_236, %swap3A_237] {strides = array<i32>} : memref<8x128xf32, #tpu.memory_space<vmem>>, vector<1x16xf32>,
    %swap3A_239 = vector.shape_cast %swap3A_238 : vector<1x16xf32> to vector<16xf32>
    %swap3A_240 = vector.shape_cast %broadcast_in_dim3A_1 : vector<16xf32> to vector<1x16xf32>
    tpu.vector_store %arg9[%swap3A_236, %swap3A_237], %swap3A_240 {strides = array<i32>} : memref<8x128xf32, #tpu.memory_space<vmem>>, vector<1x16xf32>,
    %swap3A_241 = arith.constant 5 : i32
    %swap3A_242 = arith.index_cast %swap3A_241 : i32 to index
    %swap3A_243 = arith.constant 0 : index
    %swap3A_244 = tpu.vector_load %arg9[%swap3A_242, %swap3A_243] {strides = array<i32>} : memref<8x128xf32, #tpu.memory_space<vmem>>, vector<1x16xf32>,
    %swap3A_245 = vector.shape_cast %swap3A_244 : vector<1x16xf32> to vector<16xf32>
    %swap3A_246 = vector.shape_cast %broadcast_in_dim3A_1 : vector<16xf32> to vector<1x16xf32>
    tpu.vector_store %arg9[%swap3A_242, %swap3A_243], %swap3A_246 {strides = array<i32>} : memref<8x128xf32, #tpu.memory_space<vmem>>, vector<1x16xf32>,
    %swap3A_247 = arith.constant 5 : i32
    %swap3A_248 = arith.index_cast %swap3A_247 : i32 to index
    %swap3A_249 = arith.constant 16 : index
    %swap3A_250 = tpu.vector_load %arg9[%swap3A_248, %swap3A_249] {strides = array<i32>} : memref<8x128xf32, #tpu.memory_space<vmem>>, vector<1x16xf32>,
    %swap3A_251 = vector.shape_cast %swap3A_250 : vector<1x16xf32> to vector<16xf32>
    %swap3A_252 = vector.shape_cast %broadcast_in_dim3A_1 : vector<16xf32> to vector<1x16xf32>
    tpu.vector_store %arg9[%swap3A_248, %swap3A_249], %swap3A_252 {strides = array<i32>} : memref<8x128xf32, #tpu.memory_space<vmem>>, vector<1x16xf32>,
    %swap3A_253 = arith.constant 5 : i32
    %swap3A_254 = arith.index_cast %swap3A_253 : i32 to index
    %swap3A_255 = arith.constant 32 : index
    %swap3A_256 = tpu.vector_load %arg9[%swap3A_254, %swap3A_255] {strides = array<i32>} : memref<8x128xf32, #tpu.memory_space<vmem>>, vector<1x16xf32>,
    %swap3A_257 = vector.shape_cast %swap3A_256 : vector<1x16xf32> to vector<16xf32>
    %swap3A_258 = vector.shape_cast %broadcast_in_dim3A_1 : vector<16xf32> to vector<1x16xf32>
    tpu.vector_store %arg9[%swap3A_254, %swap3A_255], %swap3A_258 {strides = array<i32>} : memref<8x128xf32, #tpu.memory_space<vmem>>, vector<1x16xf32>,
    %swap3A_259 = arith.constant 5 : i32
    %swap3A_260 = arith.index_cast %swap3A_259 : i32 to index
    %swap3A_261 = arith.constant 48 : index
    %swap3A_262 = tpu.vector_load %arg9[%swap3A_260, %swap3A_261] {strides = array<i32>} : memref<8x128xf32, #tpu.memory_space<vmem>>, vector<1x16xf32>,
    %swap3A_263 = vector.shape_cast %swap3A_262 : vector<1x16xf32> to vector<16xf32>
    %swap3A_264 = vector.shape_cast %broadcast_in_dim3A_1 : vector<16xf32> to vector<1x16xf32>
    tpu.vector_store %arg9[%swap3A_260, %swap3A_261], %swap3A_264 {strides = array<i32>} : memref<8x128xf32, #tpu.memory_space<vmem>>, vector<1x16xf32>,
    %swap3A_265 = arith.constant 5 : i32
    %swap3A_266 = arith.index_cast %swap3A_265 : i32 to index
    %swap3A_267 = arith.constant 64 : index
    %swap3A_268 = tpu.vector_load %arg9[%swap3A_266, %swap3A_267] {strides = array<i32>} : memref<8x128xf32, #tpu.memory_space<vmem>>, vector<1x16xf32>,
    %swap3A_269 = vector.shape_cast %swap3A_268 : vector<1x16xf32> to vector<16xf32>
    %swap3A_270 = vector.shape_cast %broadcast_in_dim3A_1 : vector<16xf32> to vector<1x16xf32>
    tpu.vector_store %arg9[%swap3A_266, %swap3A_267], %swap3A_270 {strides = array<i32>} : memref<8x128xf32, #tpu.memory_space<vmem>>, vector<1x16xf32>,
    %swap3A_271 = arith.constant 5 : i32
    %swap3A_272 = arith.index_cast %swap3A_271 : i32 to index
    %swap3A_273 = arith.constant 80 : index
    %swap3A_274 = tpu.vector_load %arg9[%swap3A_272, %swap3A_273] {strides = array<i32>} : memref<8x128xf32, #tpu.memory_space<vmem>>, vector<1x16xf32>,
    %swap3A_275 = vector.shape_cast %swap3A_274 : vector<1x16xf32> to vector<16xf32>
    %swap3A_276 = vector.shape_cast %broadcast_in_dim3A_1 : vector<16xf32> to vector<1x16xf32>
    tpu.vector_store %arg9[%swap3A_272, %swap3A_273], %swap3A_276 {strides = array<i32>} : memref<8x128xf32, #tpu.memory_space<vmem>>, vector<1x16xf32>,
    %swap3A_277 = arith.constant 5 : i32
    %swap3A_278 = arith.index_cast %swap3A_277 : i32 to index
    %swap3A_279 = arith.constant 96 : index
    %swap3A_280 = tpu.vector_load %arg9[%swap3A_278, %swap3A_279] {strides = array<i32>} : memref<8x128xf32, #tpu.memory_space<vmem>>, vector<1x16xf32>,
    %swap3A_281 = vector.shape_cast %swap3A_280 : vector<1x16xf32> to vector<16xf32>
    %swap3A_282 = vector.shape_cast %broadcast_in_dim3A_1 : vector<16xf32> to vector<1x16xf32>
    tpu.vector_store %arg9[%swap3A_278, %swap3A_279], %swap3A_282 {strides = array<i32>} : memref<8x128xf32, #tpu.memory_space<vmem>>, vector<1x16xf32>,
    %swap3A_283 = arith.constant 5 : i32
    %swap3A_284 = arith.index_cast %swap3A_283 : i32 to index
    %swap3A_285 = arith.constant 112 : index
    %swap3A_286 = tpu.vector_load %arg9[%swap3A_284, %swap3A_285] {strides = array<i32>} : memref<8x128xf32, #tpu.memory_space<vmem>>, vector<1x16xf32>,
    %swap3A_287 = vector.shape_cast %swap3A_286 : vector<1x16xf32> to vector<16xf32>
    %swap3A_288 = vector.shape_cast %broadcast_in_dim3A_1 : vector<16xf32> to vector<1x16xf32>
    tpu.vector_store %arg9[%swap3A_284, %swap3A_285], %swap3A_288 {strides = array<i32>} : memref<8x128xf32, #tpu.memory_space<vmem>>, vector<1x16xf32>,
    %swap3A_289 = arith.constant 6 : i32
    %swap3A_290 = arith.index_cast %swap3A_289 : i32 to index
    %swap3A_291 = arith.constant 0 : index
    %swap3A_292 = tpu.vector_load %arg9[%swap3A_290, %swap3A_291] {strides = array<i32>} : memref<8x128xf32, #tpu.memory_space<vmem>>, vector<1x16xf32>,
    %swap3A_293 = vector.shape_cast %swap3A_292 : vector<1x16xf32> to vector<16xf32>
    %swap3A_294 = vector.shape_cast %broadcast_in_dim3A_1 : vector<16xf32> to vector<1x16xf32>
    tpu.vector_store %arg9[%swap3A_290, %swap3A_291], %swap3A_294 {strides = array<i32>} : memref<8x128xf32, #tpu.memory_space<vmem>>, vector<1x16xf32>,
    %swap3A_295 = arith.constant 6 : i32
    %swap3A_296 = arith.index_cast %swap3A_295 : i32 to index
    %swap3A_297 = arith.constant 16 : index
    %swap3A_298 = tpu.vector_load %arg9[%swap3A_296, %swap3A_297] {strides = array<i32>} : memref<8x128xf32, #tpu.memory_space<vmem>>, vector<1x16xf32>,
    %swap3A_299 = vector.shape_cast %swap3A_298 : vector<1x16xf32> to vector<16xf32>
    %swap3A_300 = vector.shape_cast %broadcast_in_dim3A_1 : vector<16xf32> to vector<1x16xf32>
    tpu.vector_store %arg9[%swap3A_296, %swap3A_297], %swap3A_300 {strides = array<i32>} : memref<8x128xf32, #tpu.memory_space<vmem>>, vector<1x16xf32>,
    %swap3A_301 = arith.constant 6 : i32
    %swap3A_302 = arith.index_cast %swap3A_301 : i32 to index
    %swap3A_303 = arith.constant 32 : index
    %swap3A_304 = tpu.vector_load %arg9[%swap3A_302, %swap3A_303] {strides = array<i32>} : memref<8x128xf32, #tpu.memory_space<vmem>>, vector<1x16xf32>,
    %swap3A_305 = vector.shape_cast %swap3A_304 : vector<1x16xf32> to vector<16xf32>
    %swap3A_306 = vector.shape_cast %broadcast_in_dim3A_1 : vector<16xf32> to vector<1x16xf32>
    tpu.vector_store %arg9[%swap3A_302, %swap3A_303], %swap3A_306 {strides = array<i32>} : memref<8x128xf32, #tpu.memory_space<vmem>>, vector<1x16xf32>,
    %swap3A_307 = arith.constant 6 : i32
    %swap3A_308 = arith.index_cast %swap3A_307 : i32 to index
    %swap3A_309 = arith.constant 48 : index
    %swap3A_310 = tpu.vector_load %arg9[%swap3A_308, %swap3A_309] {strides = array<i32>} : memref<8x128xf32, #tpu.memory_space<vmem>>, vector<1x16xf32>,
    %swap3A_311 = vector.shape_cast %swap3A_310 : vector<1x16xf32> to vector<16xf32>
    %swap3A_312 = vector.shape_cast %broadcast_in_dim3A_1 : vector<16xf32> to vector<1x16xf32>
    tpu.vector_store %arg9[%swap3A_308, %swap3A_309], %swap3A_312 {strides = array<i32>} : memref<8x128xf32, #tpu.memory_space<vmem>>, vector<1x16xf32>,
    %swap3A_313 = arith.constant 6 : i32
    %swap3A_314 = arith.index_cast %swap3A_313 : i32 to index
    %swap3A_315 = arith.constant 64 : index
    %swap3A_316 = tpu.vector_load %arg9[%swap3A_314, %swap3A_315] {strides = array<i32>} : memref<8x128xf32, #tpu.memory_space<vmem>>, vector<1x16xf32>,
    %swap3A_317 = vector.shape_cast %swap3A_316 : vector<1x16xf32> to vector<16xf32>
    %swap3A_318 = vector.shape_cast %broadcast_in_dim3A_1 : vector<16xf32> to vector<1x16xf32>
    tpu.vector_store %arg9[%swap3A_314, %swap3A_315], %swap3A_318 {strides = array<i32>} : memref<8x128xf32, #tpu.memory_space<vmem>>, vector<1x16xf32>,
    %swap3A_319 = arith.constant 6 : i32
    %swap3A_320 = arith.index_cast %swap3A_319 : i32 to index
    %swap3A_321 = arith.constant 80 : index
    %swap3A_322 = tpu.vector_load %arg9[%swap3A_320, %swap3A_321] {strides = array<i32>} : memref<8x128xf32, #tpu.memory_space<vmem>>, vector<1x16xf32>,
    %swap3A_323 = vector.shape_cast %swap3A_322 : vector<1x16xf32> to vector<16xf32>
    %swap3A_324 = vector.shape_cast %broadcast_in_dim3A_1 : vector<16xf32> to vector<1x16xf32>
    tpu.vector_store %arg9[%swap3A_320, %swap3A_321], %swap3A_324 {strides = array<i32>} : memref<8x128xf32, #tpu.memory_space<vmem>>, vector<1x16xf32>,
    %swap3A_325 = arith.constant 6 : i32
    %swap3A_326 = arith.index_cast %swap3A_325 : i32 to index
    %swap3A_327 = arith.constant 96 : index
    %swap3A_328 = tpu.vector_load %arg9[%swap3A_326, %swap3A_327] {strides = array<i32>} : memref<8x128xf32, #tpu.memory_space<vmem>>, vector<1x16xf32>,
    %swap3A_329 = vector.shape_cast %swap3A_328 : vector<1x16xf32> to vector<16xf32>
    %swap3A_330 = vector.shape_cast %broadcast_in_dim3A_1 : vector<16xf32> to vector<1x16xf32>
    tpu.vector_store %arg9[%swap3A_326, %swap3A_327], %swap3A_330 {strides = array<i32>} : memref<8x128xf32, #tpu.memory_space<vmem>>, vector<1x16xf32>,
    %swap3A_331 = arith.constant 6 : i32
    %swap3A_332 = arith.index_cast %swap3A_331 : i32 to index
    %swap3A_333 = arith.constant 112 : index
    %swap3A_334 = tpu.vector_load %arg9[%swap3A_332, %swap3A_333] {strides = array<i32>} : memref<8x128xf32, #tpu.memory_space<vmem>>, vector<1x16xf32>,
    %swap3A_335 = vector.shape_cast %swap3A_334 : vector<1x16xf32> to vector<16xf32>
    %swap3A_336 = vector.shape_cast %broadcast_in_dim3A_1 : vector<16xf32> to vector<1x16xf32>
    tpu.vector_store %arg9[%swap3A_332, %swap3A_333], %swap3A_336 {strides = array<i32>} : memref<8x128xf32, #tpu.memory_space<vmem>>, vector<1x16xf32>,
    %swap3A_337 = arith.constant 7 : i32
    %swap3A_338 = arith.index_cast %swap3A_337 : i32 to index
    %swap3A_339 = arith.constant 0 : index
    %swap3A_340 = tpu.vector_load %arg9[%swap3A_338, %swap3A_339] {strides = array<i32>} : memref<8x128xf32, #tpu.memory_space<vmem>>, vector<1x16xf32>,
    %swap3A_341 = vector.shape_cast %swap3A_340 : vector<1x16xf32> to vector<16xf32>
    %swap3A_342 = vector.shape_cast %broadcast_in_dim3A_1 : vector<16xf32> to vector<1x16xf32>
    tpu.vector_store %arg9[%swap3A_338, %swap3A_339], %swap3A_342 {strides = array<i32>} : memref<8x128xf32, #tpu.memory_space<vmem>>, vector<1x16xf32>,
    %swap3A_343 = arith.constant 7 : i32
    %swap3A_344 = arith.index_cast %swap3A_343 : i32 to index
    %swap3A_345 = arith.constant 16 : index
    %swap3A_346 = tpu.vector_load %arg9[%swap3A_344, %swap3A_345] {strides = array<i32>} : memref<8x128xf32, #tpu.memory_space<vmem>>, vector<1x16xf32>,
    %swap3A_347 = vector.shape_cast %swap3A_346 : vector<1x16xf32> to vector<16xf32>
    %swap3A_348 = vector.shape_cast %broadcast_in_dim3A_1 : vector<16xf32> to vector<1x16xf32>
    tpu.vector_store %arg9[%swap3A_344, %swap3A_345], %swap3A_348 {strides = array<i32>} : memref<8x128xf32, #tpu.memory_space<vmem>>, vector<1x16xf32>,
    %swap3A_349 = arith.constant 7 : i32
    %swap3A_350 = arith.index_cast %swap3A_349 : i32 to index
    %swap3A_351 = arith.constant 32 : index
    %swap3A_352 = tpu.vector_load %arg9[%swap3A_350, %swap3A_351] {strides = array<i32>} : memref<8x128xf32, #tpu.memory_space<vmem>>, vector<1x16xf32>,
    %swap3A_353 = vector.shape_cast %swap3A_352 : vector<1x16xf32> to vector<16xf32>
    %swap3A_354 = vector.shape_cast %broadcast_in_dim3A_1 : vector<16xf32> to vector<1x16xf32>
    tpu.vector_store %arg9[%swap3A_350, %swap3A_351], %swap3A_354 {strides = array<i32>} : memref<8x128xf32, #tpu.memory_space<vmem>>, vector<1x16xf32>,
    %swap3A_355 = arith.constant 7 : i32
    %swap3A_356 = arith.index_cast %swap3A_355 : i32 to index
    %swap3A_357 = arith.constant 48 : index
    %swap3A_358 = tpu.vector_load %arg9[%swap3A_356, %swap3A_357] {strides = array<i32>} : memref<8x128xf32, #tpu.memory_space<vmem>>, vector<1x16xf32>,
    %swap3A_359 = vector.shape_cast %swap3A_358 : vector<1x16xf32> to vector<16xf32>
    %swap3A_360 = vector.shape_cast %broadcast_in_dim3A_1 : vector<16xf32> to vector<1x16xf32>
    tpu.vector_store %arg9[%swap3A_356, %swap3A_357], %swap3A_360 {strides = array<i32>} : memref<8x128xf32, #tpu.memory_space<vmem>>, vector<1x16xf32>,
    %swap3A_361 = arith.constant 7 : i32
    %swap3A_362 = arith.index_cast %swap3A_361 : i32 to index
    %swap3A_363 = arith.constant 64 : index
    %swap3A_364 = tpu.vector_load %arg9[%swap3A_362, %swap3A_363] {strides = array<i32>} : memref<8x128xf32, #tpu.memory_space<vmem>>, vector<1x16xf32>,
    %swap3A_365 = vector.shape_cast %swap3A_364 : vector<1x16xf32> to vector<16xf32>
    %swap3A_366 = vector.shape_cast %broadcast_in_dim3A_1 : vector<16xf32> to vector<1x16xf32>
    tpu.vector_store %arg9[%swap3A_362, %swap3A_363], %swap3A_366 {strides = array<i32>} : memref<8x128xf32, #tpu.memory_space<vmem>>, vector<1x16xf32>,
    %swap3A_367 = arith.constant 7 : i32
    %swap3A_368 = arith.index_cast %swap3A_367 : i32 to index
    %swap3A_369 = arith.constant 80 : index
    %swap3A_370 = tpu.vector_load %arg9[%swap3A_368, %swap3A_369] {strides = array<i32>} : memref<8x128xf32, #tpu.memory_space<vmem>>, vector<1x16xf32>,
    %swap3A_371 = vector.shape_cast %swap3A_370 : vector<1x16xf32> to vector<16xf32>
    %swap3A_372 = vector.shape_cast %broadcast_in_dim3A_1 : vector<16xf32> to vector<1x16xf32>
    tpu.vector_store %arg9[%swap3A_368, %swap3A_369], %swap3A_372 {strides = array<i32>} : memref<8x128xf32, #tpu.memory_space<vmem>>, vector<1x16xf32>,
    %swap3A_373 = arith.constant 7 : i32
    %swap3A_374 = arith.index_cast %swap3A_373 : i32 to index
    %swap3A_375 = arith.constant 96 : index
    %swap3A_376 = tpu.vector_load %arg9[%swap3A_374, %swap3A_375] {strides = array<i32>} : memref<8x128xf32, #tpu.memory_space<vmem>>, vector<1x16xf32>,
    %swap3A_377 = vector.shape_cast %swap3A_376 : vector<1x16xf32> to vector<16xf32>
    %swap3A_378 = vector.shape_cast %broadcast_in_dim3A_1 : vector<16xf32> to vector<1x16xf32>
    tpu.vector_store %arg9[%swap3A_374, %swap3A_375], %swap3A_378 {strides = array<i32>} : memref<8x128xf32, #tpu.memory_space<vmem>>, vector<1x16xf32>,
    %swap3A_379 = arith.constant 7 : i32
    %swap3A_380 = arith.index_cast %swap3A_379 : i32 to index
    %swap3A_381 = arith.constant 112 : index
    %swap3A_382 = tpu.vector_load %arg9[%swap3A_380, %swap3A_381] {strides = array<i32>} : memref<8x128xf32, #tpu.memory_space<vmem>>, vector<1x16xf32>,
    %swap3A_383 = vector.shape_cast %swap3A_382 : vector<1x16xf32> to vector<16xf32>
    %swap3A_384 = vector.shape_cast %broadcast_in_dim3A_1 : vector<16xf32> to vector<1x16xf32>
    tpu.vector_store %arg9[%swap3A_380, %swap3A_381], %swap3A_384 {strides = array<i32>} : memref<8x128xf32, #tpu.memory_space<vmem>>, vector<1x16xf32>,
    %scan3A = arith.constant 0 : i32
    %scan3A_385 = arith.constant 0 : i32
    %scan3A_386 = arith.constant 80 : i32
    %scan3A_387 = arith.addi %scan3A_385, %scan3A_386 : i32
    %scan3A_388 = arith.constant 1 : i32
    scf.for %scan3A_401 = %scan3A_385 to %scan3A_387 step %scan3A_388  : i32 {
      %mul3A_402 = arith.constant 640 : i32
      %mul3A_403 = arith.muli %arg1, %mul3A_402 : i32
      %mul3A_404 = arith.constant 8 : i32
      %mul3A_405 = arith.muli %scan3A_401, %mul3A_404 : i32
      %add3A_406 = arith.addi %mul3A_403, %mul3A_405 : i32
      "tpu.region"() ({
        %run_scoped3A = tpu.sem_alloc : memref<!tpu.dma_semaphore, #tpu.memory_space<semaphore_mem>>
        %dma_start3A = arith.constant 0 : i32
        %dma_start3A_407 = tpu.memref_slice %arg10[%add3A_406, %dma_start3A] : memref<10240x128xf32, #tpu.memory_space<vmem_shared>> -> memref<8x128xf32, #tpu.memory_space<vmem_shared>>
        %dma_start3A_408 = arith.constant 0 : i32
        %dma_start3A_409 = tpu.memref_slice %arg10[%add3A_406, %dma_start3A_408] : memref<10240x128xf32, #tpu.memory_space<vmem_shared>> -> memref<8x128xf32, #tpu.memory_space<vmem_shared>>
        tpu.enqueue_dma source(%arg9 : memref<8x128xf32, #tpu.memory_space<vmem>>) target(%dma_start3A_409 : memref<8x128xf32, #tpu.memory_space<vmem_shared>>) target_semaphore(%run_scoped3A : memref<!tpu.dma_semaphore, #tpu.memory_space<semaphore_mem>>)
        %dma_wait3A = arith.constant 0 : i32
        %dma_wait3A_410 = tpu.memref_slice %arg10[%add3A_406, %dma_wait3A] : memref<10240x128xf32, #tpu.memory_space<vmem_shared>> -> memref<8x128xf32, #tpu.memory_space<vmem_shared>>
        %dma_wait3A_411 = arith.constant 0 : i32
        %dma_wait3A_412 = tpu.memref_slice %arg10[%add3A_406, %dma_wait3A_411] : memref<10240x128xf32, #tpu.memory_space<vmem_shared>> -> memref<8x128xf32, #tpu.memory_space<vmem_shared>>
        tpu.wait_dma2 semaphore(%run_scoped3A : memref<!tpu.dma_semaphore, #tpu.memory_space<semaphore_mem>>) src(%arg9 : memref<8x128xf32, #tpu.memory_space<vmem>>) dst(%dma_wait3A_412 : memref<8x128xf32, #tpu.memory_space<vmem_shared>>)
        tpu.yield
      }) : () -> ()
    }
    %scan3A_389 = arith.constant 80 : i32
    %barrier3A = arith.constant 0 : index
    tpu.barrier barrier_id(%barrier3A)
    %scan3A_390 = arith.constant 0 : i32
    %scan3A_391 = arith.constant 0 : i32
    %scan3A_392 = arith.constant 40 : i32
    %scan3A_393 = arith.addi %scan3A_391, %scan3A_392 : i32
    %scan3A_394 = arith.constant 1 : i32
    scf.for %scan3A_401 = %scan3A_391 to %scan3A_393 step %scan3A_394  : i32 {
      %mul3A_402 = arith.constant 80 : i32
      %mul3A_403 = arith.muli %add3A, %mul3A_402 : i32
      %mul3A_404 = arith.constant 2 : i32
      %mul3A_405 = arith.muli %scan3A_401, %mul3A_404 : i32
      %add3A_406 = arith.addi %mul3A_403, %mul3A_405 : i32
      "tpu.region"() ({
        %run_scoped3A_456 = tpu.sem_alloc : memref<!tpu.dma_semaphore, #tpu.memory_space<semaphore_mem>>
        %dma_start3A_457 = arith.constant 0 : i32
        %dma_start3A_458 = tpu.memref_slice %arg3[%add3A_406, %dma_start3A_457] : memref<2560x128xi32, #tpu.memory_space<hbm>> -> memref<2x128xi32, #tpu.memory_space<hbm>>
        %dma_start3A_459 = arith.constant 0 : i32
        %dma_start3A_460 = tpu.memref_slice %arg3[%add3A_406, %dma_start3A_459] : memref<2560x128xi32, #tpu.memory_space<hbm>> -> memref<2x128xi32, #tpu.memory_space<hbm>>
        tpu.enqueue_dma source(%dma_start3A_460 : memref<2x128xi32, #tpu.memory_space<hbm>>) target(%arg6 : memref<2x128xi32, #tpu.memory_space<vmem>>) target_semaphore(%run_scoped3A_456 : memref<!tpu.dma_semaphore, #tpu.memory_space<semaphore_mem>>)
        %dma_wait3A_461 = arith.constant 0 : i32
        %dma_wait3A_462 = tpu.memref_slice %arg3[%add3A_406, %dma_wait3A_461] : memref<2560x128xi32, #tpu.memory_space<hbm>> -> memref<2x128xi32, #tpu.memory_space<hbm>>
        %dma_wait3A_463 = arith.constant 0 : i32
        %dma_wait3A_464 = tpu.memref_slice %arg3[%add3A_406, %dma_wait3A_463] : memref<2560x128xi32, #tpu.memory_space<hbm>> -> memref<2x128xi32, #tpu.memory_space<hbm>>
        tpu.wait_dma2 semaphore(%run_scoped3A_456 : memref<!tpu.dma_semaphore, #tpu.memory_space<semaphore_mem>>) src(%dma_wait3A_464 : memref<2x128xi32, #tpu.memory_space<hbm>>) dst(%arg6 : memref<2x128xi32, #tpu.memory_space<vmem>>)
        tpu.yield
      }) : () -> ()
      "tpu.region"() ({
        %run_scoped3A_456 = tpu.sem_alloc : memref<!tpu.dma_semaphore, #tpu.memory_space<semaphore_mem>>
        %dma_start3A_457 = arith.constant 0 : i32
        %dma_start3A_458 = tpu.memref_slice %arg4[%add3A_406, %dma_start3A_457] : memref<2560x128xi32, #tpu.memory_space<hbm>> -> memref<2x128xi32, #tpu.memory_space<hbm>>
        %dma_start3A_459 = arith.constant 0 : i32
        %dma_start3A_460 = tpu.memref_slice %arg4[%add3A_406, %dma_start3A_459] : memref<2560x128xi32, #tpu.memory_space<hbm>> -> memref<2x128xi32, #tpu.memory_space<hbm>>
        tpu.enqueue_dma source(%dma_start3A_460 : memref<2x128xi32, #tpu.memory_space<hbm>>) target(%arg7 : memref<2x128xi32, #tpu.memory_space<vmem>>) target_semaphore(%run_scoped3A_456 : memref<!tpu.dma_semaphore, #tpu.memory_space<semaphore_mem>>)
        %dma_wait3A_461 = arith.constant 0 : i32
        %dma_wait3A_462 = tpu.memref_slice %arg4[%add3A_406, %dma_wait3A_461] : memref<2560x128xi32, #tpu.memory_space<hbm>> -> memref<2x128xi32, #tpu.memory_space<hbm>>
        %dma_wait3A_463 = arith.constant 0 : i32
        %dma_wait3A_464 = tpu.memref_slice %arg4[%add3A_406, %dma_wait3A_463] : memref<2560x128xi32, #tpu.memory_space<hbm>> -> memref<2x128xi32, #tpu.memory_space<hbm>>
        tpu.wait_dma2 semaphore(%run_scoped3A_456 : memref<!tpu.dma_semaphore, #tpu.memory_space<semaphore_mem>>) src(%dma_wait3A_464 : memref<2x128xi32, #tpu.memory_space<hbm>>) dst(%arg7 : memref<2x128xi32, #tpu.memory_space<vmem>>)
        tpu.yield
      }) : () -> ()
      %dma_start3A = arith.constant 0 : i32
      %dma_start3A_407 = arith.constant 0 : i32
      %dma_start3A_408 = arith.constant 0 : i32
      %dma_start3A_409 = arith.constant 0 : i32
      %dma_start3A_410 = tpu.memref_slice %arg8[%dma_start3A_407, %dma_start3A_408, %dma_start3A_409] : memref<2x128x128xf32, #tpu.memory_space<vmem>> -> memref<1x128x128xf32, #tpu.memory_space<vmem>>
      %dma_start3A_411 = tpu.memref_squeeze %dma_start3A_410 : memref<1x128x128xf32, #tpu.memory_space<vmem>> -> memref<128x128xf32, #tpu.memory_space<vmem>>
      %dma_start3A_412 = arith.constant 0 : i32
      %dma_start3A_413 = tpu.memref_slice %arg6[%dma_start3A, %dma_start3A_412] : memref<2x128xi32, #tpu.memory_space<vmem>> -> memref<1x128xi32, #tpu.memory_space<vmem>>
      %dma_start3A_414 = tpu.memref_squeeze %dma_start3A_413 : memref<1x128xi32, #tpu.memory_space<vmem>> -> memref<128xi32, #tpu.memory_space<vmem>>
      %dma_start3A_415 = arith.constant 0 : i32
      %dma_start3A_416 = arith.constant 0 : i32
      %dma_start3A_417 = tpu.memref_slice %arg2[%dma_start3A_415, %dma_start3A_416] : memref<10000x128xf32, #tpu.memory_space<hbm>> -> memref<10000x128xf32, #tpu.memory_space<hbm>>
      tpu.enqueue_indirect_dma source(%dma_start3A_417 : memref<10000x128xf32, #tpu.memory_space<hbm>>) target(%dma_start3A_411 : memref<128x128xf32, #tpu.memory_space<vmem>>) offsets(%dma_start3A_414 : memref<128xi32, #tpu.memory_space<vmem>>) semaphore(%arg11 : memref<!tpu.dma_semaphore, #tpu.memory_space<semaphore_mem>>)
      %dma_start3A_418 = arith.constant 1 : i32
      %dma_start3A_419 = arith.constant 1 : i32
      %dma_start3A_420 = arith.constant 0 : i32
      %dma_start3A_421 = arith.constant 0 : i32
      %dma_start3A_422 = tpu.memref_slice %arg8[%dma_start3A_419, %dma_start3A_420, %dma_start3A_421] : memref<2x128x128xf32, #tpu.memory_space<vmem>> -> memref<1x128x128xf32, #tpu.memory_space<vmem>>
      %dma_start3A_423 = tpu.memref_squeeze %dma_start3A_422 : memref<1x128x128xf32, #tpu.memory_space<vmem>> -> memref<128x128xf32, #tpu.memory_space<vmem>>
      %dma_start3A_424 = arith.constant 0 : i32
      %dma_start3A_425 = tpu.memref_slice %arg6[%dma_start3A_418, %dma_start3A_424] : memref<2x128xi32, #tpu.memory_space<vmem>> -> memref<1x128xi32, #tpu.memory_space<vmem>>
      %dma_start3A_426 = tpu.memref_squeeze %dma_start3A_425 : memref<1x128xi32, #tpu.memory_space<vmem>> -> memref<128xi32, #tpu.memory_space<vmem>>
      %dma_start3A_427 = arith.constant 0 : i32
      %dma_start3A_428 = arith.constant 0 : i32
      %dma_start3A_429 = tpu.memref_slice %arg2[%dma_start3A_427, %dma_start3A_428] : memref<10000x128xf32, #tpu.memory_space<hbm>> -> memref<10000x128xf32, #tpu.memory_space<hbm>>
      tpu.enqueue_indirect_dma source(%dma_start3A_429 : memref<10000x128xf32, #tpu.memory_space<hbm>>) target(%dma_start3A_423 : memref<128x128xf32, #tpu.memory_space<vmem>>) offsets(%dma_start3A_426 : memref<128xi32, #tpu.memory_space<vmem>>) semaphore(%arg11 : memref<!tpu.dma_semaphore, #tpu.memory_space<semaphore_mem>>)
      %dma_wait3A = arith.constant 0 : i32
      %dma_wait3A_430 = arith.constant 0 : i32
      %dma_wait3A_431 = arith.constant 0 : i32
      %dma_wait3A_432 = arith.constant 0 : i32
      %dma_wait3A_433 = tpu.memref_slice %arg8[%dma_wait3A_430, %dma_wait3A_431, %dma_wait3A_432] : memref<2x128x128xf32, #tpu.memory_space<vmem>> -> memref<1x128x128xf32, #tpu.memory_space<vmem>>
      %dma_wait3A_434 = tpu.memref_squeeze %dma_wait3A_433 : memref<1x128x128xf32, #tpu.memory_space<vmem>> -> memref<128x128xf32, #tpu.memory_space<vmem>>
      %dma_wait3A_435 = arith.constant 0 : i32
      %dma_wait3A_436 = tpu.memref_slice %arg6[%dma_wait3A, %dma_wait3A_435] : memref<2x128xi32, #tpu.memory_space<vmem>> -> memref<1x128xi32, #tpu.memory_space<vmem>>
      %dma_wait3A_437 = tpu.memref_squeeze %dma_wait3A_436 : memref<1x128xi32, #tpu.memory_space<vmem>> -> memref<128xi32, #tpu.memory_space<vmem>>
      %dma_wait3A_438 = arith.constant 0 : i32
      %dma_wait3A_439 = arith.constant 0 : i32
      %dma_wait3A_440 = tpu.memref_slice %arg2[%dma_wait3A_438, %dma_wait3A_439] : memref<10000x128xf32, #tpu.memory_space<hbm>> -> memref<10000x128xf32, #tpu.memory_space<hbm>>
      tpu.wait_indirect_dma semaphore(%arg11 : memref<!tpu.dma_semaphore, #tpu.memory_space<semaphore_mem>>) src(%dma_wait3A_440 : memref<10000x128xf32, #tpu.memory_space<hbm>>) dst(%dma_wait3A_434 : memref<128x128xf32, #tpu.memory_space<vmem>>)
      %dma_wait3A_441 = arith.constant 1 : i32
      %dma_wait3A_442 = arith.constant 1 : i32
      %dma_wait3A_443 = arith.constant 0 : i32
      %dma_wait3A_444 = arith.constant 0 : i32
      %dma_wait3A_445 = tpu.memref_slice %arg8[%dma_wait3A_442, %dma_wait3A_443, %dma_wait3A_444] : memref<2x128x128xf32, #tpu.memory_space<vmem>> -> memref<1x128x128xf32, #tpu.memory_space<vmem>>
      %dma_wait3A_446 = tpu.memref_squeeze %dma_wait3A_445 : memref<1x128x128xf32, #tpu.memory_space<vmem>> -> memref<128x128xf32, #tpu.memory_space<vmem>>
      %dma_wait3A_447 = arith.constant 0 : i32
      %dma_wait3A_448 = tpu.memref_slice %arg6[%dma_wait3A_441, %dma_wait3A_447] : memref<2x128xi32, #tpu.memory_space<vmem>> -> memref<1x128xi32, #tpu.memory_space<vmem>>
      %dma_wait3A_449 = tpu.memref_squeeze %dma_wait3A_448 : memref<1x128xi32, #tpu.memory_space<vmem>> -> memref<128xi32, #tpu.memory_space<vmem>>
      %dma_wait3A_450 = arith.constant 0 : i32
      %dma_wait3A_451 = arith.constant 0 : i32
      %dma_wait3A_452 = tpu.memref_slice %arg2[%dma_wait3A_450, %dma_wait3A_451] : memref<10000x128xf32, #tpu.memory_space<hbm>> -> memref<10000x128xf32, #tpu.memory_space<hbm>>
      tpu.wait_indirect_dma semaphore(%arg11 : memref<!tpu.dma_semaphore, #tpu.memory_space<semaphore_mem>>) src(%dma_wait3A_452 : memref<10000x128xf32, #tpu.memory_space<hbm>>) dst(%dma_wait3A_446 : memref<128x128xf32, #tpu.memory_space<vmem>>)
      %run_scoped3A = arith.constant 0 : i32
      %run_scoped3A_453 = arith.constant 0 : i32
      "tpu.region"() ({
        %run_scoped3A_456 = tpu.sem_alloc : memref<!tpu.dma_semaphore, #tpu.memory_space<semaphore_mem>>
        %dma_start3A_457 = arith.constant 0 : i32
        %dma_start3A_458 = arith.constant 0 : i32
        %dma_start3A_459 = tpu.memref_slice %arg8[%run_scoped3A, %dma_start3A_457, %dma_start3A_458] : memref<2x128x128xf32, #tpu.memory_space<vmem>> -> memref<1x128x128xf32, #tpu.memory_space<vmem>>
        %dma_start3A_460 = tpu.memref_squeeze %dma_start3A_459 : memref<1x128x128xf32, #tpu.memory_space<vmem>> -> memref<128x128xf32, #tpu.memory_space<vmem>>
        %dma_start3A_461 = arith.constant 0 : i32
        %dma_start3A_462 = tpu.memref_slice %arg7[%run_scoped3A_453, %dma_start3A_461] : memref<2x128xi32, #tpu.memory_space<vmem>> -> memref<1x128xi32, #tpu.memory_space<vmem>>
        %dma_start3A_463 = tpu.memref_squeeze %dma_start3A_462 : memref<1x128xi32, #tpu.memory_space<vmem>> -> memref<128xi32, #tpu.memory_space<vmem>>
        %dma_start3A_464 = arith.constant 0 : i32
        %dma_start3A_465 = arith.constant 0 : i32
        %dma_start3A_466 = tpu.memref_slice %arg10[%dma_start3A_464, %dma_start3A_465] : memref<10240x128xf32, #tpu.memory_space<vmem_shared>> -> memref<10240x128xf32, #tpu.memory_space<vmem_shared>>
        tpu.enqueue_indirect_dma source(%dma_start3A_460 : memref<128x128xf32, #tpu.memory_space<vmem>>) target(%dma_start3A_466 : memref<10240x128xf32, #tpu.memory_space<vmem_shared>>) offsets(%dma_start3A_463 : memref<128xi32, #tpu.memory_space<vmem>>) semaphore(%run_scoped3A_456 : memref<!tpu.dma_semaphore, #tpu.memory_space<semaphore_mem>>) {add = true}
        %dma_wait3A_467 = arith.constant 0 : i32
        %dma_wait3A_468 = arith.constant 0 : i32
        %dma_wait3A_469 = tpu.memref_slice %arg8[%run_scoped3A, %dma_wait3A_467, %dma_wait3A_468] : memref<2x128x128xf32, #tpu.memory_space<vmem>> -> memref<1x128x128xf32, #tpu.memory_space<vmem>>
        %dma_wait3A_470 = tpu.memref_squeeze %dma_wait3A_469 : memref<1x128x128xf32, #tpu.memory_space<vmem>> -> memref<128x128xf32, #tpu.memory_space<vmem>>
        %dma_wait3A_471 = arith.constant 0 : i32
        %dma_wait3A_472 = tpu.memref_slice %arg7[%run_scoped3A_453, %dma_wait3A_471] : memref<2x128xi32, #tpu.memory_space<vmem>> -> memref<1x128xi32, #tpu.memory_space<vmem>>
        %dma_wait3A_473 = tpu.memref_squeeze %dma_wait3A_472 : memref<1x128xi32, #tpu.memory_space<vmem>> -> memref<128xi32, #tpu.memory_space<vmem>>
        %dma_wait3A_474 = arith.constant 0 : i32
        %dma_wait3A_475 = arith.constant 0 : i32
        %dma_wait3A_476 = tpu.memref_slice %arg10[%dma_wait3A_474, %dma_wait3A_475] : memref<10240x128xf32, #tpu.memory_space<vmem_shared>> -> memref<10240x128xf32, #tpu.memory_space<vmem_shared>>
        tpu.wait_indirect_dma semaphore(%run_scoped3A_456 : memref<!tpu.dma_semaphore, #tpu.memory_space<semaphore_mem>>) src(%dma_wait3A_470 : memref<128x128xf32, #tpu.memory_space<vmem>>) dst(%dma_wait3A_476 : memref<10240x128xf32, #tpu.memory_space<vmem_shared>>)
        tpu.yield
      }) : () -> ()
      %run_scoped3A_454 = arith.constant 1 : i32
      %run_scoped3A_455 = arith.constant 1 : i32
      "tpu.region"() ({
        %run_scoped3A_456 = tpu.sem_alloc : memref<!tpu.dma_semaphore, #tpu.memory_space<semaphore_mem>>
        %dma_start3A_457 = arith.constant 0 : i32
        %dma_start3A_458 = arith.constant 0 : i32
        %dma_start3A_459 = tpu.memref_slice %arg8[%run_scoped3A_454, %dma_start3A_457, %dma_start3A_458] : memref<2x128x128xf32, #tpu.memory_space<vmem>> -> memref<1x128x128xf32, #tpu.memory_space<vmem>>
        %dma_start3A_460 = tpu.memref_squeeze %dma_start3A_459 : memref<1x128x128xf32, #tpu.memory_space<vmem>> -> memref<128x128xf32, #tpu.memory_space<vmem>>
        %dma_start3A_461 = arith.constant 0 : i32
        %dma_start3A_462 = tpu.memref_slice %arg7[%run_scoped3A_455, %dma_start3A_461] : memref<2x128xi32, #tpu.memory_space<vmem>> -> memref<1x128xi32, #tpu.memory_space<vmem>>
        %dma_start3A_463 = tpu.memref_squeeze %dma_start3A_462 : memref<1x128xi32, #tpu.memory_space<vmem>> -> memref<128xi32, #tpu.memory_space<vmem>>
        %dma_start3A_464 = arith.constant 0 : i32
        %dma_start3A_465 = arith.constant 0 : i32
        %dma_start3A_466 = tpu.memref_slice %arg10[%dma_start3A_464, %dma_start3A_465] : memref<10240x128xf32, #tpu.memory_space<vmem_shared>> -> memref<10240x128xf32, #tpu.memory_space<vmem_shared>>
        tpu.enqueue_indirect_dma source(%dma_start3A_460 : memref<128x128xf32, #tpu.memory_space<vmem>>) target(%dma_start3A_466 : memref<10240x128xf32, #tpu.memory_space<vmem_shared>>) offsets(%dma_start3A_463 : memref<128xi32, #tpu.memory_space<vmem>>) semaphore(%run_scoped3A_456 : memref<!tpu.dma_semaphore, #tpu.memory_space<semaphore_mem>>) {add = true}
        %dma_wait3A_467 = arith.constant 0 : i32
        %dma_wait3A_468 = arith.constant 0 : i32
        %dma_wait3A_469 = tpu.memref_slice %arg8[%run_scoped3A_454, %dma_wait3A_467, %dma_wait3A_468] : memref<2x128x128xf32, #tpu.memory_space<vmem>> -> memref<1x128x128xf32, #tpu.memory_space<vmem>>
        %dma_wait3A_470 = tpu.memref_squeeze %dma_wait3A_469 : memref<1x128x128xf32, #tpu.memory_space<vmem>> -> memref<128x128xf32, #tpu.memory_space<vmem>>
        %dma_wait3A_471 = arith.constant 0 : i32
        %dma_wait3A_472 = tpu.memref_slice %arg7[%run_scoped3A_455, %dma_wait3A_471] : memref<2x128xi32, #tpu.memory_space<vmem>> -> memref<1x128xi32, #tpu.memory_space<vmem>>
        %dma_wait3A_473 = tpu.memref_squeeze %dma_wait3A_472 : memref<1x128xi32, #tpu.memory_space<vmem>> -> memref<128xi32, #tpu.memory_space<vmem>>
        %dma_wait3A_474 = arith.constant 0 : i32
        %dma_wait3A_475 = arith.constant 0 : i32
        %dma_wait3A_476 = tpu.memref_slice %arg10[%dma_wait3A_474, %dma_wait3A_475] : memref<10240x128xf32, #tpu.memory_space<vmem_shared>> -> memref<10240x128xf32, #tpu.memory_space<vmem_shared>>
        tpu.wait_indirect_dma semaphore(%run_scoped3A_456 : memref<!tpu.dma_semaphore, #tpu.memory_space<semaphore_mem>>) src(%dma_wait3A_470 : memref<128x128xf32, #tpu.memory_space<vmem>>) dst(%dma_wait3A_476 : memref<10240x128xf32, #tpu.memory_space<vmem_shared>>)
        tpu.yield
      }) : () -> ()
    }
    %scan3A_395 = arith.constant 40 : i32
    %barrier3A_396 = arith.constant 0 : index
    tpu.barrier barrier_id(%barrier3A_396)
    %mul3A_397 = arith.constant 640 : i32
    %mul3A_398 = arith.muli %arg1, %mul3A_397 : i32
    %mul3A_399 = arith.constant 640 : i32
    %mul3A_400 = arith.muli %arg1, %mul3A_399 : i32
    "tpu.region"() ({
      %run_scoped3A = tpu.sem_alloc : memref<!tpu.dma_semaphore, #tpu.memory_space<semaphore_mem>>
      %dma_start3A = arith.constant 0 : i32
      %dma_start3A_401 = tpu.memref_slice %arg5[%arg0, %mul3A_400, %dma_start3A] : memref<2x10240x128xf32, #tpu.memory_space<hbm>> -> memref<1x640x128xf32, #tpu.memory_space<hbm>>
      %dma_start3A_402 = tpu.memref_squeeze %dma_start3A_401 : memref<1x640x128xf32, #tpu.memory_space<hbm>> -> memref<640x128xf32, #tpu.memory_space<hbm>>
      %dma_start3A_403 = arith.constant 0 : i32
      %dma_start3A_404 = tpu.memref_slice %arg10[%mul3A_398, %dma_start3A_403] : memref<10240x128xf32, #tpu.memory_space<vmem_shared>> -> memref<640x128xf32, #tpu.memory_space<vmem_shared>>
      tpu.enqueue_dma source(%dma_start3A_404 : memref<640x128xf32, #tpu.memory_space<vmem_shared>>) target(%dma_start3A_402 : memref<640x128xf32, #tpu.memory_space<hbm>>) target_semaphore(%run_scoped3A : memref<!tpu.dma_semaphore, #tpu.memory_space<semaphore_mem>>)
      %dma_wait3A = arith.constant 0 : i32
      %dma_wait3A_405 = tpu.memref_slice %arg5[%arg0, %mul3A_400, %dma_wait3A] : memref<2x10240x128xf32, #tpu.memory_space<hbm>> -> memref<1x640x128xf32, #tpu.memory_space<hbm>>
      %dma_wait3A_406 = tpu.memref_squeeze %dma_wait3A_405 : memref<1x640x128xf32, #tpu.memory_space<hbm>> -> memref<640x128xf32, #tpu.memory_space<hbm>>
      %dma_wait3A_407 = arith.constant 0 : i32
      %dma_wait3A_408 = tpu.memref_slice %arg10[%mul3A_398, %dma_wait3A_407] : memref<10240x128xf32, #tpu.memory_space<vmem_shared>> -> memref<640x128xf32, #tpu.memory_space<vmem_shared>>
      tpu.wait_dma2 semaphore(%run_scoped3A : memref<!tpu.dma_semaphore, #tpu.memory_space<semaphore_mem>>) src(%dma_wait3A_408 : memref<640x128xf32, #tpu.memory_space<vmem_shared>>) dst(%dma_wait3A_406 : memref<640x128xf32, #tpu.memory_space<hbm>>)
      tpu.yield
    }) : () -> ()
    return
  }
}

#map = affine_map<(d0, d1) -> (0, 0)>
#map1 = affine_map<(d0, d1) -> (0, 0, 0)>
module attributes {stable_mosaic.version = 14 : i64} {
  func.func @k(%arg0: i32, %arg1: i32, %arg2: memref<10000x128xf32, #tpu.memory_space<hbm>>, %arg3: memref<2560x128xi32, #tpu.memory_space<hbm>>, %arg4: memref<2560x128xi32, #tpu.memory_space<hbm>>, %arg5: memref<2x10240x128xf32, #tpu.memory_space<hbm>>, %arg6: memref<2x128xi32, #tpu.memory_space<vmem>>, %arg7: memref<2x128xi32, #tpu.memory_space<vmem>>, %arg8: memref<2x128x128xf32, #tpu.memory_space<vmem>>, %arg9: memref<8x128xf32, #tpu.memory_space<vmem>>, %arg10: memref<10240x128xf32, #tpu.memory_space<vmem_shared>>, %arg11: memref<!tpu.dma_semaphore, #tpu.memory_space<semaphore_mem>>) attributes {dimension_semantics = [#tpu.dimension_semantics<core_parallel>, #tpu.dimension_semantics<subcore_parallel>], iteration_bounds = array<i64: 2, 16>, scalar_prefetch = 0 : i64, scratch_operands = 6 : i64, tpu.core_type = #tpu.core_type<sc_vector_subcore>, window_params = [{transform_indices = #map}, {transform_indices = #map}, {transform_indices = #map}, {transform_indices = #map1}]} {
    %mul3A = arith.constant 16 : i32
    %mul3A_0 = arith.muli %arg0, %mul3A : i32
    %add3A = arith.addi %mul3A_0, %arg1 : i32
    %broadcast_in_dim3A = arith.constant 0.000000e+00 : f32
    %broadcast_in_dim3A_1 = vector.broadcast %broadcast_in_dim3A : f32 to vector<16xf32>
    %swap3A = arith.constant 0 : i32
    %swap3A_2 = arith.index_cast %swap3A : i32 to index
    %swap3A_3 = arith.constant 0 : index
    %swap3A_4 = tpu.vector_load %arg9[%swap3A_2, %swap3A_3] {strides = array<i32>} : memref<8x128xf32, #tpu.memory_space<vmem>>, vector<1x16xf32>,
    %swap3A_5 = vector.shape_cast %swap3A_4 : vector<1x16xf32> to vector<16xf32>
    %swap3A_6 = vector.shape_cast %broadcast_in_dim3A_1 : vector<16xf32> to vector<1x16xf32>
    tpu.vector_store %arg9[%swap3A_2, %swap3A_3], %swap3A_6 {strides = array<i32>} : memref<8x128xf32, #tpu.memory_space<vmem>>, vector<1x16xf32>,
    %swap3A_7 = arith.constant 0 : i32
    %swap3A_8 = arith.index_cast %swap3A_7 : i32 to index
    %swap3A_9 = arith.constant 16 : index
    %swap3A_10 = tpu.vector_load %arg9[%swap3A_8, %swap3A_9] {strides = array<i32>} : memref<8x128xf32, #tpu.memory_space<vmem>>, vector<1x16xf32>,
    %swap3A_11 = vector.shape_cast %swap3A_10 : vector<1x16xf32> to vector<16xf32>
    %swap3A_12 = vector.shape_cast %broadcast_in_dim3A_1 : vector<16xf32> to vector<1x16xf32>
    tpu.vector_store %arg9[%swap3A_8, %swap3A_9], %swap3A_12 {strides = array<i32>} : memref<8x128xf32, #tpu.memory_space<vmem>>, vector<1x16xf32>,
    %swap3A_13 = arith.constant 0 : i32
    %swap3A_14 = arith.index_cast %swap3A_13 : i32 to index
    %swap3A_15 = arith.constant 32 : index
    %swap3A_16 = tpu.vector_load %arg9[%swap3A_14, %swap3A_15] {strides = array<i32>} : memref<8x128xf32, #tpu.memory_space<vmem>>, vector<1x16xf32>,
    %swap3A_17 = vector.shape_cast %swap3A_16 : vector<1x16xf32> to vector<16xf32>
    %swap3A_18 = vector.shape_cast %broadcast_in_dim3A_1 : vector<16xf32> to vector<1x16xf32>
    tpu.vector_store %arg9[%swap3A_14, %swap3A_15], %swap3A_18 {strides = array<i32>} : memref<8x128xf32, #tpu.memory_space<vmem>>, vector<1x16xf32>,
    %swap3A_19 = arith.constant 0 : i32
    %swap3A_20 = arith.index_cast %swap3A_19 : i32 to index
    %swap3A_21 = arith.constant 48 : index
    %swap3A_22 = tpu.vector_load %arg9[%swap3A_20, %swap3A_21] {strides = array<i32>} : memref<8x128xf32, #tpu.memory_space<vmem>>, vector<1x16xf32>,
    %swap3A_23 = vector.shape_cast %swap3A_22 : vector<1x16xf32> to vector<16xf32>
    %swap3A_24 = vector.shape_cast %broadcast_in_dim3A_1 : vector<16xf32> to vector<1x16xf32>
    tpu.vector_store %arg9[%swap3A_20, %swap3A_21], %swap3A_24 {strides = array<i32>} : memref<8x128xf32, #tpu.memory_space<vmem>>, vector<1x16xf32>,
    %swap3A_25 = arith.constant 0 : i32
    %swap3A_26 = arith.index_cast %swap3A_25 : i32 to index
    %swap3A_27 = arith.constant 64 : index
    %swap3A_28 = tpu.vector_load %arg9[%swap3A_26, %swap3A_27] {strides = array<i32>} : memref<8x128xf32, #tpu.memory_space<vmem>>, vector<1x16xf32>,
    %swap3A_29 = vector.shape_cast %swap3A_28 : vector<1x16xf32> to vector<16xf32>
    %swap3A_30 = vector.shape_cast %broadcast_in_dim3A_1 : vector<16xf32> to vector<1x16xf32>
    tpu.vector_store %arg9[%swap3A_26, %swap3A_27], %swap3A_30 {strides = array<i32>} : memref<8x128xf32, #tpu.memory_space<vmem>>, vector<1x16xf32>,
    %swap3A_31 = arith.constant 0 : i32
    %swap3A_32 = arith.index_cast %swap3A_31 : i32 to index
    %swap3A_33 = arith.constant 80 : index
    %swap3A_34 = tpu.vector_load %arg9[%swap3A_32, %swap3A_33] {strides = array<i32>} : memref<8x128xf32, #tpu.memory_space<vmem>>, vector<1x16xf32>,
    %swap3A_35 = vector.shape_cast %swap3A_34 : vector<1x16xf32> to vector<16xf32>
    %swap3A_36 = vector.shape_cast %broadcast_in_dim3A_1 : vector<16xf32> to vector<1x16xf32>
    tpu.vector_store %arg9[%swap3A_32, %swap3A_33], %swap3A_36 {strides = array<i32>} : memref<8x128xf32, #tpu.memory_space<vmem>>, vector<1x16xf32>,
    %swap3A_37 = arith.constant 0 : i32
    %swap3A_38 = arith.index_cast %swap3A_37 : i32 to index
    %swap3A_39 = arith.constant 96 : index
    %swap3A_40 = tpu.vector_load %arg9[%swap3A_38, %swap3A_39] {strides = array<i32>} : memref<8x128xf32, #tpu.memory_space<vmem>>, vector<1x16xf32>,
    %swap3A_41 = vector.shape_cast %swap3A_40 : vector<1x16xf32> to vector<16xf32>
    %swap3A_42 = vector.shape_cast %broadcast_in_dim3A_1 : vector<16xf32> to vector<1x16xf32>
    tpu.vector_store %arg9[%swap3A_38, %swap3A_39], %swap3A_42 {strides = array<i32>} : memref<8x128xf32, #tpu.memory_space<vmem>>, vector<1x16xf32>,
    %swap3A_43 = arith.constant 0 : i32
    %swap3A_44 = arith.index_cast %swap3A_43 : i32 to index
    %swap3A_45 = arith.constant 112 : index
    %swap3A_46 = tpu.vector_load %arg9[%swap3A_44, %swap3A_45] {strides = array<i32>} : memref<8x128xf32, #tpu.memory_space<vmem>>, vector<1x16xf32>,
    %swap3A_47 = vector.shape_cast %swap3A_46 : vector<1x16xf32> to vector<16xf32>
    %swap3A_48 = vector.shape_cast %broadcast_in_dim3A_1 : vector<16xf32> to vector<1x16xf32>
    tpu.vector_store %arg9[%swap3A_44, %swap3A_45], %swap3A_48 {strides = array<i32>} : memref<8x128xf32, #tpu.memory_space<vmem>>, vector<1x16xf32>,
    %swap3A_49 = arith.constant 1 : i32
    %swap3A_50 = arith.index_cast %swap3A_49 : i32 to index
    %swap3A_51 = arith.constant 0 : index
    %swap3A_52 = tpu.vector_load %arg9[%swap3A_50, %swap3A_51] {strides = array<i32>} : memref<8x128xf32, #tpu.memory_space<vmem>>, vector<1x16xf32>,
    %swap3A_53 = vector.shape_cast %swap3A_52 : vector<1x16xf32> to vector<16xf32>
    %swap3A_54 = vector.shape_cast %broadcast_in_dim3A_1 : vector<16xf32> to vector<1x16xf32>
    tpu.vector_store %arg9[%swap3A_50, %swap3A_51], %swap3A_54 {strides = array<i32>} : memref<8x128xf32, #tpu.memory_space<vmem>>, vector<1x16xf32>,
    %swap3A_55 = arith.constant 1 : i32
    %swap3A_56 = arith.index_cast %swap3A_55 : i32 to index
    %swap3A_57 = arith.constant 16 : index
    %swap3A_58 = tpu.vector_load %arg9[%swap3A_56, %swap3A_57] {strides = array<i32>} : memref<8x128xf32, #tpu.memory_space<vmem>>, vector<1x16xf32>,
    %swap3A_59 = vector.shape_cast %swap3A_58 : vector<1x16xf32> to vector<16xf32>
    %swap3A_60 = vector.shape_cast %broadcast_in_dim3A_1 : vector<16xf32> to vector<1x16xf32>
    tpu.vector_store %arg9[%swap3A_56, %swap3A_57], %swap3A_60 {strides = array<i32>} : memref<8x128xf32, #tpu.memory_space<vmem>>, vector<1x16xf32>,
    %swap3A_61 = arith.constant 1 : i32
    %swap3A_62 = arith.index_cast %swap3A_61 : i32 to index
    %swap3A_63 = arith.constant 32 : index
    %swap3A_64 = tpu.vector_load %arg9[%swap3A_62, %swap3A_63] {strides = array<i32>} : memref<8x128xf32, #tpu.memory_space<vmem>>, vector<1x16xf32>,
    %swap3A_65 = vector.shape_cast %swap3A_64 : vector<1x16xf32> to vector<16xf32>
    %swap3A_66 = vector.shape_cast %broadcast_in_dim3A_1 : vector<16xf32> to vector<1x16xf32>
    tpu.vector_store %arg9[%swap3A_62, %swap3A_63], %swap3A_66 {strides = array<i32>} : memref<8x128xf32, #tpu.memory_space<vmem>>, vector<1x16xf32>,
    %swap3A_67 = arith.constant 1 : i32
    %swap3A_68 = arith.index_cast %swap3A_67 : i32 to index
    %swap3A_69 = arith.constant 48 : index
    %swap3A_70 = tpu.vector_load %arg9[%swap3A_68, %swap3A_69] {strides = array<i32>} : memref<8x128xf32, #tpu.memory_space<vmem>>, vector<1x16xf32>,
    %swap3A_71 = vector.shape_cast %swap3A_70 : vector<1x16xf32> to vector<16xf32>
    %swap3A_72 = vector.shape_cast %broadcast_in_dim3A_1 : vector<16xf32> to vector<1x16xf32>
    tpu.vector_store %arg9[%swap3A_68, %swap3A_69], %swap3A_72 {strides = array<i32>} : memref<8x128xf32, #tpu.memory_space<vmem>>, vector<1x16xf32>,
    %swap3A_73 = arith.constant 1 : i32
    %swap3A_74 = arith.index_cast %swap3A_73 : i32 to index
    %swap3A_75 = arith.constant 64 : index
    %swap3A_76 = tpu.vector_load %arg9[%swap3A_74, %swap3A_75] {strides = array<i32>} : memref<8x128xf32, #tpu.memory_space<vmem>>, vector<1x16xf32>,
    %swap3A_77 = vector.shape_cast %swap3A_76 : vector<1x16xf32> to vector<16xf32>
    %swap3A_78 = vector.shape_cast %broadcast_in_dim3A_1 : vector<16xf32> to vector<1x16xf32>
    tpu.vector_store %arg9[%swap3A_74, %swap3A_75], %swap3A_78 {strides = array<i32>} : memref<8x128xf32, #tpu.memory_space<vmem>>, vector<1x16xf32>,
    %swap3A_79 = arith.constant 1 : i32
    %swap3A_80 = arith.index_cast %swap3A_79 : i32 to index
    %swap3A_81 = arith.constant 80 : index
    %swap3A_82 = tpu.vector_load %arg9[%swap3A_80, %swap3A_81] {strides = array<i32>} : memref<8x128xf32, #tpu.memory_space<vmem>>, vector<1x16xf32>,
    %swap3A_83 = vector.shape_cast %swap3A_82 : vector<1x16xf32> to vector<16xf32>
    %swap3A_84 = vector.shape_cast %broadcast_in_dim3A_1 : vector<16xf32> to vector<1x16xf32>
    tpu.vector_store %arg9[%swap3A_80, %swap3A_81], %swap3A_84 {strides = array<i32>} : memref<8x128xf32, #tpu.memory_space<vmem>>, vector<1x16xf32>,
    %swap3A_85 = arith.constant 1 : i32
    %swap3A_86 = arith.index_cast %swap3A_85 : i32 to index
    %swap3A_87 = arith.constant 96 : index
    %swap3A_88 = tpu.vector_load %arg9[%swap3A_86, %swap3A_87] {strides = array<i32>} : memref<8x128xf32, #tpu.memory_space<vmem>>, vector<1x16xf32>,
    %swap3A_89 = vector.shape_cast %swap3A_88 : vector<1x16xf32> to vector<16xf32>
    %swap3A_90 = vector.shape_cast %broadcast_in_dim3A_1 : vector<16xf32> to vector<1x16xf32>
    tpu.vector_store %arg9[%swap3A_86, %swap3A_87], %swap3A_90 {strides = array<i32>} : memref<8x128xf32, #tpu.memory_space<vmem>>, vector<1x16xf32>,
    %swap3A_91 = arith.constant 1 : i32
    %swap3A_92 = arith.index_cast %swap3A_91 : i32 to index
    %swap3A_93 = arith.constant 112 : index
    %swap3A_94 = tpu.vector_load %arg9[%swap3A_92, %swap3A_93] {strides = array<i32>} : memref<8x128xf32, #tpu.memory_space<vmem>>, vector<1x16xf32>,
    %swap3A_95 = vector.shape_cast %swap3A_94 : vector<1x16xf32> to vector<16xf32>
    %swap3A_96 = vector.shape_cast %broadcast_in_dim3A_1 : vector<16xf32> to vector<1x16xf32>
    tpu.vector_store %arg9[%swap3A_92, %swap3A_93], %swap3A_96 {strides = array<i32>} : memref<8x128xf32, #tpu.memory_space<vmem>>, vector<1x16xf32>,
    %swap3A_97 = arith.constant 2 : i32
    %swap3A_98 = arith.index_cast %swap3A_97 : i32 to index
    %swap3A_99 = arith.constant 0 : index
    %swap3A_100 = tpu.vector_load %arg9[%swap3A_98, %swap3A_99] {strides = array<i32>} : memref<8x128xf32, #tpu.memory_space<vmem>>, vector<1x16xf32>,
    %swap3A_101 = vector.shape_cast %swap3A_100 : vector<1x16xf32> to vector<16xf32>
    %swap3A_102 = vector.shape_cast %broadcast_in_dim3A_1 : vector<16xf32> to vector<1x16xf32>
    tpu.vector_store %arg9[%swap3A_98, %swap3A_99], %swap3A_102 {strides = array<i32>} : memref<8x128xf32, #tpu.memory_space<vmem>>, vector<1x16xf32>,
    %swap3A_103 = arith.constant 2 : i32
    %swap3A_104 = arith.index_cast %swap3A_103 : i32 to index
    %swap3A_105 = arith.constant 16 : index
    %swap3A_106 = tpu.vector_load %arg9[%swap3A_104, %swap3A_105] {strides = array<i32>} : memref<8x128xf32, #tpu.memory_space<vmem>>, vector<1x16xf32>,
    %swap3A_107 = vector.shape_cast %swap3A_106 : vector<1x16xf32> to vector<16xf32>
    %swap3A_108 = vector.shape_cast %broadcast_in_dim3A_1 : vector<16xf32> to vector<1x16xf32>
    tpu.vector_store %arg9[%swap3A_104, %swap3A_105], %swap3A_108 {strides = array<i32>} : memref<8x128xf32, #tpu.memory_space<vmem>>, vector<1x16xf32>,
    %swap3A_109 = arith.constant 2 : i32
    %swap3A_110 = arith.index_cast %swap3A_109 : i32 to index
    %swap3A_111 = arith.constant 32 : index
    %swap3A_112 = tpu.vector_load %arg9[%swap3A_110, %swap3A_111] {strides = array<i32>} : memref<8x128xf32, #tpu.memory_space<vmem>>, vector<1x16xf32>,
    %swap3A_113 = vector.shape_cast %swap3A_112 : vector<1x16xf32> to vector<16xf32>
    %swap3A_114 = vector.shape_cast %broadcast_in_dim3A_1 : vector<16xf32> to vector<1x16xf32>
    tpu.vector_store %arg9[%swap3A_110, %swap3A_111], %swap3A_114 {strides = array<i32>} : memref<8x128xf32, #tpu.memory_space<vmem>>, vector<1x16xf32>,
    %swap3A_115 = arith.constant 2 : i32
    %swap3A_116 = arith.index_cast %swap3A_115 : i32 to index
    %swap3A_117 = arith.constant 48 : index
    %swap3A_118 = tpu.vector_load %arg9[%swap3A_116, %swap3A_117] {strides = array<i32>} : memref<8x128xf32, #tpu.memory_space<vmem>>, vector<1x16xf32>,
    %swap3A_119 = vector.shape_cast %swap3A_118 : vector<1x16xf32> to vector<16xf32>
    %swap3A_120 = vector.shape_cast %broadcast_in_dim3A_1 : vector<16xf32> to vector<1x16xf32>
    tpu.vector_store %arg9[%swap3A_116, %swap3A_117], %swap3A_120 {strides = array<i32>} : memref<8x128xf32, #tpu.memory_space<vmem>>, vector<1x16xf32>,
    %swap3A_121 = arith.constant 2 : i32
    %swap3A_122 = arith.index_cast %swap3A_121 : i32 to index
    %swap3A_123 = arith.constant 64 : index
    %swap3A_124 = tpu.vector_load %arg9[%swap3A_122, %swap3A_123] {strides = array<i32>} : memref<8x128xf32, #tpu.memory_space<vmem>>, vector<1x16xf32>,
    %swap3A_125 = vector.shape_cast %swap3A_124 : vector<1x16xf32> to vector<16xf32>
    %swap3A_126 = vector.shape_cast %broadcast_in_dim3A_1 : vector<16xf32> to vector<1x16xf32>
    tpu.vector_store %arg9[%swap3A_122, %swap3A_123], %swap3A_126 {strides = array<i32>} : memref<8x128xf32, #tpu.memory_space<vmem>>, vector<1x16xf32>,
    %swap3A_127 = arith.constant 2 : i32
    %swap3A_128 = arith.index_cast %swap3A_127 : i32 to index
    %swap3A_129 = arith.constant 80 : index
    %swap3A_130 = tpu.vector_load %arg9[%swap3A_128, %swap3A_129] {strides = array<i32>} : memref<8x128xf32, #tpu.memory_space<vmem>>, vector<1x16xf32>,
    %swap3A_131 = vector.shape_cast %swap3A_130 : vector<1x16xf32> to vector<16xf32>
    %swap3A_132 = vector.shape_cast %broadcast_in_dim3A_1 : vector<16xf32> to vector<1x16xf32>
    tpu.vector_store %arg9[%swap3A_128, %swap3A_129], %swap3A_132 {strides = array<i32>} : memref<8x128xf32, #tpu.memory_space<vmem>>, vector<1x16xf32>,
    %swap3A_133 = arith.constant 2 : i32
    %swap3A_134 = arith.index_cast %swap3A_133 : i32 to index
    %swap3A_135 = arith.constant 96 : index
    %swap3A_136 = tpu.vector_load %arg9[%swap3A_134, %swap3A_135] {strides = array<i32>} : memref<8x128xf32, #tpu.memory_space<vmem>>, vector<1x16xf32>,
    %swap3A_137 = vector.shape_cast %swap3A_136 : vector<1x16xf32> to vector<16xf32>
    %swap3A_138 = vector.shape_cast %broadcast_in_dim3A_1 : vector<16xf32> to vector<1x16xf32>
    tpu.vector_store %arg9[%swap3A_134, %swap3A_135], %swap3A_138 {strides = array<i32>} : memref<8x128xf32, #tpu.memory_space<vmem>>, vector<1x16xf32>,
    %swap3A_139 = arith.constant 2 : i32
    %swap3A_140 = arith.index_cast %swap3A_139 : i32 to index
    %swap3A_141 = arith.constant 112 : index
    %swap3A_142 = tpu.vector_load %arg9[%swap3A_140, %swap3A_141] {strides = array<i32>} : memref<8x128xf32, #tpu.memory_space<vmem>>, vector<1x16xf32>,
    %swap3A_143 = vector.shape_cast %swap3A_142 : vector<1x16xf32> to vector<16xf32>
    %swap3A_144 = vector.shape_cast %broadcast_in_dim3A_1 : vector<16xf32> to vector<1x16xf32>
    tpu.vector_store %arg9[%swap3A_140, %swap3A_141], %swap3A_144 {strides = array<i32>} : memref<8x128xf32, #tpu.memory_space<vmem>>, vector<1x16xf32>,
    %swap3A_145 = arith.constant 3 : i32
    %swap3A_146 = arith.index_cast %swap3A_145 : i32 to index
    %swap3A_147 = arith.constant 0 : index
    %swap3A_148 = tpu.vector_load %arg9[%swap3A_146, %swap3A_147] {strides = array<i32>} : memref<8x128xf32, #tpu.memory_space<vmem>>, vector<1x16xf32>,
    %swap3A_149 = vector.shape_cast %swap3A_148 : vector<1x16xf32> to vector<16xf32>
    %swap3A_150 = vector.shape_cast %broadcast_in_dim3A_1 : vector<16xf32> to vector<1x16xf32>
    tpu.vector_store %arg9[%swap3A_146, %swap3A_147], %swap3A_150 {strides = array<i32>} : memref<8x128xf32, #tpu.memory_space<vmem>>, vector<1x16xf32>,
    %swap3A_151 = arith.constant 3 : i32
    %swap3A_152 = arith.index_cast %swap3A_151 : i32 to index
    %swap3A_153 = arith.constant 16 : index
    %swap3A_154 = tpu.vector_load %arg9[%swap3A_152, %swap3A_153] {strides = array<i32>} : memref<8x128xf32, #tpu.memory_space<vmem>>, vector<1x16xf32>,
    %swap3A_155 = vector.shape_cast %swap3A_154 : vector<1x16xf32> to vector<16xf32>
    %swap3A_156 = vector.shape_cast %broadcast_in_dim3A_1 : vector<16xf32> to vector<1x16xf32>
    tpu.vector_store %arg9[%swap3A_152, %swap3A_153], %swap3A_156 {strides = array<i32>} : memref<8x128xf32, #tpu.memory_space<vmem>>, vector<1x16xf32>,
    %swap3A_157 = arith.constant 3 : i32
    %swap3A_158 = arith.index_cast %swap3A_157 : i32 to index
    %swap3A_159 = arith.constant 32 : index
    %swap3A_160 = tpu.vector_load %arg9[%swap3A_158, %swap3A_159] {strides = array<i32>} : memref<8x128xf32, #tpu.memory_space<vmem>>, vector<1x16xf32>,
    %swap3A_161 = vector.shape_cast %swap3A_160 : vector<1x16xf32> to vector<16xf32>
    %swap3A_162 = vector.shape_cast %broadcast_in_dim3A_1 : vector<16xf32> to vector<1x16xf32>
    tpu.vector_store %arg9[%swap3A_158, %swap3A_159], %swap3A_162 {strides = array<i32>} : memref<8x128xf32, #tpu.memory_space<vmem>>, vector<1x16xf32>,
    %swap3A_163 = arith.constant 3 : i32
    %swap3A_164 = arith.index_cast %swap3A_163 : i32 to index
    %swap3A_165 = arith.constant 48 : index
    %swap3A_166 = tpu.vector_load %arg9[%swap3A_164, %swap3A_165] {strides = array<i32>} : memref<8x128xf32, #tpu.memory_space<vmem>>, vector<1x16xf32>,
    %swap3A_167 = vector.shape_cast %swap3A_166 : vector<1x16xf32> to vector<16xf32>
    %swap3A_168 = vector.shape_cast %broadcast_in_dim3A_1 : vector<16xf32> to vector<1x16xf32>
    tpu.vector_store %arg9[%swap3A_164, %swap3A_165], %swap3A_168 {strides = array<i32>} : memref<8x128xf32, #tpu.memory_space<vmem>>, vector<1x16xf32>,
    %swap3A_169 = arith.constant 3 : i32
    %swap3A_170 = arith.index_cast %swap3A_169 : i32 to index
    %swap3A_171 = arith.constant 64 : index
    %swap3A_172 = tpu.vector_load %arg9[%swap3A_170, %swap3A_171] {strides = array<i32>} : memref<8x128xf32, #tpu.memory_space<vmem>>, vector<1x16xf32>,
    %swap3A_173 = vector.shape_cast %swap3A_172 : vector<1x16xf32> to vector<16xf32>
    %swap3A_174 = vector.shape_cast %broadcast_in_dim3A_1 : vector<16xf32> to vector<1x16xf32>
    tpu.vector_store %arg9[%swap3A_170, %swap3A_171], %swap3A_174 {strides = array<i32>} : memref<8x128xf32, #tpu.memory_space<vmem>>, vector<1x16xf32>,
    %swap3A_175 = arith.constant 3 : i32
    %swap3A_176 = arith.index_cast %swap3A_175 : i32 to index
    %swap3A_177 = arith.constant 80 : index
    %swap3A_178 = tpu.vector_load %arg9[%swap3A_176, %swap3A_177] {strides = array<i32>} : memref<8x128xf32, #tpu.memory_space<vmem>>, vector<1x16xf32>,
    %swap3A_179 = vector.shape_cast %swap3A_178 : vector<1x16xf32> to vector<16xf32>
    %swap3A_180 = vector.shape_cast %broadcast_in_dim3A_1 : vector<16xf32> to vector<1x16xf32>
    tpu.vector_store %arg9[%swap3A_176, %swap3A_177], %swap3A_180 {strides = array<i32>} : memref<8x128xf32, #tpu.memory_space<vmem>>, vector<1x16xf32>,
    %swap3A_181 = arith.constant 3 : i32
    %swap3A_182 = arith.index_cast %swap3A_181 : i32 to index
    %swap3A_183 = arith.constant 96 : index
    %swap3A_184 = tpu.vector_load %arg9[%swap3A_182, %swap3A_183] {strides = array<i32>} : memref<8x128xf32, #tpu.memory_space<vmem>>, vector<1x16xf32>,
    %swap3A_185 = vector.shape_cast %swap3A_184 : vector<1x16xf32> to vector<16xf32>
    %swap3A_186 = vector.shape_cast %broadcast_in_dim3A_1 : vector<16xf32> to vector<1x16xf32>
    tpu.vector_store %arg9[%swap3A_182, %swap3A_183], %swap3A_186 {strides = array<i32>} : memref<8x128xf32, #tpu.memory_space<vmem>>, vector<1x16xf32>,
    %swap3A_187 = arith.constant 3 : i32
    %swap3A_188 = arith.index_cast %swap3A_187 : i32 to index
    %swap3A_189 = arith.constant 112 : index
    %swap3A_190 = tpu.vector_load %arg9[%swap3A_188, %swap3A_189] {strides = array<i32>} : memref<8x128xf32, #tpu.memory_space<vmem>>, vector<1x16xf32>,
    %swap3A_191 = vector.shape_cast %swap3A_190 : vector<1x16xf32> to vector<16xf32>
    %swap3A_192 = vector.shape_cast %broadcast_in_dim3A_1 : vector<16xf32> to vector<1x16xf32>
    tpu.vector_store %arg9[%swap3A_188, %swap3A_189], %swap3A_192 {strides = array<i32>} : memref<8x128xf32, #tpu.memory_space<vmem>>, vector<1x16xf32>,
    %swap3A_193 = arith.constant 4 : i32
    %swap3A_194 = arith.index_cast %swap3A_193 : i32 to index
    %swap3A_195 = arith.constant 0 : index
    %swap3A_196 = tpu.vector_load %arg9[%swap3A_194, %swap3A_195] {strides = array<i32>} : memref<8x128xf32, #tpu.memory_space<vmem>>, vector<1x16xf32>,
    %swap3A_197 = vector.shape_cast %swap3A_196 : vector<1x16xf32> to vector<16xf32>
    %swap3A_198 = vector.shape_cast %broadcast_in_dim3A_1 : vector<16xf32> to vector<1x16xf32>
    tpu.vector_store %arg9[%swap3A_194, %swap3A_195], %swap3A_198 {strides = array<i32>} : memref<8x128xf32, #tpu.memory_space<vmem>>, vector<1x16xf32>,
    %swap3A_199 = arith.constant 4 : i32
    %swap3A_200 = arith.index_cast %swap3A_199 : i32 to index
    %swap3A_201 = arith.constant 16 : index
    %swap3A_202 = tpu.vector_load %arg9[%swap3A_200, %swap3A_201] {strides = array<i32>} : memref<8x128xf32, #tpu.memory_space<vmem>>, vector<1x16xf32>,
    %swap3A_203 = vector.shape_cast %swap3A_202 : vector<1x16xf32> to vector<16xf32>
    %swap3A_204 = vector.shape_cast %broadcast_in_dim3A_1 : vector<16xf32> to vector<1x16xf32>
    tpu.vector_store %arg9[%swap3A_200, %swap3A_201], %swap3A_204 {strides = array<i32>} : memref<8x128xf32, #tpu.memory_space<vmem>>, vector<1x16xf32>,
    %swap3A_205 = arith.constant 4 : i32
    %swap3A_206 = arith.index_cast %swap3A_205 : i32 to index
    %swap3A_207 = arith.constant 32 : index
    %swap3A_208 = tpu.vector_load %arg9[%swap3A_206, %swap3A_207] {strides = array<i32>} : memref<8x128xf32, #tpu.memory_space<vmem>>, vector<1x16xf32>,
    %swap3A_209 = vector.shape_cast %swap3A_208 : vector<1x16xf32> to vector<16xf32>
    %swap3A_210 = vector.shape_cast %broadcast_in_dim3A_1 : vector<16xf32> to vector<1x16xf32>
    tpu.vector_store %arg9[%swap3A_206, %swap3A_207], %swap3A_210 {strides = array<i32>} : memref<8x128xf32, #tpu.memory_space<vmem>>, vector<1x16xf32>,
    %swap3A_211 = arith.constant 4 : i32
    %swap3A_212 = arith.index_cast %swap3A_211 : i32 to index
    %swap3A_213 = arith.constant 48 : index
    %swap3A_214 = tpu.vector_load %arg9[%swap3A_212, %swap3A_213] {strides = array<i32>} : memref<8x128xf32, #tpu.memory_space<vmem>>, vector<1x16xf32>,
    %swap3A_215 = vector.shape_cast %swap3A_214 : vector<1x16xf32> to vector<16xf32>
    %swap3A_216 = vector.shape_cast %broadcast_in_dim3A_1 : vector<16xf32> to vector<1x16xf32>
    tpu.vector_store %arg9[%swap3A_212, %swap3A_213], %swap3A_216 {strides = array<i32>} : memref<8x128xf32, #tpu.memory_space<vmem>>, vector<1x16xf32>,
    %swap3A_217 = arith.constant 4 : i32
    %swap3A_218 = arith.index_cast %swap3A_217 : i32 to index
    %swap3A_219 = arith.constant 64 : index
    %swap3A_220 = tpu.vector_load %arg9[%swap3A_218, %swap3A_219] {strides = array<i32>} : memref<8x128xf32, #tpu.memory_space<vmem>>, vector<1x16xf32>,
    %swap3A_221 = vector.shape_cast %swap3A_220 : vector<1x16xf32> to vector<16xf32>
    %swap3A_222 = vector.shape_cast %broadcast_in_dim3A_1 : vector<16xf32> to vector<1x16xf32>
    tpu.vector_store %arg9[%swap3A_218, %swap3A_219], %swap3A_222 {strides = array<i32>} : memref<8x128xf32, #tpu.memory_space<vmem>>, vector<1x16xf32>,
    %swap3A_223 = arith.constant 4 : i32
    %swap3A_224 = arith.index_cast %swap3A_223 : i32 to index
    %swap3A_225 = arith.constant 80 : index
    %swap3A_226 = tpu.vector_load %arg9[%swap3A_224, %swap3A_225] {strides = array<i32>} : memref<8x128xf32, #tpu.memory_space<vmem>>, vector<1x16xf32>,
    %swap3A_227 = vector.shape_cast %swap3A_226 : vector<1x16xf32> to vector<16xf32>
    %swap3A_228 = vector.shape_cast %broadcast_in_dim3A_1 : vector<16xf32> to vector<1x16xf32>
    tpu.vector_store %arg9[%swap3A_224, %swap3A_225], %swap3A_228 {strides = array<i32>} : memref<8x128xf32, #tpu.memory_space<vmem>>, vector<1x16xf32>,
    %swap3A_229 = arith.constant 4 : i32
    %swap3A_230 = arith.index_cast %swap3A_229 : i32 to index
    %swap3A_231 = arith.constant 96 : index
    %swap3A_232 = tpu.vector_load %arg9[%swap3A_230, %swap3A_231] {strides = array<i32>} : memref<8x128xf32, #tpu.memory_space<vmem>>, vector<1x16xf32>,
    %swap3A_233 = vector.shape_cast %swap3A_232 : vector<1x16xf32> to vector<16xf32>
    %swap3A_234 = vector.shape_cast %broadcast_in_dim3A_1 : vector<16xf32> to vector<1x16xf32>
    tpu.vector_store %arg9[%swap3A_230, %swap3A_231], %swap3A_234 {strides = array<i32>} : memref<8x128xf32, #tpu.memory_space<vmem>>, vector<1x16xf32>,
    %swap3A_235 = arith.constant 4 : i32
    %swap3A_236 = arith.index_cast %swap3A_235 : i32 to index
    %swap3A_237 = arith.constant 112 : index
    %swap3A_238 = tpu.vector_load %arg9[%swap3A_236, %swap3A_237] {strides = array<i32>} : memref<8x128xf32, #tpu.memory_space<vmem>>, vector<1x16xf32>,
    %swap3A_239 = vector.shape_cast %swap3A_238 : vector<1x16xf32> to vector<16xf32>
    %swap3A_240 = vector.shape_cast %broadcast_in_dim3A_1 : vector<16xf32> to vector<1x16xf32>
    tpu.vector_store %arg9[%swap3A_236, %swap3A_237], %swap3A_240 {strides = array<i32>} : memref<8x128xf32, #tpu.memory_space<vmem>>, vector<1x16xf32>,
    %swap3A_241 = arith.constant 5 : i32
    %swap3A_242 = arith.index_cast %swap3A_241 : i32 to index
    %swap3A_243 = arith.constant 0 : index
    %swap3A_244 = tpu.vector_load %arg9[%swap3A_242, %swap3A_243] {strides = array<i32>} : memref<8x128xf32, #tpu.memory_space<vmem>>, vector<1x16xf32>,
    %swap3A_245 = vector.shape_cast %swap3A_244 : vector<1x16xf32> to vector<16xf32>
    %swap3A_246 = vector.shape_cast %broadcast_in_dim3A_1 : vector<16xf32> to vector<1x16xf32>
    tpu.vector_store %arg9[%swap3A_242, %swap3A_243], %swap3A_246 {strides = array<i32>} : memref<8x128xf32, #tpu.memory_space<vmem>>, vector<1x16xf32>,
    %swap3A_247 = arith.constant 5 : i32
    %swap3A_248 = arith.index_cast %swap3A_247 : i32 to index
    %swap3A_249 = arith.constant 16 : index
    %swap3A_250 = tpu.vector_load %arg9[%swap3A_248, %swap3A_249] {strides = array<i32>} : memref<8x128xf32, #tpu.memory_space<vmem>>, vector<1x16xf32>,
    %swap3A_251 = vector.shape_cast %swap3A_250 : vector<1x16xf32> to vector<16xf32>
    %swap3A_252 = vector.shape_cast %broadcast_in_dim3A_1 : vector<16xf32> to vector<1x16xf32>
    tpu.vector_store %arg9[%swap3A_248, %swap3A_249], %swap3A_252 {strides = array<i32>} : memref<8x128xf32, #tpu.memory_space<vmem>>, vector<1x16xf32>,
    %swap3A_253 = arith.constant 5 : i32
    %swap3A_254 = arith.index_cast %swap3A_253 : i32 to index
    %swap3A_255 = arith.constant 32 : index
    %swap3A_256 = tpu.vector_load %arg9[%swap3A_254, %swap3A_255] {strides = array<i32>} : memref<8x128xf32, #tpu.memory_space<vmem>>, vector<1x16xf32>,
    %swap3A_257 = vector.shape_cast %swap3A_256 : vector<1x16xf32> to vector<16xf32>
    %swap3A_258 = vector.shape_cast %broadcast_in_dim3A_1 : vector<16xf32> to vector<1x16xf32>
    tpu.vector_store %arg9[%swap3A_254, %swap3A_255], %swap3A_258 {strides = array<i32>} : memref<8x128xf32, #tpu.memory_space<vmem>>, vector<1x16xf32>,
    %swap3A_259 = arith.constant 5 : i32
    %swap3A_260 = arith.index_cast %swap3A_259 : i32 to index
    %swap3A_261 = arith.constant 48 : index
    %swap3A_262 = tpu.vector_load %arg9[%swap3A_260, %swap3A_261] {strides = array<i32>} : memref<8x128xf32, #tpu.memory_space<vmem>>, vector<1x16xf32>,
    %swap3A_263 = vector.shape_cast %swap3A_262 : vector<1x16xf32> to vector<16xf32>
    %swap3A_264 = vector.shape_cast %broadcast_in_dim3A_1 : vector<16xf32> to vector<1x16xf32>
    tpu.vector_store %arg9[%swap3A_260, %swap3A_261], %swap3A_264 {strides = array<i32>} : memref<8x128xf32, #tpu.memory_space<vmem>>, vector<1x16xf32>,
    %swap3A_265 = arith.constant 5 : i32
    %swap3A_266 = arith.index_cast %swap3A_265 : i32 to index
    %swap3A_267 = arith.constant 64 : index
    %swap3A_268 = tpu.vector_load %arg9[%swap3A_266, %swap3A_267] {strides = array<i32>} : memref<8x128xf32, #tpu.memory_space<vmem>>, vector<1x16xf32>,
    %swap3A_269 = vector.shape_cast %swap3A_268 : vector<1x16xf32> to vector<16xf32>
    %swap3A_270 = vector.shape_cast %broadcast_in_dim3A_1 : vector<16xf32> to vector<1x16xf32>
    tpu.vector_store %arg9[%swap3A_266, %swap3A_267], %swap3A_270 {strides = array<i32>} : memref<8x128xf32, #tpu.memory_space<vmem>>, vector<1x16xf32>,
    %swap3A_271 = arith.constant 5 : i32
    %swap3A_272 = arith.index_cast %swap3A_271 : i32 to index
    %swap3A_273 = arith.constant 80 : index
    %swap3A_274 = tpu.vector_load %arg9[%swap3A_272, %swap3A_273] {strides = array<i32>} : memref<8x128xf32, #tpu.memory_space<vmem>>, vector<1x16xf32>,
    %swap3A_275 = vector.shape_cast %swap3A_274 : vector<1x16xf32> to vector<16xf32>
    %swap3A_276 = vector.shape_cast %broadcast_in_dim3A_1 : vector<16xf32> to vector<1x16xf32>
    tpu.vector_store %arg9[%swap3A_272, %swap3A_273], %swap3A_276 {strides = array<i32>} : memref<8x128xf32, #tpu.memory_space<vmem>>, vector<1x16xf32>,
    %swap3A_277 = arith.constant 5 : i32
    %swap3A_278 = arith.index_cast %swap3A_277 : i32 to index
    %swap3A_279 = arith.constant 96 : index
    %swap3A_280 = tpu.vector_load %arg9[%swap3A_278, %swap3A_279] {strides = array<i32>} : memref<8x128xf32, #tpu.memory_space<vmem>>, vector<1x16xf32>,
    %swap3A_281 = vector.shape_cast %swap3A_280 : vector<1x16xf32> to vector<16xf32>
    %swap3A_282 = vector.shape_cast %broadcast_in_dim3A_1 : vector<16xf32> to vector<1x16xf32>
    tpu.vector_store %arg9[%swap3A_278, %swap3A_279], %swap3A_282 {strides = array<i32>} : memref<8x128xf32, #tpu.memory_space<vmem>>, vector<1x16xf32>,
    %swap3A_283 = arith.constant 5 : i32
    %swap3A_284 = arith.index_cast %swap3A_283 : i32 to index
    %swap3A_285 = arith.constant 112 : index
    %swap3A_286 = tpu.vector_load %arg9[%swap3A_284, %swap3A_285] {strides = array<i32>} : memref<8x128xf32, #tpu.memory_space<vmem>>, vector<1x16xf32>,
    %swap3A_287 = vector.shape_cast %swap3A_286 : vector<1x16xf32> to vector<16xf32>
    %swap3A_288 = vector.shape_cast %broadcast_in_dim3A_1 : vector<16xf32> to vector<1x16xf32>
    tpu.vector_store %arg9[%swap3A_284, %swap3A_285], %swap3A_288 {strides = array<i32>} : memref<8x128xf32, #tpu.memory_space<vmem>>, vector<1x16xf32>,
    %swap3A_289 = arith.constant 6 : i32
    %swap3A_290 = arith.index_cast %swap3A_289 : i32 to index
    %swap3A_291 = arith.constant 0 : index
    %swap3A_292 = tpu.vector_load %arg9[%swap3A_290, %swap3A_291] {strides = array<i32>} : memref<8x128xf32, #tpu.memory_space<vmem>>, vector<1x16xf32>,
    %swap3A_293 = vector.shape_cast %swap3A_292 : vector<1x16xf32> to vector<16xf32>
    %swap3A_294 = vector.shape_cast %broadcast_in_dim3A_1 : vector<16xf32> to vector<1x16xf32>
    tpu.vector_store %arg9[%swap3A_290, %swap3A_291], %swap3A_294 {strides = array<i32>} : memref<8x128xf32, #tpu.memory_space<vmem>>, vector<1x16xf32>,
    %swap3A_295 = arith.constant 6 : i32
    %swap3A_296 = arith.index_cast %swap3A_295 : i32 to index
    %swap3A_297 = arith.constant 16 : index
    %swap3A_298 = tpu.vector_load %arg9[%swap3A_296, %swap3A_297] {strides = array<i32>} : memref<8x128xf32, #tpu.memory_space<vmem>>, vector<1x16xf32>,
    %swap3A_299 = vector.shape_cast %swap3A_298 : vector<1x16xf32> to vector<16xf32>
    %swap3A_300 = vector.shape_cast %broadcast_in_dim3A_1 : vector<16xf32> to vector<1x16xf32>
    tpu.vector_store %arg9[%swap3A_296, %swap3A_297], %swap3A_300 {strides = array<i32>} : memref<8x128xf32, #tpu.memory_space<vmem>>, vector<1x16xf32>,
    %swap3A_301 = arith.constant 6 : i32
    %swap3A_302 = arith.index_cast %swap3A_301 : i32 to index
    %swap3A_303 = arith.constant 32 : index
    %swap3A_304 = tpu.vector_load %arg9[%swap3A_302, %swap3A_303] {strides = array<i32>} : memref<8x128xf32, #tpu.memory_space<vmem>>, vector<1x16xf32>,
    %swap3A_305 = vector.shape_cast %swap3A_304 : vector<1x16xf32> to vector<16xf32>
    %swap3A_306 = vector.shape_cast %broadcast_in_dim3A_1 : vector<16xf32> to vector<1x16xf32>
    tpu.vector_store %arg9[%swap3A_302, %swap3A_303], %swap3A_306 {strides = array<i32>} : memref<8x128xf32, #tpu.memory_space<vmem>>, vector<1x16xf32>,
    %swap3A_307 = arith.constant 6 : i32
    %swap3A_308 = arith.index_cast %swap3A_307 : i32 to index
    %swap3A_309 = arith.constant 48 : index
    %swap3A_310 = tpu.vector_load %arg9[%swap3A_308, %swap3A_309] {strides = array<i32>} : memref<8x128xf32, #tpu.memory_space<vmem>>, vector<1x16xf32>,
    %swap3A_311 = vector.shape_cast %swap3A_310 : vector<1x16xf32> to vector<16xf32>
    %swap3A_312 = vector.shape_cast %broadcast_in_dim3A_1 : vector<16xf32> to vector<1x16xf32>
    tpu.vector_store %arg9[%swap3A_308, %swap3A_309], %swap3A_312 {strides = array<i32>} : memref<8x128xf32, #tpu.memory_space<vmem>>, vector<1x16xf32>,
    %swap3A_313 = arith.constant 6 : i32
    %swap3A_314 = arith.index_cast %swap3A_313 : i32 to index
    %swap3A_315 = arith.constant 64 : index
    %swap3A_316 = tpu.vector_load %arg9[%swap3A_314, %swap3A_315] {strides = array<i32>} : memref<8x128xf32, #tpu.memory_space<vmem>>, vector<1x16xf32>,
    %swap3A_317 = vector.shape_cast %swap3A_316 : vector<1x16xf32> to vector<16xf32>
    %swap3A_318 = vector.shape_cast %broadcast_in_dim3A_1 : vector<16xf32> to vector<1x16xf32>
    tpu.vector_store %arg9[%swap3A_314, %swap3A_315], %swap3A_318 {strides = array<i32>} : memref<8x128xf32, #tpu.memory_space<vmem>>, vector<1x16xf32>,
    %swap3A_319 = arith.constant 6 : i32
    %swap3A_320 = arith.index_cast %swap3A_319 : i32 to index
    %swap3A_321 = arith.constant 80 : index
    %swap3A_322 = tpu.vector_load %arg9[%swap3A_320, %swap3A_321] {strides = array<i32>} : memref<8x128xf32, #tpu.memory_space<vmem>>, vector<1x16xf32>,
    %swap3A_323 = vector.shape_cast %swap3A_322 : vector<1x16xf32> to vector<16xf32>
    %swap3A_324 = vector.shape_cast %broadcast_in_dim3A_1 : vector<16xf32> to vector<1x16xf32>
    tpu.vector_store %arg9[%swap3A_320, %swap3A_321], %swap3A_324 {strides = array<i32>} : memref<8x128xf32, #tpu.memory_space<vmem>>, vector<1x16xf32>,
    %swap3A_325 = arith.constant 6 : i32
    %swap3A_326 = arith.index_cast %swap3A_325 : i32 to index
    %swap3A_327 = arith.constant 96 : index
    %swap3A_328 = tpu.vector_load %arg9[%swap3A_326, %swap3A_327] {strides = array<i32>} : memref<8x128xf32, #tpu.memory_space<vmem>>, vector<1x16xf32>,
    %swap3A_329 = vector.shape_cast %swap3A_328 : vector<1x16xf32> to vector<16xf32>
    %swap3A_330 = vector.shape_cast %broadcast_in_dim3A_1 : vector<16xf32> to vector<1x16xf32>
    tpu.vector_store %arg9[%swap3A_326, %swap3A_327], %swap3A_330 {strides = array<i32>} : memref<8x128xf32, #tpu.memory_space<vmem>>, vector<1x16xf32>,
    %swap3A_331 = arith.constant 6 : i32
    %swap3A_332 = arith.index_cast %swap3A_331 : i32 to index
    %swap3A_333 = arith.constant 112 : index
    %swap3A_334 = tpu.vector_load %arg9[%swap3A_332, %swap3A_333] {strides = array<i32>} : memref<8x128xf32, #tpu.memory_space<vmem>>, vector<1x16xf32>,
    %swap3A_335 = vector.shape_cast %swap3A_334 : vector<1x16xf32> to vector<16xf32>
    %swap3A_336 = vector.shape_cast %broadcast_in_dim3A_1 : vector<16xf32> to vector<1x16xf32>
    tpu.vector_store %arg9[%swap3A_332, %swap3A_333], %swap3A_336 {strides = array<i32>} : memref<8x128xf32, #tpu.memory_space<vmem>>, vector<1x16xf32>,
    %swap3A_337 = arith.constant 7 : i32
    %swap3A_338 = arith.index_cast %swap3A_337 : i32 to index
    %swap3A_339 = arith.constant 0 : index
    %swap3A_340 = tpu.vector_load %arg9[%swap3A_338, %swap3A_339] {strides = array<i32>} : memref<8x128xf32, #tpu.memory_space<vmem>>, vector<1x16xf32>,
    %swap3A_341 = vector.shape_cast %swap3A_340 : vector<1x16xf32> to vector<16xf32>
    %swap3A_342 = vector.shape_cast %broadcast_in_dim3A_1 : vector<16xf32> to vector<1x16xf32>
    tpu.vector_store %arg9[%swap3A_338, %swap3A_339], %swap3A_342 {strides = array<i32>} : memref<8x128xf32, #tpu.memory_space<vmem>>, vector<1x16xf32>,
    %swap3A_343 = arith.constant 7 : i32
    %swap3A_344 = arith.index_cast %swap3A_343 : i32 to index
    %swap3A_345 = arith.constant 16 : index
    %swap3A_346 = tpu.vector_load %arg9[%swap3A_344, %swap3A_345] {strides = array<i32>} : memref<8x128xf32, #tpu.memory_space<vmem>>, vector<1x16xf32>,
    %swap3A_347 = vector.shape_cast %swap3A_346 : vector<1x16xf32> to vector<16xf32>
    %swap3A_348 = vector.shape_cast %broadcast_in_dim3A_1 : vector<16xf32> to vector<1x16xf32>
    tpu.vector_store %arg9[%swap3A_344, %swap3A_345], %swap3A_348 {strides = array<i32>} : memref<8x128xf32, #tpu.memory_space<vmem>>, vector<1x16xf32>,
    %swap3A_349 = arith.constant 7 : i32
    %swap3A_350 = arith.index_cast %swap3A_349 : i32 to index
    %swap3A_351 = arith.constant 32 : index
    %swap3A_352 = tpu.vector_load %arg9[%swap3A_350, %swap3A_351] {strides = array<i32>} : memref<8x128xf32, #tpu.memory_space<vmem>>, vector<1x16xf32>,
    %swap3A_353 = vector.shape_cast %swap3A_352 : vector<1x16xf32> to vector<16xf32>
    %swap3A_354 = vector.shape_cast %broadcast_in_dim3A_1 : vector<16xf32> to vector<1x16xf32>
    tpu.vector_store %arg9[%swap3A_350, %swap3A_351], %swap3A_354 {strides = array<i32>} : memref<8x128xf32, #tpu.memory_space<vmem>>, vector<1x16xf32>,
    %swap3A_355 = arith.constant 7 : i32
    %swap3A_356 = arith.index_cast %swap3A_355 : i32 to index
    %swap3A_357 = arith.constant 48 : index
    %swap3A_358 = tpu.vector_load %arg9[%swap3A_356, %swap3A_357] {strides = array<i32>} : memref<8x128xf32, #tpu.memory_space<vmem>>, vector<1x16xf32>,
    %swap3A_359 = vector.shape_cast %swap3A_358 : vector<1x16xf32> to vector<16xf32>
    %swap3A_360 = vector.shape_cast %broadcast_in_dim3A_1 : vector<16xf32> to vector<1x16xf32>
    tpu.vector_store %arg9[%swap3A_356, %swap3A_357], %swap3A_360 {strides = array<i32>} : memref<8x128xf32, #tpu.memory_space<vmem>>, vector<1x16xf32>,
    %swap3A_361 = arith.constant 7 : i32
    %swap3A_362 = arith.index_cast %swap3A_361 : i32 to index
    %swap3A_363 = arith.constant 64 : index
    %swap3A_364 = tpu.vector_load %arg9[%swap3A_362, %swap3A_363] {strides = array<i32>} : memref<8x128xf32, #tpu.memory_space<vmem>>, vector<1x16xf32>,
    %swap3A_365 = vector.shape_cast %swap3A_364 : vector<1x16xf32> to vector<16xf32>
    %swap3A_366 = vector.shape_cast %broadcast_in_dim3A_1 : vector<16xf32> to vector<1x16xf32>
    tpu.vector_store %arg9[%swap3A_362, %swap3A_363], %swap3A_366 {strides = array<i32>} : memref<8x128xf32, #tpu.memory_space<vmem>>, vector<1x16xf32>,
    %swap3A_367 = arith.constant 7 : i32
    %swap3A_368 = arith.index_cast %swap3A_367 : i32 to index
    %swap3A_369 = arith.constant 80 : index
    %swap3A_370 = tpu.vector_load %arg9[%swap3A_368, %swap3A_369] {strides = array<i32>} : memref<8x128xf32, #tpu.memory_space<vmem>>, vector<1x16xf32>,
    %swap3A_371 = vector.shape_cast %swap3A_370 : vector<1x16xf32> to vector<16xf32>
    %swap3A_372 = vector.shape_cast %broadcast_in_dim3A_1 : vector<16xf32> to vector<1x16xf32>
    tpu.vector_store %arg9[%swap3A_368, %swap3A_369], %swap3A_372 {strides = array<i32>} : memref<8x128xf32, #tpu.memory_space<vmem>>, vector<1x16xf32>,
    %swap3A_373 = arith.constant 7 : i32
    %swap3A_374 = arith.index_cast %swap3A_373 : i32 to index
    %swap3A_375 = arith.constant 96 : index
    %swap3A_376 = tpu.vector_load %arg9[%swap3A_374, %swap3A_375] {strides = array<i32>} : memref<8x128xf32, #tpu.memory_space<vmem>>, vector<1x16xf32>,
    %swap3A_377 = vector.shape_cast %swap3A_376 : vector<1x16xf32> to vector<16xf32>
    %swap3A_378 = vector.shape_cast %broadcast_in_dim3A_1 : vector<16xf32> to vector<1x16xf32>
    tpu.vector_store %arg9[%swap3A_374, %swap3A_375], %swap3A_378 {strides = array<i32>} : memref<8x128xf32, #tpu.memory_space<vmem>>, vector<1x16xf32>,
    %swap3A_379 = arith.constant 7 : i32
    %swap3A_380 = arith.index_cast %swap3A_379 : i32 to index
    %swap3A_381 = arith.constant 112 : index
    %swap3A_382 = tpu.vector_load %arg9[%swap3A_380, %swap3A_381] {strides = array<i32>} : memref<8x128xf32, #tpu.memory_space<vmem>>, vector<1x16xf32>,
    %swap3A_383 = vector.shape_cast %swap3A_382 : vector<1x16xf32> to vector<16xf32>
    %swap3A_384 = vector.shape_cast %broadcast_in_dim3A_1 : vector<16xf32> to vector<1x16xf32>
    tpu.vector_store %arg9[%swap3A_380, %swap3A_381], %swap3A_384 {strides = array<i32>} : memref<8x128xf32, #tpu.memory_space<vmem>>, vector<1x16xf32>,
    %scan3A = arith.constant 0 : i32
    %scan3A_385 = arith.constant 0 : i32
    %scan3A_386 = arith.constant 80 : i32
    %scan3A_387 = arith.addi %scan3A_385, %scan3A_386 : i32
    %scan3A_388 = arith.constant 1 : i32
    scf.for %scan3A_401 = %scan3A_385 to %scan3A_387 step %scan3A_388  : i32 {
      %mul3A_402 = arith.constant 640 : i32
      %mul3A_403 = arith.muli %arg1, %mul3A_402 : i32
      %mul3A_404 = arith.constant 8 : i32
      %mul3A_405 = arith.muli %scan3A_401, %mul3A_404 : i32
      %add3A_406 = arith.addi %mul3A_403, %mul3A_405 : i32
      "tpu.region"() ({
        %run_scoped3A = tpu.sem_alloc : memref<!tpu.dma_semaphore, #tpu.memory_space<semaphore_mem>>
        %dma_start3A = arith.constant 0 : i32
        %dma_start3A_407 = tpu.memref_slice %arg10[%add3A_406, %dma_start3A] : memref<10240x128xf32, #tpu.memory_space<vmem_shared>> -> memref<8x128xf32, #tpu.memory_space<vmem_shared>>
        %dma_start3A_408 = arith.constant 0 : i32
        %dma_start3A_409 = tpu.memref_slice %arg10[%add3A_406, %dma_start3A_408] : memref<10240x128xf32, #tpu.memory_space<vmem_shared>> -> memref<8x128xf32, #tpu.memory_space<vmem_shared>>
        tpu.enqueue_dma source(%arg9 : memref<8x128xf32, #tpu.memory_space<vmem>>) target(%dma_start3A_409 : memref<8x128xf32, #tpu.memory_space<vmem_shared>>) target_semaphore(%run_scoped3A : memref<!tpu.dma_semaphore, #tpu.memory_space<semaphore_mem>>)
        %dma_wait3A = arith.constant 0 : i32
        %dma_wait3A_410 = tpu.memref_slice %arg10[%add3A_406, %dma_wait3A] : memref<10240x128xf32, #tpu.memory_space<vmem_shared>> -> memref<8x128xf32, #tpu.memory_space<vmem_shared>>
        %dma_wait3A_411 = arith.constant 0 : i32
        %dma_wait3A_412 = tpu.memref_slice %arg10[%add3A_406, %dma_wait3A_411] : memref<10240x128xf32, #tpu.memory_space<vmem_shared>> -> memref<8x128xf32, #tpu.memory_space<vmem_shared>>
        tpu.wait_dma2 semaphore(%run_scoped3A : memref<!tpu.dma_semaphore, #tpu.memory_space<semaphore_mem>>) src(%arg9 : memref<8x128xf32, #tpu.memory_space<vmem>>) dst(%dma_wait3A_412 : memref<8x128xf32, #tpu.memory_space<vmem_shared>>)
        tpu.yield
      }) : () -> ()
    }
    %scan3A_389 = arith.constant 80 : i32
    %barrier3A = arith.constant 0 : index
    tpu.barrier barrier_id(%barrier3A)
    %scan3A_390 = arith.constant 0 : i32
    %scan3A_391 = arith.constant 0 : i32
    %scan3A_392 = arith.constant 40 : i32
    %scan3A_393 = arith.addi %scan3A_391, %scan3A_392 : i32
    %scan3A_394 = arith.constant 1 : i32
    scf.for %scan3A_401 = %scan3A_391 to %scan3A_393 step %scan3A_394  : i32 {
      %mul3A_402 = arith.constant 80 : i32
      %mul3A_403 = arith.muli %add3A, %mul3A_402 : i32
      %mul3A_404 = arith.constant 2 : i32
      %mul3A_405 = arith.muli %scan3A_401, %mul3A_404 : i32
      %add3A_406 = arith.addi %mul3A_403, %mul3A_405 : i32
      "tpu.region"() ({
        %run_scoped3A_456 = tpu.sem_alloc : memref<!tpu.dma_semaphore, #tpu.memory_space<semaphore_mem>>
        %dma_start3A_457 = arith.constant 0 : i32
        %dma_start3A_458 = tpu.memref_slice %arg3[%add3A_406, %dma_start3A_457] : memref<2560x128xi32, #tpu.memory_space<hbm>> -> memref<2x128xi32, #tpu.memory_space<hbm>>
        %dma_start3A_459 = arith.constant 0 : i32
        %dma_start3A_460 = tpu.memref_slice %arg3[%add3A_406, %dma_start3A_459] : memref<2560x128xi32, #tpu.memory_space<hbm>> -> memref<2x128xi32, #tpu.memory_space<hbm>>
        tpu.enqueue_dma source(%dma_start3A_460 : memref<2x128xi32, #tpu.memory_space<hbm>>) target(%arg6 : memref<2x128xi32, #tpu.memory_space<vmem>>) target_semaphore(%run_scoped3A_456 : memref<!tpu.dma_semaphore, #tpu.memory_space<semaphore_mem>>)
        %dma_wait3A_461 = arith.constant 0 : i32
        %dma_wait3A_462 = tpu.memref_slice %arg3[%add3A_406, %dma_wait3A_461] : memref<2560x128xi32, #tpu.memory_space<hbm>> -> memref<2x128xi32, #tpu.memory_space<hbm>>
        %dma_wait3A_463 = arith.constant 0 : i32
        %dma_wait3A_464 = tpu.memref_slice %arg3[%add3A_406, %dma_wait3A_463] : memref<2560x128xi32, #tpu.memory_space<hbm>> -> memref<2x128xi32, #tpu.memory_space<hbm>>
        tpu.wait_dma2 semaphore(%run_scoped3A_456 : memref<!tpu.dma_semaphore, #tpu.memory_space<semaphore_mem>>) src(%dma_wait3A_464 : memref<2x128xi32, #tpu.memory_space<hbm>>) dst(%arg6 : memref<2x128xi32, #tpu.memory_space<vmem>>)
        tpu.yield
      }) : () -> ()
      "tpu.region"() ({
        %run_scoped3A_456 = tpu.sem_alloc : memref<!tpu.dma_semaphore, #tpu.memory_space<semaphore_mem>>
        %dma_start3A_457 = arith.constant 0 : i32
        %dma_start3A_458 = tpu.memref_slice %arg4[%add3A_406, %dma_start3A_457] : memref<2560x128xi32, #tpu.memory_space<hbm>> -> memref<2x128xi32, #tpu.memory_space<hbm>>
        %dma_start3A_459 = arith.constant 0 : i32
        %dma_start3A_460 = tpu.memref_slice %arg4[%add3A_406, %dma_start3A_459] : memref<2560x128xi32, #tpu.memory_space<hbm>> -> memref<2x128xi32, #tpu.memory_space<hbm>>
        tpu.enqueue_dma source(%dma_start3A_460 : memref<2x128xi32, #tpu.memory_space<hbm>>) target(%arg7 : memref<2x128xi32, #tpu.memory_space<vmem>>) target_semaphore(%run_scoped3A_456 : memref<!tpu.dma_semaphore, #tpu.memory_space<semaphore_mem>>)
        %dma_wait3A_461 = arith.constant 0 : i32
        %dma_wait3A_462 = tpu.memref_slice %arg4[%add3A_406, %dma_wait3A_461] : memref<2560x128xi32, #tpu.memory_space<hbm>> -> memref<2x128xi32, #tpu.memory_space<hbm>>
        %dma_wait3A_463 = arith.constant 0 : i32
        %dma_wait3A_464 = tpu.memref_slice %arg4[%add3A_406, %dma_wait3A_463] : memref<2560x128xi32, #tpu.memory_space<hbm>> -> memref<2x128xi32, #tpu.memory_space<hbm>>
        tpu.wait_dma2 semaphore(%run_scoped3A_456 : memref<!tpu.dma_semaphore, #tpu.memory_space<semaphore_mem>>) src(%dma_wait3A_464 : memref<2x128xi32, #tpu.memory_space<hbm>>) dst(%arg7 : memref<2x128xi32, #tpu.memory_space<vmem>>)
        tpu.yield
      }) : () -> ()
      %dma_start3A = arith.constant 0 : i32
      %dma_start3A_407 = arith.constant 0 : i32
      %dma_start3A_408 = arith.constant 0 : i32
      %dma_start3A_409 = arith.constant 0 : i32
      %dma_start3A_410 = tpu.memref_slice %arg8[%dma_start3A_407, %dma_start3A_408, %dma_start3A_409] : memref<2x128x128xf32, #tpu.memory_space<vmem>> -> memref<1x128x128xf32, #tpu.memory_space<vmem>>
      %dma_start3A_411 = tpu.memref_squeeze %dma_start3A_410 : memref<1x128x128xf32, #tpu.memory_space<vmem>> -> memref<128x128xf32, #tpu.memory_space<vmem>>
      %dma_start3A_412 = arith.constant 0 : i32
      %dma_start3A_413 = tpu.memref_slice %arg6[%dma_start3A, %dma_start3A_412] : memref<2x128xi32, #tpu.memory_space<vmem>> -> memref<1x128xi32, #tpu.memory_space<vmem>>
      %dma_start3A_414 = tpu.memref_squeeze %dma_start3A_413 : memref<1x128xi32, #tpu.memory_space<vmem>> -> memref<128xi32, #tpu.memory_space<vmem>>
      %dma_start3A_415 = arith.constant 0 : i32
      %dma_start3A_416 = arith.constant 0 : i32
      %dma_start3A_417 = tpu.memref_slice %arg2[%dma_start3A_415, %dma_start3A_416] : memref<10000x128xf32, #tpu.memory_space<hbm>> -> memref<10000x128xf32, #tpu.memory_space<hbm>>
      tpu.enqueue_indirect_dma source(%dma_start3A_417 : memref<10000x128xf32, #tpu.memory_space<hbm>>) target(%dma_start3A_411 : memref<128x128xf32, #tpu.memory_space<vmem>>) offsets(%dma_start3A_414 : memref<128xi32, #tpu.memory_space<vmem>>) semaphore(%arg11 : memref<!tpu.dma_semaphore, #tpu.memory_space<semaphore_mem>>)
      %dma_start3A_418 = arith.constant 1 : i32
      %dma_start3A_419 = arith.constant 1 : i32
      %dma_start3A_420 = arith.constant 0 : i32
      %dma_start3A_421 = arith.constant 0 : i32
      %dma_start3A_422 = tpu.memref_slice %arg8[%dma_start3A_419, %dma_start3A_420, %dma_start3A_421] : memref<2x128x128xf32, #tpu.memory_space<vmem>> -> memref<1x128x128xf32, #tpu.memory_space<vmem>>
      %dma_start3A_423 = tpu.memref_squeeze %dma_start3A_422 : memref<1x128x128xf32, #tpu.memory_space<vmem>> -> memref<128x128xf32, #tpu.memory_space<vmem>>
      %dma_start3A_424 = arith.constant 0 : i32
      %dma_start3A_425 = tpu.memref_slice %arg6[%dma_start3A_418, %dma_start3A_424] : memref<2x128xi32, #tpu.memory_space<vmem>> -> memref<1x128xi32, #tpu.memory_space<vmem>>
      %dma_start3A_426 = tpu.memref_squeeze %dma_start3A_425 : memref<1x128xi32, #tpu.memory_space<vmem>> -> memref<128xi32, #tpu.memory_space<vmem>>
      %dma_start3A_427 = arith.constant 0 : i32
      %dma_start3A_428 = arith.constant 0 : i32
      %dma_start3A_429 = tpu.memref_slice %arg2[%dma_start3A_427, %dma_start3A_428] : memref<10000x128xf32, #tpu.memory_space<hbm>> -> memref<10000x128xf32, #tpu.memory_space<hbm>>
      tpu.enqueue_indirect_dma source(%dma_start3A_429 : memref<10000x128xf32, #tpu.memory_space<hbm>>) target(%dma_start3A_423 : memref<128x128xf32, #tpu.memory_space<vmem>>) offsets(%dma_start3A_426 : memref<128xi32, #tpu.memory_space<vmem>>) semaphore(%arg11 : memref<!tpu.dma_semaphore, #tpu.memory_space<semaphore_mem>>)
      %dma_wait3A = arith.constant 0 : i32
      %dma_wait3A_430 = arith.constant 0 : i32
      %dma_wait3A_431 = arith.constant 0 : i32
      %dma_wait3A_432 = arith.constant 0 : i32
      %dma_wait3A_433 = tpu.memref_slice %arg8[%dma_wait3A_430, %dma_wait3A_431, %dma_wait3A_432] : memref<2x128x128xf32, #tpu.memory_space<vmem>> -> memref<1x128x128xf32, #tpu.memory_space<vmem>>
      %dma_wait3A_434 = tpu.memref_squeeze %dma_wait3A_433 : memref<1x128x128xf32, #tpu.memory_space<vmem>> -> memref<128x128xf32, #tpu.memory_space<vmem>>
      %dma_wait3A_435 = arith.constant 0 : i32
      %dma_wait3A_436 = tpu.memref_slice %arg6[%dma_wait3A, %dma_wait3A_435] : memref<2x128xi32, #tpu.memory_space<vmem>> -> memref<1x128xi32, #tpu.memory_space<vmem>>
      %dma_wait3A_437 = tpu.memref_squeeze %dma_wait3A_436 : memref<1x128xi32, #tpu.memory_space<vmem>> -> memref<128xi32, #tpu.memory_space<vmem>>
      %dma_wait3A_438 = arith.constant 0 : i32
      %dma_wait3A_439 = arith.constant 0 : i32
      %dma_wait3A_440 = tpu.memref_slice %arg2[%dma_wait3A_438, %dma_wait3A_439] : memref<10000x128xf32, #tpu.memory_space<hbm>> -> memref<10000x128xf32, #tpu.memory_space<hbm>>
      tpu.wait_indirect_dma semaphore(%arg11 : memref<!tpu.dma_semaphore, #tpu.memory_space<semaphore_mem>>) src(%dma_wait3A_440 : memref<10000x128xf32, #tpu.memory_space<hbm>>) dst(%dma_wait3A_434 : memref<128x128xf32, #tpu.memory_space<vmem>>)
      %dma_wait3A_441 = arith.constant 1 : i32
      %dma_wait3A_442 = arith.constant 1 : i32
      %dma_wait3A_443 = arith.constant 0 : i32
      %dma_wait3A_444 = arith.constant 0 : i32
      %dma_wait3A_445 = tpu.memref_slice %arg8[%dma_wait3A_442, %dma_wait3A_443, %dma_wait3A_444] : memref<2x128x128xf32, #tpu.memory_space<vmem>> -> memref<1x128x128xf32, #tpu.memory_space<vmem>>
      %dma_wait3A_446 = tpu.memref_squeeze %dma_wait3A_445 : memref<1x128x128xf32, #tpu.memory_space<vmem>> -> memref<128x128xf32, #tpu.memory_space<vmem>>
      %dma_wait3A_447 = arith.constant 0 : i32
      %dma_wait3A_448 = tpu.memref_slice %arg6[%dma_wait3A_441, %dma_wait3A_447] : memref<2x128xi32, #tpu.memory_space<vmem>> -> memref<1x128xi32, #tpu.memory_space<vmem>>
      %dma_wait3A_449 = tpu.memref_squeeze %dma_wait3A_448 : memref<1x128xi32, #tpu.memory_space<vmem>> -> memref<128xi32, #tpu.memory_space<vmem>>
      %dma_wait3A_450 = arith.constant 0 : i32
      %dma_wait3A_451 = arith.constant 0 : i32
      %dma_wait3A_452 = tpu.memref_slice %arg2[%dma_wait3A_450, %dma_wait3A_451] : memref<10000x128xf32, #tpu.memory_space<hbm>> -> memref<10000x128xf32, #tpu.memory_space<hbm>>
      tpu.wait_indirect_dma semaphore(%arg11 : memref<!tpu.dma_semaphore, #tpu.memory_space<semaphore_mem>>) src(%dma_wait3A_452 : memref<10000x128xf32, #tpu.memory_space<hbm>>) dst(%dma_wait3A_446 : memref<128x128xf32, #tpu.memory_space<vmem>>)
      %run_scoped3A = arith.constant 0 : i32
      %run_scoped3A_453 = arith.constant 0 : i32
      "tpu.region"() ({
        %run_scoped3A_456 = tpu.sem_alloc : memref<!tpu.dma_semaphore, #tpu.memory_space<semaphore_mem>>
        %dma_start3A_457 = arith.constant 0 : i32
        %dma_start3A_458 = arith.constant 0 : i32
        %dma_start3A_459 = tpu.memref_slice %arg8[%run_scoped3A, %dma_start3A_457, %dma_start3A_458] : memref<2x128x128xf32, #tpu.memory_space<vmem>> -> memref<1x128x128xf32, #tpu.memory_space<vmem>>
        %dma_start3A_460 = tpu.memref_squeeze %dma_start3A_459 : memref<1x128x128xf32, #tpu.memory_space<vmem>> -> memref<128x128xf32, #tpu.memory_space<vmem>>
        %dma_start3A_461 = arith.constant 0 : i32
        %dma_start3A_462 = tpu.memref_slice %arg7[%run_scoped3A_453, %dma_start3A_461] : memref<2x128xi32, #tpu.memory_space<vmem>> -> memref<1x128xi32, #tpu.memory_space<vmem>>
        %dma_start3A_463 = tpu.memref_squeeze %dma_start3A_462 : memref<1x128xi32, #tpu.memory_space<vmem>> -> memref<128xi32, #tpu.memory_space<vmem>>
        %dma_start3A_464 = arith.constant 0 : i32
        %dma_start3A_465 = arith.constant 0 : i32
        %dma_start3A_466 = tpu.memref_slice %arg10[%dma_start3A_464, %dma_start3A_465] : memref<10240x128xf32, #tpu.memory_space<vmem_shared>> -> memref<10240x128xf32, #tpu.memory_space<vmem_shared>>
        tpu.enqueue_indirect_dma source(%dma_start3A_460 : memref<128x128xf32, #tpu.memory_space<vmem>>) target(%dma_start3A_466 : memref<10240x128xf32, #tpu.memory_space<vmem_shared>>) offsets(%dma_start3A_463 : memref<128xi32, #tpu.memory_space<vmem>>) semaphore(%run_scoped3A_456 : memref<!tpu.dma_semaphore, #tpu.memory_space<semaphore_mem>>) {add = true}
        %dma_wait3A_467 = arith.constant 0 : i32
        %dma_wait3A_468 = arith.constant 0 : i32
        %dma_wait3A_469 = tpu.memref_slice %arg8[%run_scoped3A, %dma_wait3A_467, %dma_wait3A_468] : memref<2x128x128xf32, #tpu.memory_space<vmem>> -> memref<1x128x128xf32, #tpu.memory_space<vmem>>
        %dma_wait3A_470 = tpu.memref_squeeze %dma_wait3A_469 : memref<1x128x128xf32, #tpu.memory_space<vmem>> -> memref<128x128xf32, #tpu.memory_space<vmem>>
        %dma_wait3A_471 = arith.constant 0 : i32
        %dma_wait3A_472 = tpu.memref_slice %arg7[%run_scoped3A_453, %dma_wait3A_471] : memref<2x128xi32, #tpu.memory_space<vmem>> -> memref<1x128xi32, #tpu.memory_space<vmem>>
        %dma_wait3A_473 = tpu.memref_squeeze %dma_wait3A_472 : memref<1x128xi32, #tpu.memory_space<vmem>> -> memref<128xi32, #tpu.memory_space<vmem>>
        %dma_wait3A_474 = arith.constant 0 : i32
        %dma_wait3A_475 = arith.constant 0 : i32
        %dma_wait3A_476 = tpu.memref_slice %arg10[%dma_wait3A_474, %dma_wait3A_475] : memref<10240x128xf32, #tpu.memory_space<vmem_shared>> -> memref<10240x128xf32, #tpu.memory_space<vmem_shared>>
        tpu.wait_indirect_dma semaphore(%run_scoped3A_456 : memref<!tpu.dma_semaphore, #tpu.memory_space<semaphore_mem>>) src(%dma_wait3A_470 : memref<128x128xf32, #tpu.memory_space<vmem>>) dst(%dma_wait3A_476 : memref<10240x128xf32, #tpu.memory_space<vmem_shared>>)
        tpu.yield
      }) : () -> ()
      %run_scoped3A_454 = arith.constant 1 : i32
      %run_scoped3A_455 = arith.constant 1 : i32
      "tpu.region"() ({
        %run_scoped3A_456 = tpu.sem_alloc : memref<!tpu.dma_semaphore, #tpu.memory_space<semaphore_mem>>
        %dma_start3A_457 = arith.constant 0 : i32
        %dma_start3A_458 = arith.constant 0 : i32
        %dma_start3A_459 = tpu.memref_slice %arg8[%run_scoped3A_454, %dma_start3A_457, %dma_start3A_458] : memref<2x128x128xf32, #tpu.memory_space<vmem>> -> memref<1x128x128xf32, #tpu.memory_space<vmem>>
        %dma_start3A_460 = tpu.memref_squeeze %dma_start3A_459 : memref<1x128x128xf32, #tpu.memory_space<vmem>> -> memref<128x128xf32, #tpu.memory_space<vmem>>
        %dma_start3A_461 = arith.constant 0 : i32
        %dma_start3A_462 = tpu.memref_slice %arg7[%run_scoped3A_455, %dma_start3A_461] : memref<2x128xi32, #tpu.memory_space<vmem>> -> memref<1x128xi32, #tpu.memory_space<vmem>>
        %dma_start3A_463 = tpu.memref_squeeze %dma_start3A_462 : memref<1x128xi32, #tpu.memory_space<vmem>> -> memref<128xi32, #tpu.memory_space<vmem>>
        %dma_start3A_464 = arith.constant 0 : i32
        %dma_start3A_465 = arith.constant 0 : i32
        %dma_start3A_466 = tpu.memref_slice %arg10[%dma_start3A_464, %dma_start3A_465] : memref<10240x128xf32, #tpu.memory_space<vmem_shared>> -> memref<10240x128xf32, #tpu.memory_space<vmem_shared>>
        tpu.enqueue_indirect_dma source(%dma_start3A_460 : memref<128x128xf32, #tpu.memory_space<vmem>>) target(%dma_start3A_466 : memref<10240x128xf32, #tpu.memory_space<vmem_shared>>) offsets(%dma_start3A_463 : memref<128xi32, #tpu.memory_space<vmem>>) semaphore(%run_scoped3A_456 : memref<!tpu.dma_semaphore, #tpu.memory_space<semaphore_mem>>) {add = true}
        %dma_wait3A_467 = arith.constant 0 : i32
        %dma_wait3A_468 = arith.constant 0 : i32
        %dma_wait3A_469 = tpu.memref_slice %arg8[%run_scoped3A_454, %dma_wait3A_467, %dma_wait3A_468] : memref<2x128x128xf32, #tpu.memory_space<vmem>> -> memref<1x128x128xf32, #tpu.memory_space<vmem>>
        %dma_wait3A_470 = tpu.memref_squeeze %dma_wait3A_469 : memref<1x128x128xf32, #tpu.memory_space<vmem>> -> memref<128x128xf32, #tpu.memory_space<vmem>>
        %dma_wait3A_471 = arith.constant 0 : i32
        %dma_wait3A_472 = tpu.memref_slice %arg7[%run_scoped3A_455, %dma_wait3A_471] : memref<2x128xi32, #tpu.memory_space<vmem>> -> memref<1x128xi32, #tpu.memory_space<vmem>>
        %dma_wait3A_473 = tpu.memref_squeeze %dma_wait3A_472 : memref<1x128xi32, #tpu.memory_space<vmem>> -> memref<128xi32, #tpu.memory_space<vmem>>
        %dma_wait3A_474 = arith.constant 0 : i32
        %dma_wait3A_475 = arith.constant 0 : i32
        %dma_wait3A_476 = tpu.memref_slice %arg10[%dma_wait3A_474, %dma_wait3A_475] : memref<10240x128xf32, #tpu.memory_space<vmem_shared>> -> memref<10240x128xf32, #tpu.memory_space<vmem_shared>>
        tpu.wait_indirect_dma semaphore(%run_scoped3A_456 : memref<!tpu.dma_semaphore, #tpu.memory_space<semaphore_mem>>) src(%dma_wait3A_470 : memref<128x128xf32, #tpu.memory_space<vmem>>) dst(%dma_wait3A_476 : memref<10240x128xf32, #tpu.memory_space<vmem_shared>>)
        tpu.yield
      }) : () -> ()
    }
    %scan3A_395 = arith.constant 40 : i32
    %barrier3A_396 = arith.constant 0 : index
    tpu.barrier barrier_id(%barrier3A_396)
    %mul3A_397 = arith.constant 640 : i32
    %mul3A_398 = arith.muli %arg1, %mul3A_397 : i32
    %mul3A_399 = arith.constant 640 : i32
    %mul3A_400 = arith.muli %arg1, %mul3A_399 : i32
    "tpu.region"() ({
      %run_scoped3A = tpu.sem_alloc : memref<!tpu.dma_semaphore, #tpu.memory_space<semaphore_mem>>
      %dma_start3A = arith.constant 0 : i32
      %dma_start3A_401 = tpu.memref_slice %arg5[%arg0, %mul3A_400, %dma_start3A] : memref<2x10240x128xf32, #tpu.memory_space<hbm>> -> memref<1x640x128xf32, #tpu.memory_space<hbm>>
      %dma_start3A_402 = tpu.memref_squeeze %dma_start3A_401 : memref<1x640x128xf32, #tpu.memory_space<hbm>> -> memref<640x128xf32, #tpu.memory_space<hbm>>
      %dma_start3A_403 = arith.constant 0 : i32
      %dma_start3A_404 = tpu.memref_slice %arg10[%mul3A_398, %dma_start3A_403] : memref<10240x128xf32, #tpu.memory_space<vmem_shared>> -> memref<640x128xf32, #tpu.memory_space<vmem_shared>>
      tpu.enqueue_dma source(%dma_start3A_404 : memref<640x128xf32, #tpu.memory_space<vmem_shared>>) target(%dma_start3A_402 : memref<640x128xf32, #tpu.memory_space<hbm>>) target_semaphore(%run_scoped3A : memref<!tpu.dma_semaphore, #tpu.memory_space<semaphore_mem>>)
      %dma_wait3A = arith.constant 0 : i32
      %dma_wait3A_405 = tpu.memref_slice %arg5[%arg0, %mul3A_400, %dma_wait3A] : memref<2x10240x128xf32, #tpu.memory_space<hbm>> -> memref<1x640x128xf32, #tpu.memory_space<hbm>>
      %dma_wait3A_406 = tpu.memref_squeeze %dma_wait3A_405 : memref<1x640x128xf32, #tpu.memory_space<hbm>> -> memref<640x128xf32, #tpu.memory_space<hbm>>
      %dma_wait3A_407 = arith.constant 0 : i32
      %dma_wait3A_408 = tpu.memref_slice %arg10[%mul3A_398, %dma_wait3A_407] : memref<10240x128xf32, #tpu.memory_space<vmem_shared>> -> memref<640x128xf32, #tpu.memory_space<vmem_shared>>
      tpu.wait_dma2 semaphore(%run_scoped3A : memref<!tpu.dma_semaphore, #tpu.memory_space<semaphore_mem>>) src(%dma_wait3A_408 : memref<640x128xf32, #tpu.memory_space<vmem_shared>>) dst(%dma_wait3A_406 : memref<640x128xf32, #tpu.memory_space<hbm>>)
      tpu.yield
    }) : () -> ()
    return
  }
}

#map = affine_map<(d0, d1) -> (0, 0)>
#map1 = affine_map<(d0, d1) -> (0, 0, 0)>
module attributes {stable_mosaic.version = 14 : i64} {
  func.func @k(%arg0: i32, %arg1: i32, %arg2: memref<10000x128xf32, #tpu.memory_space<hbm>>, %arg3: memref<2560x128xi32, #tpu.memory_space<hbm>>, %arg4: memref<2560x128xi32, #tpu.memory_space<hbm>>, %arg5: memref<2x10240x128xf32, #tpu.memory_space<hbm>>, %arg6: memref<2x128xi32, #tpu.memory_space<vmem>>, %arg7: memref<2x128xi32, #tpu.memory_space<vmem>>, %arg8: memref<2x128x128xf32, #tpu.memory_space<vmem>>, %arg9: memref<8x128xf32, #tpu.memory_space<vmem>>, %arg10: memref<10240x128xf32, #tpu.memory_space<vmem_shared>>, %arg11: memref<!tpu.dma_semaphore, #tpu.memory_space<semaphore_mem>>) attributes {dimension_semantics = [#tpu.dimension_semantics<core_parallel>, #tpu.dimension_semantics<subcore_parallel>], iteration_bounds = array<i64: 2, 16>, scalar_prefetch = 0 : i64, scratch_operands = 6 : i64, tpu.core_type = #tpu.core_type<sc_vector_subcore>, window_params = [{transform_indices = #map}, {transform_indices = #map}, {transform_indices = #map}, {transform_indices = #map1}]} {
    %mul3A = arith.constant 16 : i32
    %mul3A_0 = arith.muli %arg0, %mul3A : i32
    %add3A = arith.addi %mul3A_0, %arg1 : i32
    %broadcast_in_dim3A = arith.constant 0.000000e+00 : f32
    %broadcast_in_dim3A_1 = vector.broadcast %broadcast_in_dim3A : f32 to vector<16xf32>
    %swap3A = arith.constant 0 : i32
    %swap3A_2 = arith.index_cast %swap3A : i32 to index
    %swap3A_3 = arith.constant 0 : index
    %swap3A_4 = tpu.vector_load %arg9[%swap3A_2, %swap3A_3] {strides = array<i32>} : memref<8x128xf32, #tpu.memory_space<vmem>>, vector<1x16xf32>,
    %swap3A_5 = vector.shape_cast %swap3A_4 : vector<1x16xf32> to vector<16xf32>
    %swap3A_6 = vector.shape_cast %broadcast_in_dim3A_1 : vector<16xf32> to vector<1x16xf32>
    tpu.vector_store %arg9[%swap3A_2, %swap3A_3], %swap3A_6 {strides = array<i32>} : memref<8x128xf32, #tpu.memory_space<vmem>>, vector<1x16xf32>,
    %swap3A_7 = arith.constant 0 : i32
    %swap3A_8 = arith.index_cast %swap3A_7 : i32 to index
    %swap3A_9 = arith.constant 16 : index
    %swap3A_10 = tpu.vector_load %arg9[%swap3A_8, %swap3A_9] {strides = array<i32>} : memref<8x128xf32, #tpu.memory_space<vmem>>, vector<1x16xf32>,
    %swap3A_11 = vector.shape_cast %swap3A_10 : vector<1x16xf32> to vector<16xf32>
    %swap3A_12 = vector.shape_cast %broadcast_in_dim3A_1 : vector<16xf32> to vector<1x16xf32>
    tpu.vector_store %arg9[%swap3A_8, %swap3A_9], %swap3A_12 {strides = array<i32>} : memref<8x128xf32, #tpu.memory_space<vmem>>, vector<1x16xf32>,
    %swap3A_13 = arith.constant 0 : i32
    %swap3A_14 = arith.index_cast %swap3A_13 : i32 to index
    %swap3A_15 = arith.constant 32 : index
    %swap3A_16 = tpu.vector_load %arg9[%swap3A_14, %swap3A_15] {strides = array<i32>} : memref<8x128xf32, #tpu.memory_space<vmem>>, vector<1x16xf32>,
    %swap3A_17 = vector.shape_cast %swap3A_16 : vector<1x16xf32> to vector<16xf32>
    %swap3A_18 = vector.shape_cast %broadcast_in_dim3A_1 : vector<16xf32> to vector<1x16xf32>
    tpu.vector_store %arg9[%swap3A_14, %swap3A_15], %swap3A_18 {strides = array<i32>} : memref<8x128xf32, #tpu.memory_space<vmem>>, vector<1x16xf32>,
    %swap3A_19 = arith.constant 0 : i32
    %swap3A_20 = arith.index_cast %swap3A_19 : i32 to index
    %swap3A_21 = arith.constant 48 : index
    %swap3A_22 = tpu.vector_load %arg9[%swap3A_20, %swap3A_21] {strides = array<i32>} : memref<8x128xf32, #tpu.memory_space<vmem>>, vector<1x16xf32>,
    %swap3A_23 = vector.shape_cast %swap3A_22 : vector<1x16xf32> to vector<16xf32>
    %swap3A_24 = vector.shape_cast %broadcast_in_dim3A_1 : vector<16xf32> to vector<1x16xf32>
    tpu.vector_store %arg9[%swap3A_20, %swap3A_21], %swap3A_24 {strides = array<i32>} : memref<8x128xf32, #tpu.memory_space<vmem>>, vector<1x16xf32>,
    %swap3A_25 = arith.constant 0 : i32
    %swap3A_26 = arith.index_cast %swap3A_25 : i32 to index
    %swap3A_27 = arith.constant 64 : index
    %swap3A_28 = tpu.vector_load %arg9[%swap3A_26, %swap3A_27] {strides = array<i32>} : memref<8x128xf32, #tpu.memory_space<vmem>>, vector<1x16xf32>,
    %swap3A_29 = vector.shape_cast %swap3A_28 : vector<1x16xf32> to vector<16xf32>
    %swap3A_30 = vector.shape_cast %broadcast_in_dim3A_1 : vector<16xf32> to vector<1x16xf32>
    tpu.vector_store %arg9[%swap3A_26, %swap3A_27], %swap3A_30 {strides = array<i32>} : memref<8x128xf32, #tpu.memory_space<vmem>>, vector<1x16xf32>,
    %swap3A_31 = arith.constant 0 : i32
    %swap3A_32 = arith.index_cast %swap3A_31 : i32 to index
    %swap3A_33 = arith.constant 80 : index
    %swap3A_34 = tpu.vector_load %arg9[%swap3A_32, %swap3A_33] {strides = array<i32>} : memref<8x128xf32, #tpu.memory_space<vmem>>, vector<1x16xf32>,
    %swap3A_35 = vector.shape_cast %swap3A_34 : vector<1x16xf32> to vector<16xf32>
    %swap3A_36 = vector.shape_cast %broadcast_in_dim3A_1 : vector<16xf32> to vector<1x16xf32>
    tpu.vector_store %arg9[%swap3A_32, %swap3A_33], %swap3A_36 {strides = array<i32>} : memref<8x128xf32, #tpu.memory_space<vmem>>, vector<1x16xf32>,
    %swap3A_37 = arith.constant 0 : i32
    %swap3A_38 = arith.index_cast %swap3A_37 : i32 to index
    %swap3A_39 = arith.constant 96 : index
    %swap3A_40 = tpu.vector_load %arg9[%swap3A_38, %swap3A_39] {strides = array<i32>} : memref<8x128xf32, #tpu.memory_space<vmem>>, vector<1x16xf32>,
    %swap3A_41 = vector.shape_cast %swap3A_40 : vector<1x16xf32> to vector<16xf32>
    %swap3A_42 = vector.shape_cast %broadcast_in_dim3A_1 : vector<16xf32> to vector<1x16xf32>
    tpu.vector_store %arg9[%swap3A_38, %swap3A_39], %swap3A_42 {strides = array<i32>} : memref<8x128xf32, #tpu.memory_space<vmem>>, vector<1x16xf32>,
    %swap3A_43 = arith.constant 0 : i32
    %swap3A_44 = arith.index_cast %swap3A_43 : i32 to index
    %swap3A_45 = arith.constant 112 : index
    %swap3A_46 = tpu.vector_load %arg9[%swap3A_44, %swap3A_45] {strides = array<i32>} : memref<8x128xf32, #tpu.memory_space<vmem>>, vector<1x16xf32>,
    %swap3A_47 = vector.shape_cast %swap3A_46 : vector<1x16xf32> to vector<16xf32>
    %swap3A_48 = vector.shape_cast %broadcast_in_dim3A_1 : vector<16xf32> to vector<1x16xf32>
    tpu.vector_store %arg9[%swap3A_44, %swap3A_45], %swap3A_48 {strides = array<i32>} : memref<8x128xf32, #tpu.memory_space<vmem>>, vector<1x16xf32>,
    %swap3A_49 = arith.constant 1 : i32
    %swap3A_50 = arith.index_cast %swap3A_49 : i32 to index
    %swap3A_51 = arith.constant 0 : index
    %swap3A_52 = tpu.vector_load %arg9[%swap3A_50, %swap3A_51] {strides = array<i32>} : memref<8x128xf32, #tpu.memory_space<vmem>>, vector<1x16xf32>,
    %swap3A_53 = vector.shape_cast %swap3A_52 : vector<1x16xf32> to vector<16xf32>
    %swap3A_54 = vector.shape_cast %broadcast_in_dim3A_1 : vector<16xf32> to vector<1x16xf32>
    tpu.vector_store %arg9[%swap3A_50, %swap3A_51], %swap3A_54 {strides = array<i32>} : memref<8x128xf32, #tpu.memory_space<vmem>>, vector<1x16xf32>,
    %swap3A_55 = arith.constant 1 : i32
    %swap3A_56 = arith.index_cast %swap3A_55 : i32 to index
    %swap3A_57 = arith.constant 16 : index
    %swap3A_58 = tpu.vector_load %arg9[%swap3A_56, %swap3A_57] {strides = array<i32>} : memref<8x128xf32, #tpu.memory_space<vmem>>, vector<1x16xf32>,
    %swap3A_59 = vector.shape_cast %swap3A_58 : vector<1x16xf32> to vector<16xf32>
    %swap3A_60 = vector.shape_cast %broadcast_in_dim3A_1 : vector<16xf32> to vector<1x16xf32>
    tpu.vector_store %arg9[%swap3A_56, %swap3A_57], %swap3A_60 {strides = array<i32>} : memref<8x128xf32, #tpu.memory_space<vmem>>, vector<1x16xf32>,
    %swap3A_61 = arith.constant 1 : i32
    %swap3A_62 = arith.index_cast %swap3A_61 : i32 to index
    %swap3A_63 = arith.constant 32 : index
    %swap3A_64 = tpu.vector_load %arg9[%swap3A_62, %swap3A_63] {strides = array<i32>} : memref<8x128xf32, #tpu.memory_space<vmem>>, vector<1x16xf32>,
    %swap3A_65 = vector.shape_cast %swap3A_64 : vector<1x16xf32> to vector<16xf32>
    %swap3A_66 = vector.shape_cast %broadcast_in_dim3A_1 : vector<16xf32> to vector<1x16xf32>
    tpu.vector_store %arg9[%swap3A_62, %swap3A_63], %swap3A_66 {strides = array<i32>} : memref<8x128xf32, #tpu.memory_space<vmem>>, vector<1x16xf32>,
    %swap3A_67 = arith.constant 1 : i32
    %swap3A_68 = arith.index_cast %swap3A_67 : i32 to index
    %swap3A_69 = arith.constant 48 : index
    %swap3A_70 = tpu.vector_load %arg9[%swap3A_68, %swap3A_69] {strides = array<i32>} : memref<8x128xf32, #tpu.memory_space<vmem>>, vector<1x16xf32>,
    %swap3A_71 = vector.shape_cast %swap3A_70 : vector<1x16xf32> to vector<16xf32>
    %swap3A_72 = vector.shape_cast %broadcast_in_dim3A_1 : vector<16xf32> to vector<1x16xf32>
    tpu.vector_store %arg9[%swap3A_68, %swap3A_69], %swap3A_72 {strides = array<i32>} : memref<8x128xf32, #tpu.memory_space<vmem>>, vector<1x16xf32>,
    %swap3A_73 = arith.constant 1 : i32
    %swap3A_74 = arith.index_cast %swap3A_73 : i32 to index
    %swap3A_75 = arith.constant 64 : index
    %swap3A_76 = tpu.vector_load %arg9[%swap3A_74, %swap3A_75] {strides = array<i32>} : memref<8x128xf32, #tpu.memory_space<vmem>>, vector<1x16xf32>,
    %swap3A_77 = vector.shape_cast %swap3A_76 : vector<1x16xf32> to vector<16xf32>
    %swap3A_78 = vector.shape_cast %broadcast_in_dim3A_1 : vector<16xf32> to vector<1x16xf32>
    tpu.vector_store %arg9[%swap3A_74, %swap3A_75], %swap3A_78 {strides = array<i32>} : memref<8x128xf32, #tpu.memory_space<vmem>>, vector<1x16xf32>,
    %swap3A_79 = arith.constant 1 : i32
    %swap3A_80 = arith.index_cast %swap3A_79 : i32 to index
    %swap3A_81 = arith.constant 80 : index
    %swap3A_82 = tpu.vector_load %arg9[%swap3A_80, %swap3A_81] {strides = array<i32>} : memref<8x128xf32, #tpu.memory_space<vmem>>, vector<1x16xf32>,
    %swap3A_83 = vector.shape_cast %swap3A_82 : vector<1x16xf32> to vector<16xf32>
    %swap3A_84 = vector.shape_cast %broadcast_in_dim3A_1 : vector<16xf32> to vector<1x16xf32>
    tpu.vector_store %arg9[%swap3A_80, %swap3A_81], %swap3A_84 {strides = array<i32>} : memref<8x128xf32, #tpu.memory_space<vmem>>, vector<1x16xf32>,
    %swap3A_85 = arith.constant 1 : i32
    %swap3A_86 = arith.index_cast %swap3A_85 : i32 to index
    %swap3A_87 = arith.constant 96 : index
    %swap3A_88 = tpu.vector_load %arg9[%swap3A_86, %swap3A_87] {strides = array<i32>} : memref<8x128xf32, #tpu.memory_space<vmem>>, vector<1x16xf32>,
    %swap3A_89 = vector.shape_cast %swap3A_88 : vector<1x16xf32> to vector<16xf32>
    %swap3A_90 = vector.shape_cast %broadcast_in_dim3A_1 : vector<16xf32> to vector<1x16xf32>
    tpu.vector_store %arg9[%swap3A_86, %swap3A_87], %swap3A_90 {strides = array<i32>} : memref<8x128xf32, #tpu.memory_space<vmem>>, vector<1x16xf32>,
    %swap3A_91 = arith.constant 1 : i32
    %swap3A_92 = arith.index_cast %swap3A_91 : i32 to index
    %swap3A_93 = arith.constant 112 : index
    %swap3A_94 = tpu.vector_load %arg9[%swap3A_92, %swap3A_93] {strides = array<i32>} : memref<8x128xf32, #tpu.memory_space<vmem>>, vector<1x16xf32>,
    %swap3A_95 = vector.shape_cast %swap3A_94 : vector<1x16xf32> to vector<16xf32>
    %swap3A_96 = vector.shape_cast %broadcast_in_dim3A_1 : vector<16xf32> to vector<1x16xf32>
    tpu.vector_store %arg9[%swap3A_92, %swap3A_93], %swap3A_96 {strides = array<i32>} : memref<8x128xf32, #tpu.memory_space<vmem>>, vector<1x16xf32>,
    %swap3A_97 = arith.constant 2 : i32
    %swap3A_98 = arith.index_cast %swap3A_97 : i32 to index
    %swap3A_99 = arith.constant 0 : index
    %swap3A_100 = tpu.vector_load %arg9[%swap3A_98, %swap3A_99] {strides = array<i32>} : memref<8x128xf32, #tpu.memory_space<vmem>>, vector<1x16xf32>,
    %swap3A_101 = vector.shape_cast %swap3A_100 : vector<1x16xf32> to vector<16xf32>
    %swap3A_102 = vector.shape_cast %broadcast_in_dim3A_1 : vector<16xf32> to vector<1x16xf32>
    tpu.vector_store %arg9[%swap3A_98, %swap3A_99], %swap3A_102 {strides = array<i32>} : memref<8x128xf32, #tpu.memory_space<vmem>>, vector<1x16xf32>,
    %swap3A_103 = arith.constant 2 : i32
    %swap3A_104 = arith.index_cast %swap3A_103 : i32 to index
    %swap3A_105 = arith.constant 16 : index
    %swap3A_106 = tpu.vector_load %arg9[%swap3A_104, %swap3A_105] {strides = array<i32>} : memref<8x128xf32, #tpu.memory_space<vmem>>, vector<1x16xf32>,
    %swap3A_107 = vector.shape_cast %swap3A_106 : vector<1x16xf32> to vector<16xf32>
    %swap3A_108 = vector.shape_cast %broadcast_in_dim3A_1 : vector<16xf32> to vector<1x16xf32>
    tpu.vector_store %arg9[%swap3A_104, %swap3A_105], %swap3A_108 {strides = array<i32>} : memref<8x128xf32, #tpu.memory_space<vmem>>, vector<1x16xf32>,
    %swap3A_109 = arith.constant 2 : i32
    %swap3A_110 = arith.index_cast %swap3A_109 : i32 to index
    %swap3A_111 = arith.constant 32 : index
    %swap3A_112 = tpu.vector_load %arg9[%swap3A_110, %swap3A_111] {strides = array<i32>} : memref<8x128xf32, #tpu.memory_space<vmem>>, vector<1x16xf32>,
    %swap3A_113 = vector.shape_cast %swap3A_112 : vector<1x16xf32> to vector<16xf32>
    %swap3A_114 = vector.shape_cast %broadcast_in_dim3A_1 : vector<16xf32> to vector<1x16xf32>
    tpu.vector_store %arg9[%swap3A_110, %swap3A_111], %swap3A_114 {strides = array<i32>} : memref<8x128xf32, #tpu.memory_space<vmem>>, vector<1x16xf32>,
    %swap3A_115 = arith.constant 2 : i32
    %swap3A_116 = arith.index_cast %swap3A_115 : i32 to index
    %swap3A_117 = arith.constant 48 : index
    %swap3A_118 = tpu.vector_load %arg9[%swap3A_116, %swap3A_117] {strides = array<i32>} : memref<8x128xf32, #tpu.memory_space<vmem>>, vector<1x16xf32>,
    %swap3A_119 = vector.shape_cast %swap3A_118 : vector<1x16xf32> to vector<16xf32>
    %swap3A_120 = vector.shape_cast %broadcast_in_dim3A_1 : vector<16xf32> to vector<1x16xf32>
    tpu.vector_store %arg9[%swap3A_116, %swap3A_117], %swap3A_120 {strides = array<i32>} : memref<8x128xf32, #tpu.memory_space<vmem>>, vector<1x16xf32>,
    %swap3A_121 = arith.constant 2 : i32
    %swap3A_122 = arith.index_cast %swap3A_121 : i32 to index
    %swap3A_123 = arith.constant 64 : index
    %swap3A_124 = tpu.vector_load %arg9[%swap3A_122, %swap3A_123] {strides = array<i32>} : memref<8x128xf32, #tpu.memory_space<vmem>>, vector<1x16xf32>,
    %swap3A_125 = vector.shape_cast %swap3A_124 : vector<1x16xf32> to vector<16xf32>
    %swap3A_126 = vector.shape_cast %broadcast_in_dim3A_1 : vector<16xf32> to vector<1x16xf32>
    tpu.vector_store %arg9[%swap3A_122, %swap3A_123], %swap3A_126 {strides = array<i32>} : memref<8x128xf32, #tpu.memory_space<vmem>>, vector<1x16xf32>,
    %swap3A_127 = arith.constant 2 : i32
    %swap3A_128 = arith.index_cast %swap3A_127 : i32 to index
    %swap3A_129 = arith.constant 80 : index
    %swap3A_130 = tpu.vector_load %arg9[%swap3A_128, %swap3A_129] {strides = array<i32>} : memref<8x128xf32, #tpu.memory_space<vmem>>, vector<1x16xf32>,
    %swap3A_131 = vector.shape_cast %swap3A_130 : vector<1x16xf32> to vector<16xf32>
    %swap3A_132 = vector.shape_cast %broadcast_in_dim3A_1 : vector<16xf32> to vector<1x16xf32>
    tpu.vector_store %arg9[%swap3A_128, %swap3A_129], %swap3A_132 {strides = array<i32>} : memref<8x128xf32, #tpu.memory_space<vmem>>, vector<1x16xf32>,
    %swap3A_133 = arith.constant 2 : i32
    %swap3A_134 = arith.index_cast %swap3A_133 : i32 to index
    %swap3A_135 = arith.constant 96 : index
    %swap3A_136 = tpu.vector_load %arg9[%swap3A_134, %swap3A_135] {strides = array<i32>} : memref<8x128xf32, #tpu.memory_space<vmem>>, vector<1x16xf32>,
    %swap3A_137 = vector.shape_cast %swap3A_136 : vector<1x16xf32> to vector<16xf32>
    %swap3A_138 = vector.shape_cast %broadcast_in_dim3A_1 : vector<16xf32> to vector<1x16xf32>
    tpu.vector_store %arg9[%swap3A_134, %swap3A_135], %swap3A_138 {strides = array<i32>} : memref<8x128xf32, #tpu.memory_space<vmem>>, vector<1x16xf32>,
    %swap3A_139 = arith.constant 2 : i32
    %swap3A_140 = arith.index_cast %swap3A_139 : i32 to index
    %swap3A_141 = arith.constant 112 : index
    %swap3A_142 = tpu.vector_load %arg9[%swap3A_140, %swap3A_141] {strides = array<i32>} : memref<8x128xf32, #tpu.memory_space<vmem>>, vector<1x16xf32>,
    %swap3A_143 = vector.shape_cast %swap3A_142 : vector<1x16xf32> to vector<16xf32>
    %swap3A_144 = vector.shape_cast %broadcast_in_dim3A_1 : vector<16xf32> to vector<1x16xf32>
    tpu.vector_store %arg9[%swap3A_140, %swap3A_141], %swap3A_144 {strides = array<i32>} : memref<8x128xf32, #tpu.memory_space<vmem>>, vector<1x16xf32>,
    %swap3A_145 = arith.constant 3 : i32
    %swap3A_146 = arith.index_cast %swap3A_145 : i32 to index
    %swap3A_147 = arith.constant 0 : index
    %swap3A_148 = tpu.vector_load %arg9[%swap3A_146, %swap3A_147] {strides = array<i32>} : memref<8x128xf32, #tpu.memory_space<vmem>>, vector<1x16xf32>,
    %swap3A_149 = vector.shape_cast %swap3A_148 : vector<1x16xf32> to vector<16xf32>
    %swap3A_150 = vector.shape_cast %broadcast_in_dim3A_1 : vector<16xf32> to vector<1x16xf32>
    tpu.vector_store %arg9[%swap3A_146, %swap3A_147], %swap3A_150 {strides = array<i32>} : memref<8x128xf32, #tpu.memory_space<vmem>>, vector<1x16xf32>,
    %swap3A_151 = arith.constant 3 : i32
    %swap3A_152 = arith.index_cast %swap3A_151 : i32 to index
    %swap3A_153 = arith.constant 16 : index
    %swap3A_154 = tpu.vector_load %arg9[%swap3A_152, %swap3A_153] {strides = array<i32>} : memref<8x128xf32, #tpu.memory_space<vmem>>, vector<1x16xf32>,
    %swap3A_155 = vector.shape_cast %swap3A_154 : vector<1x16xf32> to vector<16xf32>
    %swap3A_156 = vector.shape_cast %broadcast_in_dim3A_1 : vector<16xf32> to vector<1x16xf32>
    tpu.vector_store %arg9[%swap3A_152, %swap3A_153], %swap3A_156 {strides = array<i32>} : memref<8x128xf32, #tpu.memory_space<vmem>>, vector<1x16xf32>,
    %swap3A_157 = arith.constant 3 : i32
    %swap3A_158 = arith.index_cast %swap3A_157 : i32 to index
    %swap3A_159 = arith.constant 32 : index
    %swap3A_160 = tpu.vector_load %arg9[%swap3A_158, %swap3A_159] {strides = array<i32>} : memref<8x128xf32, #tpu.memory_space<vmem>>, vector<1x16xf32>,
    %swap3A_161 = vector.shape_cast %swap3A_160 : vector<1x16xf32> to vector<16xf32>
    %swap3A_162 = vector.shape_cast %broadcast_in_dim3A_1 : vector<16xf32> to vector<1x16xf32>
    tpu.vector_store %arg9[%swap3A_158, %swap3A_159], %swap3A_162 {strides = array<i32>} : memref<8x128xf32, #tpu.memory_space<vmem>>, vector<1x16xf32>,
    %swap3A_163 = arith.constant 3 : i32
    %swap3A_164 = arith.index_cast %swap3A_163 : i32 to index
    %swap3A_165 = arith.constant 48 : index
    %swap3A_166 = tpu.vector_load %arg9[%swap3A_164, %swap3A_165] {strides = array<i32>} : memref<8x128xf32, #tpu.memory_space<vmem>>, vector<1x16xf32>,
    %swap3A_167 = vector.shape_cast %swap3A_166 : vector<1x16xf32> to vector<16xf32>
    %swap3A_168 = vector.shape_cast %broadcast_in_dim3A_1 : vector<16xf32> to vector<1x16xf32>
    tpu.vector_store %arg9[%swap3A_164, %swap3A_165], %swap3A_168 {strides = array<i32>} : memref<8x128xf32, #tpu.memory_space<vmem>>, vector<1x16xf32>,
    %swap3A_169 = arith.constant 3 : i32
    %swap3A_170 = arith.index_cast %swap3A_169 : i32 to index
    %swap3A_171 = arith.constant 64 : index
    %swap3A_172 = tpu.vector_load %arg9[%swap3A_170, %swap3A_171] {strides = array<i32>} : memref<8x128xf32, #tpu.memory_space<vmem>>, vector<1x16xf32>,
    %swap3A_173 = vector.shape_cast %swap3A_172 : vector<1x16xf32> to vector<16xf32>
    %swap3A_174 = vector.shape_cast %broadcast_in_dim3A_1 : vector<16xf32> to vector<1x16xf32>
    tpu.vector_store %arg9[%swap3A_170, %swap3A_171], %swap3A_174 {strides = array<i32>} : memref<8x128xf32, #tpu.memory_space<vmem>>, vector<1x16xf32>,
    %swap3A_175 = arith.constant 3 : i32
    %swap3A_176 = arith.index_cast %swap3A_175 : i32 to index
    %swap3A_177 = arith.constant 80 : index
    %swap3A_178 = tpu.vector_load %arg9[%swap3A_176, %swap3A_177] {strides = array<i32>} : memref<8x128xf32, #tpu.memory_space<vmem>>, vector<1x16xf32>,
    %swap3A_179 = vector.shape_cast %swap3A_178 : vector<1x16xf32> to vector<16xf32>
    %swap3A_180 = vector.shape_cast %broadcast_in_dim3A_1 : vector<16xf32> to vector<1x16xf32>
    tpu.vector_store %arg9[%swap3A_176, %swap3A_177], %swap3A_180 {strides = array<i32>} : memref<8x128xf32, #tpu.memory_space<vmem>>, vector<1x16xf32>,
    %swap3A_181 = arith.constant 3 : i32
    %swap3A_182 = arith.index_cast %swap3A_181 : i32 to index
    %swap3A_183 = arith.constant 96 : index
    %swap3A_184 = tpu.vector_load %arg9[%swap3A_182, %swap3A_183] {strides = array<i32>} : memref<8x128xf32, #tpu.memory_space<vmem>>, vector<1x16xf32>,
    %swap3A_185 = vector.shape_cast %swap3A_184 : vector<1x16xf32> to vector<16xf32>
    %swap3A_186 = vector.shape_cast %broadcast_in_dim3A_1 : vector<16xf32> to vector<1x16xf32>
    tpu.vector_store %arg9[%swap3A_182, %swap3A_183], %swap3A_186 {strides = array<i32>} : memref<8x128xf32, #tpu.memory_space<vmem>>, vector<1x16xf32>,
    %swap3A_187 = arith.constant 3 : i32
    %swap3A_188 = arith.index_cast %swap3A_187 : i32 to index
    %swap3A_189 = arith.constant 112 : index
    %swap3A_190 = tpu.vector_load %arg9[%swap3A_188, %swap3A_189] {strides = array<i32>} : memref<8x128xf32, #tpu.memory_space<vmem>>, vector<1x16xf32>,
    %swap3A_191 = vector.shape_cast %swap3A_190 : vector<1x16xf32> to vector<16xf32>
    %swap3A_192 = vector.shape_cast %broadcast_in_dim3A_1 : vector<16xf32> to vector<1x16xf32>
    tpu.vector_store %arg9[%swap3A_188, %swap3A_189], %swap3A_192 {strides = array<i32>} : memref<8x128xf32, #tpu.memory_space<vmem>>, vector<1x16xf32>,
    %swap3A_193 = arith.constant 4 : i32
    %swap3A_194 = arith.index_cast %swap3A_193 : i32 to index
    %swap3A_195 = arith.constant 0 : index
    %swap3A_196 = tpu.vector_load %arg9[%swap3A_194, %swap3A_195] {strides = array<i32>} : memref<8x128xf32, #tpu.memory_space<vmem>>, vector<1x16xf32>,
    %swap3A_197 = vector.shape_cast %swap3A_196 : vector<1x16xf32> to vector<16xf32>
    %swap3A_198 = vector.shape_cast %broadcast_in_dim3A_1 : vector<16xf32> to vector<1x16xf32>
    tpu.vector_store %arg9[%swap3A_194, %swap3A_195], %swap3A_198 {strides = array<i32>} : memref<8x128xf32, #tpu.memory_space<vmem>>, vector<1x16xf32>,
    %swap3A_199 = arith.constant 4 : i32
    %swap3A_200 = arith.index_cast %swap3A_199 : i32 to index
    %swap3A_201 = arith.constant 16 : index
    %swap3A_202 = tpu.vector_load %arg9[%swap3A_200, %swap3A_201] {strides = array<i32>} : memref<8x128xf32, #tpu.memory_space<vmem>>, vector<1x16xf32>,
    %swap3A_203 = vector.shape_cast %swap3A_202 : vector<1x16xf32> to vector<16xf32>
    %swap3A_204 = vector.shape_cast %broadcast_in_dim3A_1 : vector<16xf32> to vector<1x16xf32>
    tpu.vector_store %arg9[%swap3A_200, %swap3A_201], %swap3A_204 {strides = array<i32>} : memref<8x128xf32, #tpu.memory_space<vmem>>, vector<1x16xf32>,
    %swap3A_205 = arith.constant 4 : i32
    %swap3A_206 = arith.index_cast %swap3A_205 : i32 to index
    %swap3A_207 = arith.constant 32 : index
    %swap3A_208 = tpu.vector_load %arg9[%swap3A_206, %swap3A_207] {strides = array<i32>} : memref<8x128xf32, #tpu.memory_space<vmem>>, vector<1x16xf32>,
    %swap3A_209 = vector.shape_cast %swap3A_208 : vector<1x16xf32> to vector<16xf32>
    %swap3A_210 = vector.shape_cast %broadcast_in_dim3A_1 : vector<16xf32> to vector<1x16xf32>
    tpu.vector_store %arg9[%swap3A_206, %swap3A_207], %swap3A_210 {strides = array<i32>} : memref<8x128xf32, #tpu.memory_space<vmem>>, vector<1x16xf32>,
    %swap3A_211 = arith.constant 4 : i32
    %swap3A_212 = arith.index_cast %swap3A_211 : i32 to index
    %swap3A_213 = arith.constant 48 : index
    %swap3A_214 = tpu.vector_load %arg9[%swap3A_212, %swap3A_213] {strides = array<i32>} : memref<8x128xf32, #tpu.memory_space<vmem>>, vector<1x16xf32>,
    %swap3A_215 = vector.shape_cast %swap3A_214 : vector<1x16xf32> to vector<16xf32>
    %swap3A_216 = vector.shape_cast %broadcast_in_dim3A_1 : vector<16xf32> to vector<1x16xf32>
    tpu.vector_store %arg9[%swap3A_212, %swap3A_213], %swap3A_216 {strides = array<i32>} : memref<8x128xf32, #tpu.memory_space<vmem>>, vector<1x16xf32>,
    %swap3A_217 = arith.constant 4 : i32
    %swap3A_218 = arith.index_cast %swap3A_217 : i32 to index
    %swap3A_219 = arith.constant 64 : index
    %swap3A_220 = tpu.vector_load %arg9[%swap3A_218, %swap3A_219] {strides = array<i32>} : memref<8x128xf32, #tpu.memory_space<vmem>>, vector<1x16xf32>,
    %swap3A_221 = vector.shape_cast %swap3A_220 : vector<1x16xf32> to vector<16xf32>
    %swap3A_222 = vector.shape_cast %broadcast_in_dim3A_1 : vector<16xf32> to vector<1x16xf32>
    tpu.vector_store %arg9[%swap3A_218, %swap3A_219], %swap3A_222 {strides = array<i32>} : memref<8x128xf32, #tpu.memory_space<vmem>>, vector<1x16xf32>,
    %swap3A_223 = arith.constant 4 : i32
    %swap3A_224 = arith.index_cast %swap3A_223 : i32 to index
    %swap3A_225 = arith.constant 80 : index
    %swap3A_226 = tpu.vector_load %arg9[%swap3A_224, %swap3A_225] {strides = array<i32>} : memref<8x128xf32, #tpu.memory_space<vmem>>, vector<1x16xf32>,
    %swap3A_227 = vector.shape_cast %swap3A_226 : vector<1x16xf32> to vector<16xf32>
    %swap3A_228 = vector.shape_cast %broadcast_in_dim3A_1 : vector<16xf32> to vector<1x16xf32>
    tpu.vector_store %arg9[%swap3A_224, %swap3A_225], %swap3A_228 {strides = array<i32>} : memref<8x128xf32, #tpu.memory_space<vmem>>, vector<1x16xf32>,
    %swap3A_229 = arith.constant 4 : i32
    %swap3A_230 = arith.index_cast %swap3A_229 : i32 to index
    %swap3A_231 = arith.constant 96 : index
    %swap3A_232 = tpu.vector_load %arg9[%swap3A_230, %swap3A_231] {strides = array<i32>} : memref<8x128xf32, #tpu.memory_space<vmem>>, vector<1x16xf32>,
    %swap3A_233 = vector.shape_cast %swap3A_232 : vector<1x16xf32> to vector<16xf32>
    %swap3A_234 = vector.shape_cast %broadcast_in_dim3A_1 : vector<16xf32> to vector<1x16xf32>
    tpu.vector_store %arg9[%swap3A_230, %swap3A_231], %swap3A_234 {strides = array<i32>} : memref<8x128xf32, #tpu.memory_space<vmem>>, vector<1x16xf32>,
    %swap3A_235 = arith.constant 4 : i32
    %swap3A_236 = arith.index_cast %swap3A_235 : i32 to index
    %swap3A_237 = arith.constant 112 : index
    %swap3A_238 = tpu.vector_load %arg9[%swap3A_236, %swap3A_237] {strides = array<i32>} : memref<8x128xf32, #tpu.memory_space<vmem>>, vector<1x16xf32>,
    %swap3A_239 = vector.shape_cast %swap3A_238 : vector<1x16xf32> to vector<16xf32>
    %swap3A_240 = vector.shape_cast %broadcast_in_dim3A_1 : vector<16xf32> to vector<1x16xf32>
    tpu.vector_store %arg9[%swap3A_236, %swap3A_237], %swap3A_240 {strides = array<i32>} : memref<8x128xf32, #tpu.memory_space<vmem>>, vector<1x16xf32>,
    %swap3A_241 = arith.constant 5 : i32
    %swap3A_242 = arith.index_cast %swap3A_241 : i32 to index
    %swap3A_243 = arith.constant 0 : index
    %swap3A_244 = tpu.vector_load %arg9[%swap3A_242, %swap3A_243] {strides = array<i32>} : memref<8x128xf32, #tpu.memory_space<vmem>>, vector<1x16xf32>,
    %swap3A_245 = vector.shape_cast %swap3A_244 : vector<1x16xf32> to vector<16xf32>
    %swap3A_246 = vector.shape_cast %broadcast_in_dim3A_1 : vector<16xf32> to vector<1x16xf32>
    tpu.vector_store %arg9[%swap3A_242, %swap3A_243], %swap3A_246 {strides = array<i32>} : memref<8x128xf32, #tpu.memory_space<vmem>>, vector<1x16xf32>,
    %swap3A_247 = arith.constant 5 : i32
    %swap3A_248 = arith.index_cast %swap3A_247 : i32 to index
    %swap3A_249 = arith.constant 16 : index
    %swap3A_250 = tpu.vector_load %arg9[%swap3A_248, %swap3A_249] {strides = array<i32>} : memref<8x128xf32, #tpu.memory_space<vmem>>, vector<1x16xf32>,
    %swap3A_251 = vector.shape_cast %swap3A_250 : vector<1x16xf32> to vector<16xf32>
    %swap3A_252 = vector.shape_cast %broadcast_in_dim3A_1 : vector<16xf32> to vector<1x16xf32>
    tpu.vector_store %arg9[%swap3A_248, %swap3A_249], %swap3A_252 {strides = array<i32>} : memref<8x128xf32, #tpu.memory_space<vmem>>, vector<1x16xf32>,
    %swap3A_253 = arith.constant 5 : i32
    %swap3A_254 = arith.index_cast %swap3A_253 : i32 to index
    %swap3A_255 = arith.constant 32 : index
    %swap3A_256 = tpu.vector_load %arg9[%swap3A_254, %swap3A_255] {strides = array<i32>} : memref<8x128xf32, #tpu.memory_space<vmem>>, vector<1x16xf32>,
    %swap3A_257 = vector.shape_cast %swap3A_256 : vector<1x16xf32> to vector<16xf32>
    %swap3A_258 = vector.shape_cast %broadcast_in_dim3A_1 : vector<16xf32> to vector<1x16xf32>
    tpu.vector_store %arg9[%swap3A_254, %swap3A_255], %swap3A_258 {strides = array<i32>} : memref<8x128xf32, #tpu.memory_space<vmem>>, vector<1x16xf32>,
    %swap3A_259 = arith.constant 5 : i32
    %swap3A_260 = arith.index_cast %swap3A_259 : i32 to index
    %swap3A_261 = arith.constant 48 : index
    %swap3A_262 = tpu.vector_load %arg9[%swap3A_260, %swap3A_261] {strides = array<i32>} : memref<8x128xf32, #tpu.memory_space<vmem>>, vector<1x16xf32>,
    %swap3A_263 = vector.shape_cast %swap3A_262 : vector<1x16xf32> to vector<16xf32>
    %swap3A_264 = vector.shape_cast %broadcast_in_dim3A_1 : vector<16xf32> to vector<1x16xf32>
    tpu.vector_store %arg9[%swap3A_260, %swap3A_261], %swap3A_264 {strides = array<i32>} : memref<8x128xf32, #tpu.memory_space<vmem>>, vector<1x16xf32>,
    %swap3A_265 = arith.constant 5 : i32
    %swap3A_266 = arith.index_cast %swap3A_265 : i32 to index
    %swap3A_267 = arith.constant 64 : index
    %swap3A_268 = tpu.vector_load %arg9[%swap3A_266, %swap3A_267] {strides = array<i32>} : memref<8x128xf32, #tpu.memory_space<vmem>>, vector<1x16xf32>,
    %swap3A_269 = vector.shape_cast %swap3A_268 : vector<1x16xf32> to vector<16xf32>
    %swap3A_270 = vector.shape_cast %broadcast_in_dim3A_1 : vector<16xf32> to vector<1x16xf32>
    tpu.vector_store %arg9[%swap3A_266, %swap3A_267], %swap3A_270 {strides = array<i32>} : memref<8x128xf32, #tpu.memory_space<vmem>>, vector<1x16xf32>,
    %swap3A_271 = arith.constant 5 : i32
    %swap3A_272 = arith.index_cast %swap3A_271 : i32 to index
    %swap3A_273 = arith.constant 80 : index
    %swap3A_274 = tpu.vector_load %arg9[%swap3A_272, %swap3A_273] {strides = array<i32>} : memref<8x128xf32, #tpu.memory_space<vmem>>, vector<1x16xf32>,
    %swap3A_275 = vector.shape_cast %swap3A_274 : vector<1x16xf32> to vector<16xf32>
    %swap3A_276 = vector.shape_cast %broadcast_in_dim3A_1 : vector<16xf32> to vector<1x16xf32>
    tpu.vector_store %arg9[%swap3A_272, %swap3A_273], %swap3A_276 {strides = array<i32>} : memref<8x128xf32, #tpu.memory_space<vmem>>, vector<1x16xf32>,
    %swap3A_277 = arith.constant 5 : i32
    %swap3A_278 = arith.index_cast %swap3A_277 : i32 to index
    %swap3A_279 = arith.constant 96 : index
    %swap3A_280 = tpu.vector_load %arg9[%swap3A_278, %swap3A_279] {strides = array<i32>} : memref<8x128xf32, #tpu.memory_space<vmem>>, vector<1x16xf32>,
    %swap3A_281 = vector.shape_cast %swap3A_280 : vector<1x16xf32> to vector<16xf32>
    %swap3A_282 = vector.shape_cast %broadcast_in_dim3A_1 : vector<16xf32> to vector<1x16xf32>
    tpu.vector_store %arg9[%swap3A_278, %swap3A_279], %swap3A_282 {strides = array<i32>} : memref<8x128xf32, #tpu.memory_space<vmem>>, vector<1x16xf32>,
    %swap3A_283 = arith.constant 5 : i32
    %swap3A_284 = arith.index_cast %swap3A_283 : i32 to index
    %swap3A_285 = arith.constant 112 : index
    %swap3A_286 = tpu.vector_load %arg9[%swap3A_284, %swap3A_285] {strides = array<i32>} : memref<8x128xf32, #tpu.memory_space<vmem>>, vector<1x16xf32>,
    %swap3A_287 = vector.shape_cast %swap3A_286 : vector<1x16xf32> to vector<16xf32>
    %swap3A_288 = vector.shape_cast %broadcast_in_dim3A_1 : vector<16xf32> to vector<1x16xf32>
    tpu.vector_store %arg9[%swap3A_284, %swap3A_285], %swap3A_288 {strides = array<i32>} : memref<8x128xf32, #tpu.memory_space<vmem>>, vector<1x16xf32>,
    %swap3A_289 = arith.constant 6 : i32
    %swap3A_290 = arith.index_cast %swap3A_289 : i32 to index
    %swap3A_291 = arith.constant 0 : index
    %swap3A_292 = tpu.vector_load %arg9[%swap3A_290, %swap3A_291] {strides = array<i32>} : memref<8x128xf32, #tpu.memory_space<vmem>>, vector<1x16xf32>,
    %swap3A_293 = vector.shape_cast %swap3A_292 : vector<1x16xf32> to vector<16xf32>
    %swap3A_294 = vector.shape_cast %broadcast_in_dim3A_1 : vector<16xf32> to vector<1x16xf32>
    tpu.vector_store %arg9[%swap3A_290, %swap3A_291], %swap3A_294 {strides = array<i32>} : memref<8x128xf32, #tpu.memory_space<vmem>>, vector<1x16xf32>,
    %swap3A_295 = arith.constant 6 : i32
    %swap3A_296 = arith.index_cast %swap3A_295 : i32 to index
    %swap3A_297 = arith.constant 16 : index
    %swap3A_298 = tpu.vector_load %arg9[%swap3A_296, %swap3A_297] {strides = array<i32>} : memref<8x128xf32, #tpu.memory_space<vmem>>, vector<1x16xf32>,
    %swap3A_299 = vector.shape_cast %swap3A_298 : vector<1x16xf32> to vector<16xf32>
    %swap3A_300 = vector.shape_cast %broadcast_in_dim3A_1 : vector<16xf32> to vector<1x16xf32>
    tpu.vector_store %arg9[%swap3A_296, %swap3A_297], %swap3A_300 {strides = array<i32>} : memref<8x128xf32, #tpu.memory_space<vmem>>, vector<1x16xf32>,
    %swap3A_301 = arith.constant 6 : i32
    %swap3A_302 = arith.index_cast %swap3A_301 : i32 to index
    %swap3A_303 = arith.constant 32 : index
    %swap3A_304 = tpu.vector_load %arg9[%swap3A_302, %swap3A_303] {strides = array<i32>} : memref<8x128xf32, #tpu.memory_space<vmem>>, vector<1x16xf32>,
    %swap3A_305 = vector.shape_cast %swap3A_304 : vector<1x16xf32> to vector<16xf32>
    %swap3A_306 = vector.shape_cast %broadcast_in_dim3A_1 : vector<16xf32> to vector<1x16xf32>
    tpu.vector_store %arg9[%swap3A_302, %swap3A_303], %swap3A_306 {strides = array<i32>} : memref<8x128xf32, #tpu.memory_space<vmem>>, vector<1x16xf32>,
    %swap3A_307 = arith.constant 6 : i32
    %swap3A_308 = arith.index_cast %swap3A_307 : i32 to index
    %swap3A_309 = arith.constant 48 : index
    %swap3A_310 = tpu.vector_load %arg9[%swap3A_308, %swap3A_309] {strides = array<i32>} : memref<8x128xf32, #tpu.memory_space<vmem>>, vector<1x16xf32>,
    %swap3A_311 = vector.shape_cast %swap3A_310 : vector<1x16xf32> to vector<16xf32>
    %swap3A_312 = vector.shape_cast %broadcast_in_dim3A_1 : vector<16xf32> to vector<1x16xf32>
    tpu.vector_store %arg9[%swap3A_308, %swap3A_309], %swap3A_312 {strides = array<i32>} : memref<8x128xf32, #tpu.memory_space<vmem>>, vector<1x16xf32>,
    %swap3A_313 = arith.constant 6 : i32
    %swap3A_314 = arith.index_cast %swap3A_313 : i32 to index
    %swap3A_315 = arith.constant 64 : index
    %swap3A_316 = tpu.vector_load %arg9[%swap3A_314, %swap3A_315] {strides = array<i32>} : memref<8x128xf32, #tpu.memory_space<vmem>>, vector<1x16xf32>,
    %swap3A_317 = vector.shape_cast %swap3A_316 : vector<1x16xf32> to vector<16xf32>
    %swap3A_318 = vector.shape_cast %broadcast_in_dim3A_1 : vector<16xf32> to vector<1x16xf32>
    tpu.vector_store %arg9[%swap3A_314, %swap3A_315], %swap3A_318 {strides = array<i32>} : memref<8x128xf32, #tpu.memory_space<vmem>>, vector<1x16xf32>,
    %swap3A_319 = arith.constant 6 : i32
    %swap3A_320 = arith.index_cast %swap3A_319 : i32 to index
    %swap3A_321 = arith.constant 80 : index
    %swap3A_322 = tpu.vector_load %arg9[%swap3A_320, %swap3A_321] {strides = array<i32>} : memref<8x128xf32, #tpu.memory_space<vmem>>, vector<1x16xf32>,
    %swap3A_323 = vector.shape_cast %swap3A_322 : vector<1x16xf32> to vector<16xf32>
    %swap3A_324 = vector.shape_cast %broadcast_in_dim3A_1 : vector<16xf32> to vector<1x16xf32>
    tpu.vector_store %arg9[%swap3A_320, %swap3A_321], %swap3A_324 {strides = array<i32>} : memref<8x128xf32, #tpu.memory_space<vmem>>, vector<1x16xf32>,
    %swap3A_325 = arith.constant 6 : i32
    %swap3A_326 = arith.index_cast %swap3A_325 : i32 to index
    %swap3A_327 = arith.constant 96 : index
    %swap3A_328 = tpu.vector_load %arg9[%swap3A_326, %swap3A_327] {strides = array<i32>} : memref<8x128xf32, #tpu.memory_space<vmem>>, vector<1x16xf32>,
    %swap3A_329 = vector.shape_cast %swap3A_328 : vector<1x16xf32> to vector<16xf32>
    %swap3A_330 = vector.shape_cast %broadcast_in_dim3A_1 : vector<16xf32> to vector<1x16xf32>
    tpu.vector_store %arg9[%swap3A_326, %swap3A_327], %swap3A_330 {strides = array<i32>} : memref<8x128xf32, #tpu.memory_space<vmem>>, vector<1x16xf32>,
    %swap3A_331 = arith.constant 6 : i32
    %swap3A_332 = arith.index_cast %swap3A_331 : i32 to index
    %swap3A_333 = arith.constant 112 : index
    %swap3A_334 = tpu.vector_load %arg9[%swap3A_332, %swap3A_333] {strides = array<i32>} : memref<8x128xf32, #tpu.memory_space<vmem>>, vector<1x16xf32>,
    %swap3A_335 = vector.shape_cast %swap3A_334 : vector<1x16xf32> to vector<16xf32>
    %swap3A_336 = vector.shape_cast %broadcast_in_dim3A_1 : vector<16xf32> to vector<1x16xf32>
    tpu.vector_store %arg9[%swap3A_332, %swap3A_333], %swap3A_336 {strides = array<i32>} : memref<8x128xf32, #tpu.memory_space<vmem>>, vector<1x16xf32>,
    %swap3A_337 = arith.constant 7 : i32
    %swap3A_338 = arith.index_cast %swap3A_337 : i32 to index
    %swap3A_339 = arith.constant 0 : index
    %swap3A_340 = tpu.vector_load %arg9[%swap3A_338, %swap3A_339] {strides = array<i32>} : memref<8x128xf32, #tpu.memory_space<vmem>>, vector<1x16xf32>,
    %swap3A_341 = vector.shape_cast %swap3A_340 : vector<1x16xf32> to vector<16xf32>
    %swap3A_342 = vector.shape_cast %broadcast_in_dim3A_1 : vector<16xf32> to vector<1x16xf32>
    tpu.vector_store %arg9[%swap3A_338, %swap3A_339], %swap3A_342 {strides = array<i32>} : memref<8x128xf32, #tpu.memory_space<vmem>>, vector<1x16xf32>,
    %swap3A_343 = arith.constant 7 : i32
    %swap3A_344 = arith.index_cast %swap3A_343 : i32 to index
    %swap3A_345 = arith.constant 16 : index
    %swap3A_346 = tpu.vector_load %arg9[%swap3A_344, %swap3A_345] {strides = array<i32>} : memref<8x128xf32, #tpu.memory_space<vmem>>, vector<1x16xf32>,
    %swap3A_347 = vector.shape_cast %swap3A_346 : vector<1x16xf32> to vector<16xf32>
    %swap3A_348 = vector.shape_cast %broadcast_in_dim3A_1 : vector<16xf32> to vector<1x16xf32>
    tpu.vector_store %arg9[%swap3A_344, %swap3A_345], %swap3A_348 {strides = array<i32>} : memref<8x128xf32, #tpu.memory_space<vmem>>, vector<1x16xf32>,
    %swap3A_349 = arith.constant 7 : i32
    %swap3A_350 = arith.index_cast %swap3A_349 : i32 to index
    %swap3A_351 = arith.constant 32 : index
    %swap3A_352 = tpu.vector_load %arg9[%swap3A_350, %swap3A_351] {strides = array<i32>} : memref<8x128xf32, #tpu.memory_space<vmem>>, vector<1x16xf32>,
    %swap3A_353 = vector.shape_cast %swap3A_352 : vector<1x16xf32> to vector<16xf32>
    %swap3A_354 = vector.shape_cast %broadcast_in_dim3A_1 : vector<16xf32> to vector<1x16xf32>
    tpu.vector_store %arg9[%swap3A_350, %swap3A_351], %swap3A_354 {strides = array<i32>} : memref<8x128xf32, #tpu.memory_space<vmem>>, vector<1x16xf32>,
    %swap3A_355 = arith.constant 7 : i32
    %swap3A_356 = arith.index_cast %swap3A_355 : i32 to index
    %swap3A_357 = arith.constant 48 : index
    %swap3A_358 = tpu.vector_load %arg9[%swap3A_356, %swap3A_357] {strides = array<i32>} : memref<8x128xf32, #tpu.memory_space<vmem>>, vector<1x16xf32>,
    %swap3A_359 = vector.shape_cast %swap3A_358 : vector<1x16xf32> to vector<16xf32>
    %swap3A_360 = vector.shape_cast %broadcast_in_dim3A_1 : vector<16xf32> to vector<1x16xf32>
    tpu.vector_store %arg9[%swap3A_356, %swap3A_357], %swap3A_360 {strides = array<i32>} : memref<8x128xf32, #tpu.memory_space<vmem>>, vector<1x16xf32>,
    %swap3A_361 = arith.constant 7 : i32
    %swap3A_362 = arith.index_cast %swap3A_361 : i32 to index
    %swap3A_363 = arith.constant 64 : index
    %swap3A_364 = tpu.vector_load %arg9[%swap3A_362, %swap3A_363] {strides = array<i32>} : memref<8x128xf32, #tpu.memory_space<vmem>>, vector<1x16xf32>,
    %swap3A_365 = vector.shape_cast %swap3A_364 : vector<1x16xf32> to vector<16xf32>
    %swap3A_366 = vector.shape_cast %broadcast_in_dim3A_1 : vector<16xf32> to vector<1x16xf32>
    tpu.vector_store %arg9[%swap3A_362, %swap3A_363], %swap3A_366 {strides = array<i32>} : memref<8x128xf32, #tpu.memory_space<vmem>>, vector<1x16xf32>,
    %swap3A_367 = arith.constant 7 : i32
    %swap3A_368 = arith.index_cast %swap3A_367 : i32 to index
    %swap3A_369 = arith.constant 80 : index
    %swap3A_370 = tpu.vector_load %arg9[%swap3A_368, %swap3A_369] {strides = array<i32>} : memref<8x128xf32, #tpu.memory_space<vmem>>, vector<1x16xf32>,
    %swap3A_371 = vector.shape_cast %swap3A_370 : vector<1x16xf32> to vector<16xf32>
    %swap3A_372 = vector.shape_cast %broadcast_in_dim3A_1 : vector<16xf32> to vector<1x16xf32>
    tpu.vector_store %arg9[%swap3A_368, %swap3A_369], %swap3A_372 {strides = array<i32>} : memref<8x128xf32, #tpu.memory_space<vmem>>, vector<1x16xf32>,
    %swap3A_373 = arith.constant 7 : i32
    %swap3A_374 = arith.index_cast %swap3A_373 : i32 to index
    %swap3A_375 = arith.constant 96 : index
    %swap3A_376 = tpu.vector_load %arg9[%swap3A_374, %swap3A_375] {strides = array<i32>} : memref<8x128xf32, #tpu.memory_space<vmem>>, vector<1x16xf32>,
    %swap3A_377 = vector.shape_cast %swap3A_376 : vector<1x16xf32> to vector<16xf32>
    %swap3A_378 = vector.shape_cast %broadcast_in_dim3A_1 : vector<16xf32> to vector<1x16xf32>
    tpu.vector_store %arg9[%swap3A_374, %swap3A_375], %swap3A_378 {strides = array<i32>} : memref<8x128xf32, #tpu.memory_space<vmem>>, vector<1x16xf32>,
    %swap3A_379 = arith.constant 7 : i32
    %swap3A_380 = arith.index_cast %swap3A_379 : i32 to index
    %swap3A_381 = arith.constant 112 : index
    %swap3A_382 = tpu.vector_load %arg9[%swap3A_380, %swap3A_381] {strides = array<i32>} : memref<8x128xf32, #tpu.memory_space<vmem>>, vector<1x16xf32>,
    %swap3A_383 = vector.shape_cast %swap3A_382 : vector<1x16xf32> to vector<16xf32>
    %swap3A_384 = vector.shape_cast %broadcast_in_dim3A_1 : vector<16xf32> to vector<1x16xf32>
    tpu.vector_store %arg9[%swap3A_380, %swap3A_381], %swap3A_384 {strides = array<i32>} : memref<8x128xf32, #tpu.memory_space<vmem>>, vector<1x16xf32>,
    %scan3A = arith.constant 0 : i32
    %scan3A_385 = arith.constant 0 : i32
    %scan3A_386 = arith.constant 80 : i32
    %scan3A_387 = arith.addi %scan3A_385, %scan3A_386 : i32
    %scan3A_388 = arith.constant 1 : i32
    scf.for %scan3A_401 = %scan3A_385 to %scan3A_387 step %scan3A_388  : i32 {
      %mul3A_402 = arith.constant 640 : i32
      %mul3A_403 = arith.muli %arg1, %mul3A_402 : i32
      %mul3A_404 = arith.constant 8 : i32
      %mul3A_405 = arith.muli %scan3A_401, %mul3A_404 : i32
      %add3A_406 = arith.addi %mul3A_403, %mul3A_405 : i32
      "tpu.region"() ({
        %run_scoped3A = tpu.sem_alloc : memref<!tpu.dma_semaphore, #tpu.memory_space<semaphore_mem>>
        %dma_start3A = arith.constant 0 : i32
        %dma_start3A_407 = tpu.memref_slice %arg10[%add3A_406, %dma_start3A] : memref<10240x128xf32, #tpu.memory_space<vmem_shared>> -> memref<8x128xf32, #tpu.memory_space<vmem_shared>>
        %dma_start3A_408 = arith.constant 0 : i32
        %dma_start3A_409 = tpu.memref_slice %arg10[%add3A_406, %dma_start3A_408] : memref<10240x128xf32, #tpu.memory_space<vmem_shared>> -> memref<8x128xf32, #tpu.memory_space<vmem_shared>>
        tpu.enqueue_dma source(%arg9 : memref<8x128xf32, #tpu.memory_space<vmem>>) target(%dma_start3A_409 : memref<8x128xf32, #tpu.memory_space<vmem_shared>>) target_semaphore(%run_scoped3A : memref<!tpu.dma_semaphore, #tpu.memory_space<semaphore_mem>>)
        %dma_wait3A = arith.constant 0 : i32
        %dma_wait3A_410 = tpu.memref_slice %arg10[%add3A_406, %dma_wait3A] : memref<10240x128xf32, #tpu.memory_space<vmem_shared>> -> memref<8x128xf32, #tpu.memory_space<vmem_shared>>
        %dma_wait3A_411 = arith.constant 0 : i32
        %dma_wait3A_412 = tpu.memref_slice %arg10[%add3A_406, %dma_wait3A_411] : memref<10240x128xf32, #tpu.memory_space<vmem_shared>> -> memref<8x128xf32, #tpu.memory_space<vmem_shared>>
        tpu.wait_dma2 semaphore(%run_scoped3A : memref<!tpu.dma_semaphore, #tpu.memory_space<semaphore_mem>>) src(%arg9 : memref<8x128xf32, #tpu.memory_space<vmem>>) dst(%dma_wait3A_412 : memref<8x128xf32, #tpu.memory_space<vmem_shared>>)
        tpu.yield
      }) : () -> ()
    }
    %scan3A_389 = arith.constant 80 : i32
    %barrier3A = arith.constant 0 : index
    tpu.barrier barrier_id(%barrier3A)
    %scan3A_390 = arith.constant 0 : i32
    %scan3A_391 = arith.constant 0 : i32
    %scan3A_392 = arith.constant 40 : i32
    %scan3A_393 = arith.addi %scan3A_391, %scan3A_392 : i32
    %scan3A_394 = arith.constant 1 : i32
    scf.for %scan3A_401 = %scan3A_391 to %scan3A_393 step %scan3A_394  : i32 {
      %mul3A_402 = arith.constant 80 : i32
      %mul3A_403 = arith.muli %add3A, %mul3A_402 : i32
      %mul3A_404 = arith.constant 2 : i32
      %mul3A_405 = arith.muli %scan3A_401, %mul3A_404 : i32
      %add3A_406 = arith.addi %mul3A_403, %mul3A_405 : i32
      "tpu.region"() ({
        %run_scoped3A_456 = tpu.sem_alloc : memref<!tpu.dma_semaphore, #tpu.memory_space<semaphore_mem>>
        %dma_start3A_457 = arith.constant 0 : i32
        %dma_start3A_458 = tpu.memref_slice %arg3[%add3A_406, %dma_start3A_457] : memref<2560x128xi32, #tpu.memory_space<hbm>> -> memref<2x128xi32, #tpu.memory_space<hbm>>
        %dma_start3A_459 = arith.constant 0 : i32
        %dma_start3A_460 = tpu.memref_slice %arg3[%add3A_406, %dma_start3A_459] : memref<2560x128xi32, #tpu.memory_space<hbm>> -> memref<2x128xi32, #tpu.memory_space<hbm>>
        tpu.enqueue_dma source(%dma_start3A_460 : memref<2x128xi32, #tpu.memory_space<hbm>>) target(%arg6 : memref<2x128xi32, #tpu.memory_space<vmem>>) target_semaphore(%run_scoped3A_456 : memref<!tpu.dma_semaphore, #tpu.memory_space<semaphore_mem>>)
        %dma_wait3A_461 = arith.constant 0 : i32
        %dma_wait3A_462 = tpu.memref_slice %arg3[%add3A_406, %dma_wait3A_461] : memref<2560x128xi32, #tpu.memory_space<hbm>> -> memref<2x128xi32, #tpu.memory_space<hbm>>
        %dma_wait3A_463 = arith.constant 0 : i32
        %dma_wait3A_464 = tpu.memref_slice %arg3[%add3A_406, %dma_wait3A_463] : memref<2560x128xi32, #tpu.memory_space<hbm>> -> memref<2x128xi32, #tpu.memory_space<hbm>>
        tpu.wait_dma2 semaphore(%run_scoped3A_456 : memref<!tpu.dma_semaphore, #tpu.memory_space<semaphore_mem>>) src(%dma_wait3A_464 : memref<2x128xi32, #tpu.memory_space<hbm>>) dst(%arg6 : memref<2x128xi32, #tpu.memory_space<vmem>>)
        tpu.yield
      }) : () -> ()
      "tpu.region"() ({
        %run_scoped3A_456 = tpu.sem_alloc : memref<!tpu.dma_semaphore, #tpu.memory_space<semaphore_mem>>
        %dma_start3A_457 = arith.constant 0 : i32
        %dma_start3A_458 = tpu.memref_slice %arg4[%add3A_406, %dma_start3A_457] : memref<2560x128xi32, #tpu.memory_space<hbm>> -> memref<2x128xi32, #tpu.memory_space<hbm>>
        %dma_start3A_459 = arith.constant 0 : i32
        %dma_start3A_460 = tpu.memref_slice %arg4[%add3A_406, %dma_start3A_459] : memref<2560x128xi32, #tpu.memory_space<hbm>> -> memref<2x128xi32, #tpu.memory_space<hbm>>
        tpu.enqueue_dma source(%dma_start3A_460 : memref<2x128xi32, #tpu.memory_space<hbm>>) target(%arg7 : memref<2x128xi32, #tpu.memory_space<vmem>>) target_semaphore(%run_scoped3A_456 : memref<!tpu.dma_semaphore, #tpu.memory_space<semaphore_mem>>)
        %dma_wait3A_461 = arith.constant 0 : i32
        %dma_wait3A_462 = tpu.memref_slice %arg4[%add3A_406, %dma_wait3A_461] : memref<2560x128xi32, #tpu.memory_space<hbm>> -> memref<2x128xi32, #tpu.memory_space<hbm>>
        %dma_wait3A_463 = arith.constant 0 : i32
        %dma_wait3A_464 = tpu.memref_slice %arg4[%add3A_406, %dma_wait3A_463] : memref<2560x128xi32, #tpu.memory_space<hbm>> -> memref<2x128xi32, #tpu.memory_space<hbm>>
        tpu.wait_dma2 semaphore(%run_scoped3A_456 : memref<!tpu.dma_semaphore, #tpu.memory_space<semaphore_mem>>) src(%dma_wait3A_464 : memref<2x128xi32, #tpu.memory_space<hbm>>) dst(%arg7 : memref<2x128xi32, #tpu.memory_space<vmem>>)
        tpu.yield
      }) : () -> ()
      %dma_start3A = arith.constant 0 : i32
      %dma_start3A_407 = arith.constant 0 : i32
      %dma_start3A_408 = arith.constant 0 : i32
      %dma_start3A_409 = arith.constant 0 : i32
      %dma_start3A_410 = tpu.memref_slice %arg8[%dma_start3A_407, %dma_start3A_408, %dma_start3A_409] : memref<2x128x128xf32, #tpu.memory_space<vmem>> -> memref<1x128x128xf32, #tpu.memory_space<vmem>>
      %dma_start3A_411 = tpu.memref_squeeze %dma_start3A_410 : memref<1x128x128xf32, #tpu.memory_space<vmem>> -> memref<128x128xf32, #tpu.memory_space<vmem>>
      %dma_start3A_412 = arith.constant 0 : i32
      %dma_start3A_413 = tpu.memref_slice %arg6[%dma_start3A, %dma_start3A_412] : memref<2x128xi32, #tpu.memory_space<vmem>> -> memref<1x128xi32, #tpu.memory_space<vmem>>
      %dma_start3A_414 = tpu.memref_squeeze %dma_start3A_413 : memref<1x128xi32, #tpu.memory_space<vmem>> -> memref<128xi32, #tpu.memory_space<vmem>>
      %dma_start3A_415 = arith.constant 0 : i32
      %dma_start3A_416 = arith.constant 0 : i32
      %dma_start3A_417 = tpu.memref_slice %arg2[%dma_start3A_415, %dma_start3A_416] : memref<10000x128xf32, #tpu.memory_space<hbm>> -> memref<10000x128xf32, #tpu.memory_space<hbm>>
      tpu.enqueue_indirect_dma source(%dma_start3A_417 : memref<10000x128xf32, #tpu.memory_space<hbm>>) target(%dma_start3A_411 : memref<128x128xf32, #tpu.memory_space<vmem>>) offsets(%dma_start3A_414 : memref<128xi32, #tpu.memory_space<vmem>>) semaphore(%arg11 : memref<!tpu.dma_semaphore, #tpu.memory_space<semaphore_mem>>)
      %dma_start3A_418 = arith.constant 1 : i32
      %dma_start3A_419 = arith.constant 1 : i32
      %dma_start3A_420 = arith.constant 0 : i32
      %dma_start3A_421 = arith.constant 0 : i32
      %dma_start3A_422 = tpu.memref_slice %arg8[%dma_start3A_419, %dma_start3A_420, %dma_start3A_421] : memref<2x128x128xf32, #tpu.memory_space<vmem>> -> memref<1x128x128xf32, #tpu.memory_space<vmem>>
      %dma_start3A_423 = tpu.memref_squeeze %dma_start3A_422 : memref<1x128x128xf32, #tpu.memory_space<vmem>> -> memref<128x128xf32, #tpu.memory_space<vmem>>
      %dma_start3A_424 = arith.constant 0 : i32
      %dma_start3A_425 = tpu.memref_slice %arg6[%dma_start3A_418, %dma_start3A_424] : memref<2x128xi32, #tpu.memory_space<vmem>> -> memref<1x128xi32, #tpu.memory_space<vmem>>
      %dma_start3A_426 = tpu.memref_squeeze %dma_start3A_425 : memref<1x128xi32, #tpu.memory_space<vmem>> -> memref<128xi32, #tpu.memory_space<vmem>>
      %dma_start3A_427 = arith.constant 0 : i32
      %dma_start3A_428 = arith.constant 0 : i32
      %dma_start3A_429 = tpu.memref_slice %arg2[%dma_start3A_427, %dma_start3A_428] : memref<10000x128xf32, #tpu.memory_space<hbm>> -> memref<10000x128xf32, #tpu.memory_space<hbm>>
      tpu.enqueue_indirect_dma source(%dma_start3A_429 : memref<10000x128xf32, #tpu.memory_space<hbm>>) target(%dma_start3A_423 : memref<128x128xf32, #tpu.memory_space<vmem>>) offsets(%dma_start3A_426 : memref<128xi32, #tpu.memory_space<vmem>>) semaphore(%arg11 : memref<!tpu.dma_semaphore, #tpu.memory_space<semaphore_mem>>)
      %dma_wait3A = arith.constant 0 : i32
      %dma_wait3A_430 = arith.constant 0 : i32
      %dma_wait3A_431 = arith.constant 0 : i32
      %dma_wait3A_432 = arith.constant 0 : i32
      %dma_wait3A_433 = tpu.memref_slice %arg8[%dma_wait3A_430, %dma_wait3A_431, %dma_wait3A_432] : memref<2x128x128xf32, #tpu.memory_space<vmem>> -> memref<1x128x128xf32, #tpu.memory_space<vmem>>
      %dma_wait3A_434 = tpu.memref_squeeze %dma_wait3A_433 : memref<1x128x128xf32, #tpu.memory_space<vmem>> -> memref<128x128xf32, #tpu.memory_space<vmem>>
      %dma_wait3A_435 = arith.constant 0 : i32
      %dma_wait3A_436 = tpu.memref_slice %arg6[%dma_wait3A, %dma_wait3A_435] : memref<2x128xi32, #tpu.memory_space<vmem>> -> memref<1x128xi32, #tpu.memory_space<vmem>>
      %dma_wait3A_437 = tpu.memref_squeeze %dma_wait3A_436 : memref<1x128xi32, #tpu.memory_space<vmem>> -> memref<128xi32, #tpu.memory_space<vmem>>
      %dma_wait3A_438 = arith.constant 0 : i32
      %dma_wait3A_439 = arith.constant 0 : i32
      %dma_wait3A_440 = tpu.memref_slice %arg2[%dma_wait3A_438, %dma_wait3A_439] : memref<10000x128xf32, #tpu.memory_space<hbm>> -> memref<10000x128xf32, #tpu.memory_space<hbm>>
      tpu.wait_indirect_dma semaphore(%arg11 : memref<!tpu.dma_semaphore, #tpu.memory_space<semaphore_mem>>) src(%dma_wait3A_440 : memref<10000x128xf32, #tpu.memory_space<hbm>>) dst(%dma_wait3A_434 : memref<128x128xf32, #tpu.memory_space<vmem>>)
      %dma_wait3A_441 = arith.constant 1 : i32
      %dma_wait3A_442 = arith.constant 1 : i32
      %dma_wait3A_443 = arith.constant 0 : i32
      %dma_wait3A_444 = arith.constant 0 : i32
      %dma_wait3A_445 = tpu.memref_slice %arg8[%dma_wait3A_442, %dma_wait3A_443, %dma_wait3A_444] : memref<2x128x128xf32, #tpu.memory_space<vmem>> -> memref<1x128x128xf32, #tpu.memory_space<vmem>>
      %dma_wait3A_446 = tpu.memref_squeeze %dma_wait3A_445 : memref<1x128x128xf32, #tpu.memory_space<vmem>> -> memref<128x128xf32, #tpu.memory_space<vmem>>
      %dma_wait3A_447 = arith.constant 0 : i32
      %dma_wait3A_448 = tpu.memref_slice %arg6[%dma_wait3A_441, %dma_wait3A_447] : memref<2x128xi32, #tpu.memory_space<vmem>> -> memref<1x128xi32, #tpu.memory_space<vmem>>
      %dma_wait3A_449 = tpu.memref_squeeze %dma_wait3A_448 : memref<1x128xi32, #tpu.memory_space<vmem>> -> memref<128xi32, #tpu.memory_space<vmem>>
      %dma_wait3A_450 = arith.constant 0 : i32
      %dma_wait3A_451 = arith.constant 0 : i32
      %dma_wait3A_452 = tpu.memref_slice %arg2[%dma_wait3A_450, %dma_wait3A_451] : memref<10000x128xf32, #tpu.memory_space<hbm>> -> memref<10000x128xf32, #tpu.memory_space<hbm>>
      tpu.wait_indirect_dma semaphore(%arg11 : memref<!tpu.dma_semaphore, #tpu.memory_space<semaphore_mem>>) src(%dma_wait3A_452 : memref<10000x128xf32, #tpu.memory_space<hbm>>) dst(%dma_wait3A_446 : memref<128x128xf32, #tpu.memory_space<vmem>>)
      %run_scoped3A = arith.constant 0 : i32
      %run_scoped3A_453 = arith.constant 0 : i32
      "tpu.region"() ({
        %run_scoped3A_456 = tpu.sem_alloc : memref<!tpu.dma_semaphore, #tpu.memory_space<semaphore_mem>>
        %dma_start3A_457 = arith.constant 0 : i32
        %dma_start3A_458 = arith.constant 0 : i32
        %dma_start3A_459 = tpu.memref_slice %arg8[%run_scoped3A, %dma_start3A_457, %dma_start3A_458] : memref<2x128x128xf32, #tpu.memory_space<vmem>> -> memref<1x128x128xf32, #tpu.memory_space<vmem>>
        %dma_start3A_460 = tpu.memref_squeeze %dma_start3A_459 : memref<1x128x128xf32, #tpu.memory_space<vmem>> -> memref<128x128xf32, #tpu.memory_space<vmem>>
        %dma_start3A_461 = arith.constant 0 : i32
        %dma_start3A_462 = tpu.memref_slice %arg7[%run_scoped3A_453, %dma_start3A_461] : memref<2x128xi32, #tpu.memory_space<vmem>> -> memref<1x128xi32, #tpu.memory_space<vmem>>
        %dma_start3A_463 = tpu.memref_squeeze %dma_start3A_462 : memref<1x128xi32, #tpu.memory_space<vmem>> -> memref<128xi32, #tpu.memory_space<vmem>>
        %dma_start3A_464 = arith.constant 0 : i32
        %dma_start3A_465 = arith.constant 0 : i32
        %dma_start3A_466 = tpu.memref_slice %arg10[%dma_start3A_464, %dma_start3A_465] : memref<10240x128xf32, #tpu.memory_space<vmem_shared>> -> memref<10240x128xf32, #tpu.memory_space<vmem_shared>>
        tpu.enqueue_indirect_dma source(%dma_start3A_460 : memref<128x128xf32, #tpu.memory_space<vmem>>) target(%dma_start3A_466 : memref<10240x128xf32, #tpu.memory_space<vmem_shared>>) offsets(%dma_start3A_463 : memref<128xi32, #tpu.memory_space<vmem>>) semaphore(%run_scoped3A_456 : memref<!tpu.dma_semaphore, #tpu.memory_space<semaphore_mem>>) {add = true}
        %dma_wait3A_467 = arith.constant 0 : i32
        %dma_wait3A_468 = arith.constant 0 : i32
        %dma_wait3A_469 = tpu.memref_slice %arg8[%run_scoped3A, %dma_wait3A_467, %dma_wait3A_468] : memref<2x128x128xf32, #tpu.memory_space<vmem>> -> memref<1x128x128xf32, #tpu.memory_space<vmem>>
        %dma_wait3A_470 = tpu.memref_squeeze %dma_wait3A_469 : memref<1x128x128xf32, #tpu.memory_space<vmem>> -> memref<128x128xf32, #tpu.memory_space<vmem>>
        %dma_wait3A_471 = arith.constant 0 : i32
        %dma_wait3A_472 = tpu.memref_slice %arg7[%run_scoped3A_453, %dma_wait3A_471] : memref<2x128xi32, #tpu.memory_space<vmem>> -> memref<1x128xi32, #tpu.memory_space<vmem>>
        %dma_wait3A_473 = tpu.memref_squeeze %dma_wait3A_472 : memref<1x128xi32, #tpu.memory_space<vmem>> -> memref<128xi32, #tpu.memory_space<vmem>>
        %dma_wait3A_474 = arith.constant 0 : i32
        %dma_wait3A_475 = arith.constant 0 : i32
        %dma_wait3A_476 = tpu.memref_slice %arg10[%dma_wait3A_474, %dma_wait3A_475] : memref<10240x128xf32, #tpu.memory_space<vmem_shared>> -> memref<10240x128xf32, #tpu.memory_space<vmem_shared>>
        tpu.wait_indirect_dma semaphore(%run_scoped3A_456 : memref<!tpu.dma_semaphore, #tpu.memory_space<semaphore_mem>>) src(%dma_wait3A_470 : memref<128x128xf32, #tpu.memory_space<vmem>>) dst(%dma_wait3A_476 : memref<10240x128xf32, #tpu.memory_space<vmem_shared>>)
        tpu.yield
      }) : () -> ()
      %run_scoped3A_454 = arith.constant 1 : i32
      %run_scoped3A_455 = arith.constant 1 : i32
      "tpu.region"() ({
        %run_scoped3A_456 = tpu.sem_alloc : memref<!tpu.dma_semaphore, #tpu.memory_space<semaphore_mem>>
        %dma_start3A_457 = arith.constant 0 : i32
        %dma_start3A_458 = arith.constant 0 : i32
        %dma_start3A_459 = tpu.memref_slice %arg8[%run_scoped3A_454, %dma_start3A_457, %dma_start3A_458] : memref<2x128x128xf32, #tpu.memory_space<vmem>> -> memref<1x128x128xf32, #tpu.memory_space<vmem>>
        %dma_start3A_460 = tpu.memref_squeeze %dma_start3A_459 : memref<1x128x128xf32, #tpu.memory_space<vmem>> -> memref<128x128xf32, #tpu.memory_space<vmem>>
        %dma_start3A_461 = arith.constant 0 : i32
        %dma_start3A_462 = tpu.memref_slice %arg7[%run_scoped3A_455, %dma_start3A_461] : memref<2x128xi32, #tpu.memory_space<vmem>> -> memref<1x128xi32, #tpu.memory_space<vmem>>
        %dma_start3A_463 = tpu.memref_squeeze %dma_start3A_462 : memref<1x128xi32, #tpu.memory_space<vmem>> -> memref<128xi32, #tpu.memory_space<vmem>>
        %dma_start3A_464 = arith.constant 0 : i32
        %dma_start3A_465 = arith.constant 0 : i32
        %dma_start3A_466 = tpu.memref_slice %arg10[%dma_start3A_464, %dma_start3A_465] : memref<10240x128xf32, #tpu.memory_space<vmem_shared>> -> memref<10240x128xf32, #tpu.memory_space<vmem_shared>>
        tpu.enqueue_indirect_dma source(%dma_start3A_460 : memref<128x128xf32, #tpu.memory_space<vmem>>) target(%dma_start3A_466 : memref<10240x128xf32, #tpu.memory_space<vmem_shared>>) offsets(%dma_start3A_463 : memref<128xi32, #tpu.memory_space<vmem>>) semaphore(%run_scoped3A_456 : memref<!tpu.dma_semaphore, #tpu.memory_space<semaphore_mem>>) {add = true}
        %dma_wait3A_467 = arith.constant 0 : i32
        %dma_wait3A_468 = arith.constant 0 : i32
        %dma_wait3A_469 = tpu.memref_slice %arg8[%run_scoped3A_454, %dma_wait3A_467, %dma_wait3A_468] : memref<2x128x128xf32, #tpu.memory_space<vmem>> -> memref<1x128x128xf32, #tpu.memory_space<vmem>>
        %dma_wait3A_470 = tpu.memref_squeeze %dma_wait3A_469 : memref<1x128x128xf32, #tpu.memory_space<vmem>> -> memref<128x128xf32, #tpu.memory_space<vmem>>
        %dma_wait3A_471 = arith.constant 0 : i32
        %dma_wait3A_472 = tpu.memref_slice %arg7[%run_scoped3A_455, %dma_wait3A_471] : memref<2x128xi32, #tpu.memory_space<vmem>> -> memref<1x128xi32, #tpu.memory_space<vmem>>
        %dma_wait3A_473 = tpu.memref_squeeze %dma_wait3A_472 : memref<1x128xi32, #tpu.memory_space<vmem>> -> memref<128xi32, #tpu.memory_space<vmem>>
        %dma_wait3A_474 = arith.constant 0 : i32
        %dma_wait3A_475 = arith.constant 0 : i32
        %dma_wait3A_476 = tpu.memref_slice %arg10[%dma_wait3A_474, %dma_wait3A_475] : memref<10240x128xf32, #tpu.memory_space<vmem_shared>> -> memref<10240x128xf32, #tpu.memory_space<vmem_shared>>
        tpu.wait_indirect_dma semaphore(%run_scoped3A_456 : memref<!tpu.dma_semaphore, #tpu.memory_space<semaphore_mem>>) src(%dma_wait3A_470 : memref<128x128xf32, #tpu.memory_space<vmem>>) dst(%dma_wait3A_476 : memref<10240x128xf32, #tpu.memory_space<vmem_shared>>)
        tpu.yield
      }) : () -> ()
    }
    %scan3A_395 = arith.constant 40 : i32
    %barrier3A_396 = arith.constant 0 : index
    tpu.barrier barrier_id(%barrier3A_396)
    %mul3A_397 = arith.constant 640 : i32
    %mul3A_398 = arith.muli %arg1, %mul3A_397 : i32
    %mul3A_399 = arith.constant 640 : i32
    %mul3A_400 = arith.muli %arg1, %mul3A_399 : i32
    "tpu.region"() ({
      %run_scoped3A = tpu.sem_alloc : memref<!tpu.dma_semaphore, #tpu.memory_space<semaphore_mem>>
      %dma_start3A = arith.constant 0 : i32
      %dma_start3A_401 = tpu.memref_slice %arg5[%arg0, %mul3A_400, %dma_start3A] : memref<2x10240x128xf32, #tpu.memory_space<hbm>> -> memref<1x640x128xf32, #tpu.memory_space<hbm>>
      %dma_start3A_402 = tpu.memref_squeeze %dma_start3A_401 : memref<1x640x128xf32, #tpu.memory_space<hbm>> -> memref<640x128xf32, #tpu.memory_space<hbm>>
      %dma_start3A_403 = arith.constant 0 : i32
      %dma_start3A_404 = tpu.memref_slice %arg10[%mul3A_398, %dma_start3A_403] : memref<10240x128xf32, #tpu.memory_space<vmem_shared>> -> memref<640x128xf32, #tpu.memory_space<vmem_shared>>
      tpu.enqueue_dma source(%dma_start3A_404 : memref<640x128xf32, #tpu.memory_space<vmem_shared>>) target(%dma_start3A_402 : memref<640x128xf32, #tpu.memory_space<hbm>>) target_semaphore(%run_scoped3A : memref<!tpu.dma_semaphore, #tpu.memory_space<semaphore_mem>>)
      %dma_wait3A = arith.constant 0 : i32
      %dma_wait3A_405 = tpu.memref_slice %arg5[%arg0, %mul3A_400, %dma_wait3A] : memref<2x10240x128xf32, #tpu.memory_space<hbm>> -> memref<1x640x128xf32, #tpu.memory_space<hbm>>
      %dma_wait3A_406 = tpu.memref_squeeze %dma_wait3A_405 : memref<1x640x128xf32, #tpu.memory_space<hbm>> -> memref<640x128xf32, #tpu.memory_space<hbm>>
      %dma_wait3A_407 = arith.constant 0 : i32
      %dma_wait3A_408 = tpu.memref_slice %arg10[%mul3A_398, %dma_wait3A_407] : memref<10240x128xf32, #tpu.memory_space<vmem_shared>> -> memref<640x128xf32, #tpu.memory_space<vmem_shared>>
      tpu.wait_dma2 semaphore(%run_scoped3A : memref<!tpu.dma_semaphore, #tpu.memory_space<semaphore_mem>>) src(%dma_wait3A_408 : memref<640x128xf32, #tpu.memory_space<vmem_shared>>) dst(%dma_wait3A_406 : memref<640x128xf32, #tpu.memory_space<hbm>>)
      tpu.yield
    }) : () -> ()
    return
  }
}

module attributes {stable_mosaic.version = 14 : i64} {
  func.func @body(%arg0: i32, %arg1: memref<1000x128xf32, #tpu.memory_space<vmem>>, %arg2: memref<2x1000x128xf32, #tpu.memory_space<vmem>>, %arg3: memref<128x128xf32, #tpu.memory_space<vmem>>, %arg4: memref<1x128xf32, #tpu.memory_space<vmem>>, %arg5: memref<1000x128xf32, #tpu.memory_space<vmem>>, %arg6: memref<2x128xf32, #tpu.memory_space<vmem>>) attributes {dimension_semantics = [#tpu.dimension_semantics<arbitrary>], iteration_bounds = array<i64: 10>, scalar_prefetch = 0 : i64, scratch_operands = 0 : i64, tpu.core_type = #tpu.core_type<tc>, window_params = [{transform_indices = @transform_0, window_bounds = array<i64: 1000, 128>}, {transform_indices = @transform_1, window_bounds = array<i64: 2, 1000, 128>}, {pipeline_mode = #tpu.pipeline_mode<synchronous>, transform_indices = @transform_2, window_bounds = array<i64: 128, 128>}, {pipeline_mode = #tpu.pipeline_mode<synchronous>, transform_indices = @transform_3, window_bounds = array<i64: 1, 128>}, {transform_indices = @transform_4, window_bounds = array<i64: 1000, 128>}, {pipeline_mode = #tpu.pipeline_mode<synchronous>, transform_indices = @transform_5, window_bounds = array<i64: 2, 128>}]} {
    %get3A = arith.constant 0 : index
    %get3A_0 = arith.constant 0 : index
    %get3A_1 = vector.load %arg1[%get3A, %get3A_0] : memref<1000x128xf32, #tpu.memory_space<vmem>>, vector<1000x128xf32>
    %get3A_2 = arith.constant 0 : index
    %get3A_3 = arith.constant 0 : index
    %get3A_4 = arith.constant 0 : index
    %get3A_5 = vector.load %arg2[%get3A_2, %get3A_3, %get3A_4] : memref<2x1000x128xf32, #tpu.memory_space<vmem>>, vector<1x1000x128xf32>
    %get3A_6 = vector.shape_cast %get3A_5 : vector<1x1000x128xf32> to vector<1000x128xf32>
    %add3A = arith.addf %get3A_1, %get3A_6 : vector<1000x128xf32>
    %get3A_7 = arith.constant 1 : index
    %get3A_8 = arith.constant 0 : index
    %get3A_9 = arith.constant 0 : index
    %get3A_10 = vector.load %arg2[%get3A_7, %get3A_8, %get3A_9] : memref<2x1000x128xf32, #tpu.memory_space<vmem>>, vector<1x1000x128xf32>
    %get3A_11 = vector.shape_cast %get3A_10 : vector<1x1000x128xf32> to vector<1000x128xf32>
    %add3A_12 = arith.addf %add3A, %get3A_11 : vector<1000x128xf32>
    %get3A_13 = arith.constant 0 : index
    %get3A_14 = arith.constant 0 : index
    %get3A_15 = vector.load %arg3[%get3A_13, %get3A_14] : memref<128x128xf32, #tpu.memory_space<vmem>>, vector<128x128xf32>
    %dot_general3A = arith.constant dense<0.000000e+00> : vector<1000x128xf32>
    %dot_general3A_16 = tpu.matmul %add3A_12, %get3A_15, %dot_general3A {dimension_numbers = #tpu.dot_dimension_numbers<[1], [0], [0], [1], [0, 0, 1, 1], [], []>, precision = #tpu.contract_precision<fp32>, transpose_lhs_hint = false} : vector<1000x128xf32>, vector<128x128xf32>, vector<1000x128xf32> -> vector<1000x128xf32>
    %get3A_17 = arith.constant 0 : index
    %get3A_18 = arith.constant 0 : index
    %get3A_19 = vector.load %arg4[%get3A_17, %get3A_18] : memref<1x128xf32, #tpu.memory_space<vmem>>, vector<1x128xf32>
    %add3A_20 = vector.broadcast %get3A_19 : vector<1x128xf32> to vector<1000x128xf32>
    %add3A_21 = arith.addf %dot_general3A_16, %add3A_20 : vector<1000x128xf32>
    %swap3A = arith.constant 0 : index
    %swap3A_22 = arith.constant 0 : index
    %swap3A_23 = vector.load %arg5[%swap3A, %swap3A_22] : memref<1000x128xf32, #tpu.memory_space<vmem>>, vector<1000x128xf32>
    tpu.vector_store %arg5[%swap3A, %swap3A_22], %add3A_21 {strides = array<i32>} : memref<1000x128xf32, #tpu.memory_space<vmem>>, vector<1000x128xf32>,
    %reduce_sum3A = arith.constant dense<0.000000e+00> : vector<128xf32>
    %reduce_sum3A_24 = vector.multi_reduction <add>, %add3A_21, %reduce_sum3A [0] : vector<1000x128xf32> to vector<128xf32>
    %broadcast_in_dim3A = vector.shape_cast %reduce_sum3A_24 : vector<128xf32> to vector<1x128xf32>
    %mul3A = arith.mulf %add3A_21, %add3A_21 : vector<1000x128xf32>
    %reduce_sum3A_25 = arith.constant dense<0.000000e+00> : vector<128xf32>
    %reduce_sum3A_26 = vector.multi_reduction <add>, %mul3A, %reduce_sum3A_25 [0] : vector<1000x128xf32> to vector<128xf32>
    %broadcast_in_dim3A_27 = vector.shape_cast %reduce_sum3A_26 : vector<128xf32> to vector<1x128xf32>
    %concatenate3A = tpu.concatenate %broadcast_in_dim3A, %broadcast_in_dim3A_27 in 0 : vector<1x128xf32>, vector<1x128xf32> -> vector<2x128xf32>
    %eq3A = arith.constant 0 : i32
    %eq3A_28 = arith.cmpi eq, %arg0, %eq3A : i32
    %convert_element_type3A = arith.extui %eq3A_28 : i1 to i32
    %cond3A = arith.constant 0 : i32
    %cond3A_29 = arith.cmpi ne, %convert_element_type3A, %cond3A : i32
    scf.if %cond3A_29 {
      %swap3A_34 = arith.constant 0 : index
      %swap3A_35 = arith.constant 0 : index
      %swap3A_36 = vector.load %arg6[%swap3A_34, %swap3A_35] : memref<2x128xf32, #tpu.memory_space<vmem>>, vector<2x128xf32>
      tpu.vector_store %arg6[%swap3A_34, %swap3A_35], %concatenate3A {strides = array<i32>} : memref<2x128xf32, #tpu.memory_space<vmem>>, vector<2x128xf32>,
    } else {
    }
    %gt3A = arith.constant 0 : i32
    %gt3A_30 = arith.cmpi sgt, %arg0, %gt3A : i32
    %convert_element_type3A_31 = arith.extui %gt3A_30 : i1 to i32
    %cond3A_32 = arith.constant 0 : i32
    %cond3A_33 = arith.cmpi ne, %convert_element_type3A_31, %cond3A_32 : i32
    scf.if %cond3A_33 {
      %get3A_34 = arith.constant 0 : index
      %get3A_35 = arith.constant 0 : index
      %get3A_36 = vector.load %arg6[%get3A_34, %get3A_35] : memref<2x128xf32, #tpu.memory_space<vmem>>, vector<2x128xf32>
      %add3A_37 = arith.addf %get3A_36, %concatenate3A : vector<2x128xf32>
      %swap3A_38 = arith.constant 0 : index
      %swap3A_39 = arith.constant 0 : index
      %swap3A_40 = vector.load %arg6[%swap3A_38, %swap3A_39] : memref<2x128xf32, #tpu.memory_space<vmem>>, vector<2x128xf32>
      tpu.vector_store %arg6[%swap3A_38, %swap3A_39], %add3A_37 {strides = array<i32>} : memref<2x128xf32, #tpu.memory_space<vmem>>, vector<2x128xf32>,
    } else {
    }
    return
  }
  func.func @transform_0(%arg0: i32) -> (i32, i32) {
    %c0_i32 = arith.constant 0 : i32
    %c0_i32_0 = arith.constant 0 : i32
    return %arg0, %c0_i32 : i32, i32
  }
  func.func @transform_1(%arg0: i32) -> (i32, i32, i32) {
    %c0_i32 = arith.constant 0 : i32
    %c0_i32_0 = arith.constant 0 : i32
    %c0_i32_1 = arith.constant 0 : i32
    return %c0_i32, %arg0, %c0_i32_0 : i32, i32, i32
  }
  func.func @transform_2(%arg0: i32) -> (i32, i32) {
    %c0_i32 = arith.constant 0 : i32
    %c0_i32_0 = arith.constant 0 : i32
    %c0_i32_1 = arith.constant 0 : i32
    return %c0_i32, %c0_i32_0 : i32, i32
  }
  func.func @transform_3(%arg0: i32) -> (i32, i32) {
    %c0_i32 = arith.constant 0 : i32
    %c0_i32_0 = arith.constant 0 : i32
    %c0_i32_1 = arith.constant 0 : i32
    return %c0_i32, %c0_i32_0 : i32, i32
  }
  func.func @transform_4(%arg0: i32) -> (i32, i32) {
    %c0_i32 = arith.constant 0 : i32
    %c0_i32_0 = arith.constant 0 : i32
    return %arg0, %c0_i32 : i32, i32
  }
  func.func @transform_5(%arg0: i32) -> (i32, i32) {
    %c0_i32 = arith.constant 0 : i32
    %c0_i32_0 = arith.constant 0 : i32
    %c0_i32_1 = arith.constant 0 : i32
    return %c0_i32, %c0_i32_0 : i32, i32
  }
}

module attributes {stable_mosaic.version = 14 : i64} {
  func.func @body(%arg0: i32, %arg1: memref<1000x128xf32, #tpu.memory_space<vmem>>, %arg2: memref<2x128xf32, #tpu.memory_space<vmem>>, %arg3: memref<1x128xf32, #tpu.memory_space<vmem>>, %arg4: memref<1x128xf32, #tpu.memory_space<vmem>>, %arg5: memref<128x128xf32, #tpu.memory_space<vmem>>, %arg6: memref<1x128xf32, #tpu.memory_space<vmem>>, %arg7: memref<1000x1xi32, #tpu.memory_space<vmem>>, %arg8: memref<1000x128xf32, #tpu.memory_space<vmem>>, %arg9: memref<128x128xf32, #tpu.memory_space<vmem>>) attributes {dimension_semantics = [#tpu.dimension_semantics<arbitrary>], iteration_bounds = array<i64: 10>, scalar_prefetch = 0 : i64, scratch_operands = 0 : i64, tpu.core_type = #tpu.core_type<tc>, window_params = [{transform_indices = @transform_0, window_bounds = array<i64: 1000, 128>}, {pipeline_mode = #tpu.pipeline_mode<synchronous>, transform_indices = @transform_1, window_bounds = array<i64: 2, 128>}, {pipeline_mode = #tpu.pipeline_mode<synchronous>, transform_indices = @transform_2, window_bounds = array<i64: 1, 128>}, {pipeline_mode = #tpu.pipeline_mode<synchronous>, transform_indices = @transform_3, window_bounds = array<i64: 1, 128>}, {pipeline_mode = #tpu.pipeline_mode<synchronous>, transform_indices = @transform_4, window_bounds = array<i64: 128, 128>}, {pipeline_mode = #tpu.pipeline_mode<synchronous>, transform_indices = @transform_5, window_bounds = array<i64: 1, 128>}, {transform_indices = @transform_6, window_bounds = array<i64: 1000, 1>}, {transform_indices = @transform_7, window_bounds = array<i64: 1000, 128>}, {pipeline_mode = #tpu.pipeline_mode<synchronous>, transform_indices = @transform_8, window_bounds = array<i64: 128, 128>}]} {
    %get3A = arith.constant 0 : index
    %get3A_0 = arith.constant 0 : index
    %get3A_1 = vector.load %arg2[%get3A, %get3A_0] : memref<2x128xf32, #tpu.memory_space<vmem>>, vector<1x128xf32>
    %div3A = arith.constant 1.000000e+04 : f32
    %div3A_2 = vector.broadcast %div3A : f32 to vector<1x128xf32>
    %div3A_3 = arith.divf %get3A_1, %div3A_2 : vector<1x128xf32>
    %get3A_4 = arith.constant 1 : index
    %get3A_5 = arith.constant 0 : index
    %get3A_6 = vector.load %arg2[%get3A_4, %get3A_5] : memref<2x128xf32, #tpu.memory_space<vmem>>, vector<1x128xf32>
    %div3A_7 = arith.constant 1.000000e+04 : f32
    %div3A_8 = vector.broadcast %div3A_7 : f32 to vector<1x128xf32>
    %div3A_9 = arith.divf %get3A_6, %div3A_8 : vector<1x128xf32>
    %mul3A = arith.mulf %div3A_3, %div3A_3 : vector<1x128xf32>
    %sub3A = arith.subf %div3A_9, %mul3A : vector<1x128xf32>
    %add3A = arith.constant 9.99999974E-6 : f32
    %add3A_10 = vector.broadcast %add3A : f32 to vector<1x128xf32>
    %add3A_11 = arith.addf %sub3A, %add3A_10 : vector<1x128xf32>
    %rsqrt3A = math.rsqrt %add3A_11 : vector<1x128xf32>
    %get3A_12 = arith.constant 0 : index
    %get3A_13 = arith.constant 0 : index
    %get3A_14 = vector.load %arg1[%get3A_12, %get3A_13] : memref<1000x128xf32, #tpu.memory_space<vmem>>, vector<1000x128xf32>
    %sub3A_15 = vector.broadcast %div3A_3 : vector<1x128xf32> to vector<1000x128xf32>
    %sub3A_16 = arith.subf %get3A_14, %sub3A_15 : vector<1000x128xf32>
    %get3A_17 = arith.constant 0 : index
    %get3A_18 = arith.constant 0 : index
    %get3A_19 = vector.load %arg3[%get3A_17, %get3A_18] : memref<1x128xf32, #tpu.memory_space<vmem>>, vector<1x128xf32>
    %mul3A_20 = arith.mulf %rsqrt3A, %get3A_19 : vector<1x128xf32>
    %mul3A_21 = vector.broadcast %mul3A_20 : vector<1x128xf32> to vector<1000x128xf32>
    %mul3A_22 = arith.mulf %sub3A_16, %mul3A_21 : vector<1000x128xf32>
    %get3A_23 = arith.constant 0 : index
    %get3A_24 = arith.constant 0 : index
    %get3A_25 = vector.load %arg4[%get3A_23, %get3A_24] : memref<1x128xf32, #tpu.memory_space<vmem>>, vector<1x128xf32>
    %add3A_26 = vector.broadcast %get3A_25 : vector<1x128xf32> to vector<1000x128xf32>
    %add3A_27 = arith.addf %mul3A_22, %add3A_26 : vector<1000x128xf32>
    %max3A = arith.constant 0.000000e+00 : f32
    %max3A_28 = vector.broadcast %max3A : f32 to vector<1000x128xf32>
    %max3A_29 = arith.maximumf %add3A_27, %max3A_28 : vector<1000x128xf32>
    %get3A_30 = arith.constant 0 : index
    %get3A_31 = arith.constant 0 : index
    %get3A_32 = vector.load %arg5[%get3A_30, %get3A_31] : memref<128x128xf32, #tpu.memory_space<vmem>>, vector<128x128xf32>
    %dot_general3A = arith.constant dense<0.000000e+00> : vector<1000x128xf32>
    %dot_general3A_33 = tpu.matmul %max3A_29, %get3A_32, %dot_general3A {dimension_numbers = #tpu.dot_dimension_numbers<[1], [0], [0], [1], [0, 0, 1, 1], [], []>, precision = #tpu.contract_precision<fp32>, transpose_lhs_hint = false} : vector<1000x128xf32>, vector<128x128xf32>, vector<1000x128xf32> -> vector<1000x128xf32>
    %get3A_34 = arith.constant 0 : index
    %get3A_35 = arith.constant 0 : index
    %get3A_36 = vector.load %arg6[%get3A_34, %get3A_35] : memref<1x128xf32, #tpu.memory_space<vmem>>, vector<1x128xf32>
    %add3A_37 = vector.broadcast %get3A_36 : vector<1x128xf32> to vector<1000x128xf32>
    %add3A_38 = arith.addf %dot_general3A_33, %add3A_37 : vector<1000x128xf32>
    %max3A_39 = arith.constant 0.000000e+00 : f32
    %max3A_40 = vector.broadcast %max3A_39 : f32 to vector<1000x128xf32>
    %max3A_41 = arith.maximumf %add3A_38, %max3A_40 : vector<1000x128xf32>
    %swap3A = arith.constant 0 : index
    %swap3A_42 = arith.constant 0 : index
    %swap3A_43 = vector.load %arg8[%swap3A, %swap3A_42] : memref<1000x128xf32, #tpu.memory_space<vmem>>, vector<1000x128xf32>
    tpu.vector_store %arg8[%swap3A, %swap3A_42], %max3A_41 {strides = array<i32>} : memref<1000x128xf32, #tpu.memory_space<vmem>>, vector<1000x128xf32>,
    %get3A_44 = arith.constant 0 : index
    %get3A_45 = arith.constant 0 : index
    %get3A_46 = vector.load %arg7[%get3A_44, %get3A_45] : memref<1000x1xi32, #tpu.memory_space<vmem>>, vector<1000x1xi32>
    %iota3A = tpu.iota {dimensions = array<i32: 1>} : vector<1000x128xi32>
    %eq3A = vector.broadcast %get3A_46 : vector<1000x1xi32> to vector<1000x128xi32>
    %eq3A_47 = arith.cmpi eq, %eq3A, %iota3A : vector<1000x128xi32>
    %convert_element_type3A = arith.extui %eq3A_47 : vector<1000x128xi1> to vector<1000x128xi32>
    %convert_element_type3A_48 = arith.sitofp %convert_element_type3A : vector<1000x128xi32> to vector<1000x128xf32>
    %dot_general3A_49 = arith.constant dense<0.000000e+00> : vector<128x128xf32>
    %dot_general3A_50 = tpu.matmul %convert_element_type3A_48, %max3A_41, %dot_general3A_49 {dimension_numbers = #tpu.dot_dimension_numbers<[0], [0], [1], [1], [0, 1, 1, 1], [], []>, precision = #tpu.contract_precision<fp32>, transpose_lhs_hint = false} : vector<1000x128xf32>, vector<1000x128xf32>, vector<128x128xf32> -> vector<128x128xf32>
    %eq3A_51 = arith.constant 0 : i32
    %eq3A_52 = arith.cmpi eq, %arg0, %eq3A_51 : i32
    %convert_element_type3A_53 = arith.extui %eq3A_52 : i1 to i32
    %cond3A = arith.constant 0 : i32
    %cond3A_54 = arith.cmpi ne, %convert_element_type3A_53, %cond3A : i32
    scf.if %cond3A_54 {
      %swap3A_59 = arith.constant 0 : index
      %swap3A_60 = arith.constant 0 : index
      %swap3A_61 = vector.load %arg9[%swap3A_59, %swap3A_60] : memref<128x128xf32, #tpu.memory_space<vmem>>, vector<128x128xf32>
      tpu.vector_store %arg9[%swap3A_59, %swap3A_60], %dot_general3A_50 {strides = array<i32>} : memref<128x128xf32, #tpu.memory_space<vmem>>, vector<128x128xf32>,
    } else {
    }
    %gt3A = arith.constant 0 : i32
    %gt3A_55 = arith.cmpi sgt, %arg0, %gt3A : i32
    %convert_element_type3A_56 = arith.extui %gt3A_55 : i1 to i32
    %cond3A_57 = arith.constant 0 : i32
    %cond3A_58 = arith.cmpi ne, %convert_element_type3A_56, %cond3A_57 : i32
    scf.if %cond3A_58 {
      %get3A_59 = arith.constant 0 : index
      %get3A_60 = arith.constant 0 : index
      %get3A_61 = vector.load %arg9[%get3A_59, %get3A_60] : memref<128x128xf32, #tpu.memory_space<vmem>>, vector<128x128xf32>
      %add3A_62 = arith.addf %get3A_61, %dot_general3A_50 : vector<128x128xf32>
      %swap3A_63 = arith.constant 0 : index
      %swap3A_64 = arith.constant 0 : index
      %swap3A_65 = vector.load %arg9[%swap3A_63, %swap3A_64] : memref<128x128xf32, #tpu.memory_space<vmem>>, vector<128x128xf32>
      tpu.vector_store %arg9[%swap3A_63, %swap3A_64], %add3A_62 {strides = array<i32>} : memref<128x128xf32, #tpu.memory_space<vmem>>, vector<128x128xf32>,
    } else {
    }
    return
  }
  func.func @transform_0(%arg0: i32) -> (i32, i32) {
    %c0_i32 = arith.constant 0 : i32
    %c0_i32_0 = arith.constant 0 : i32
    return %arg0, %c0_i32 : i32, i32
  }
  func.func @transform_1(%arg0: i32) -> (i32, i32) {
    %c0_i32 = arith.constant 0 : i32
    %c0_i32_0 = arith.constant 0 : i32
    %c0_i32_1 = arith.constant 0 : i32
    return %c0_i32, %c0_i32_0 : i32, i32
  }
  func.func @transform_2(%arg0: i32) -> (i32, i32) {
    %c0_i32 = arith.constant 0 : i32
    %c0_i32_0 = arith.constant 0 : i32
    %c0_i32_1 = arith.constant 0 : i32
    return %c0_i32, %c0_i32_0 : i32, i32
  }
  func.func @transform_3(%arg0: i32) -> (i32, i32) {
    %c0_i32 = arith.constant 0 : i32
    %c0_i32_0 = arith.constant 0 : i32
    %c0_i32_1 = arith.constant 0 : i32
    return %c0_i32, %c0_i32_0 : i32, i32
  }
  func.func @transform_4(%arg0: i32) -> (i32, i32) {
    %c0_i32 = arith.constant 0 : i32
    %c0_i32_0 = arith.constant 0 : i32
    %c0_i32_1 = arith.constant 0 : i32
    return %c0_i32, %c0_i32_0 : i32, i32
  }
  func.func @transform_5(%arg0: i32) -> (i32, i32) {
    %c0_i32 = arith.constant 0 : i32
    %c0_i32_0 = arith.constant 0 : i32
    %c0_i32_1 = arith.constant 0 : i32
    return %c0_i32, %c0_i32_0 : i32, i32
  }
  func.func @transform_6(%arg0: i32) -> (i32, i32) {
    %c0_i32 = arith.constant 0 : i32
    %c0_i32_0 = arith.constant 0 : i32
    return %arg0, %c0_i32 : i32, i32
  }
  func.func @transform_7(%arg0: i32) -> (i32, i32) {
    %c0_i32 = arith.constant 0 : i32
    %c0_i32_0 = arith.constant 0 : i32
    return %arg0, %c0_i32 : i32, i32
  }
  func.func @transform_8(%arg0: i32) -> (i32, i32) {
    %c0_i32 = arith.constant 0 : i32
    %c0_i32_0 = arith.constant 0 : i32
    %c0_i32_1 = arith.constant 0 : i32
    return %c0_i32, %c0_i32_0 : i32, i32
  }
}

module attributes {stable_mosaic.version = 14 : i64} {
  func.func @body(%arg0: i32, %arg1: memref<1000x128xf32, #tpu.memory_space<vmem>>, %arg2: memref<2x128xf32, #tpu.memory_space<vmem>>, %arg3: memref<1x128xf32, #tpu.memory_space<vmem>>, %arg4: memref<1x128xf32, #tpu.memory_space<vmem>>, %arg5: memref<128x128xf32, #tpu.memory_space<vmem>>, %arg6: memref<1x128xf32, #tpu.memory_space<vmem>>, %arg7: memref<1000x1xi32, #tpu.memory_space<vmem>>, %arg8: memref<1000x128xf32, #tpu.memory_space<vmem>>, %arg9: memref<128x128xf32, #tpu.memory_space<vmem>>) attributes {dimension_semantics = [#tpu.dimension_semantics<arbitrary>], iteration_bounds = array<i64: 10>, scalar_prefetch = 0 : i64, scratch_operands = 0 : i64, tpu.core_type = #tpu.core_type<tc>, window_params = [{transform_indices = @transform_0, window_bounds = array<i64: 1000, 128>}, {pipeline_mode = #tpu.pipeline_mode<synchronous>, transform_indices = @transform_1, window_bounds = array<i64: 2, 128>}, {pipeline_mode = #tpu.pipeline_mode<synchronous>, transform_indices = @transform_2, window_bounds = array<i64: 1, 128>}, {pipeline_mode = #tpu.pipeline_mode<synchronous>, transform_indices = @transform_3, window_bounds = array<i64: 1, 128>}, {pipeline_mode = #tpu.pipeline_mode<synchronous>, transform_indices = @transform_4, window_bounds = array<i64: 128, 128>}, {pipeline_mode = #tpu.pipeline_mode<synchronous>, transform_indices = @transform_5, window_bounds = array<i64: 1, 128>}, {transform_indices = @transform_6, window_bounds = array<i64: 1000, 1>}, {transform_indices = @transform_7, window_bounds = array<i64: 1000, 128>}, {pipeline_mode = #tpu.pipeline_mode<synchronous>, transform_indices = @transform_8, window_bounds = array<i64: 128, 128>}]} {
    %get3A = arith.constant 0 : index
    %get3A_0 = arith.constant 0 : index
    %get3A_1 = vector.load %arg2[%get3A, %get3A_0] : memref<2x128xf32, #tpu.memory_space<vmem>>, vector<1x128xf32>
    %div3A = arith.constant 1.000000e+04 : f32
    %div3A_2 = vector.broadcast %div3A : f32 to vector<1x128xf32>
    %div3A_3 = arith.divf %get3A_1, %div3A_2 : vector<1x128xf32>
    %get3A_4 = arith.constant 1 : index
    %get3A_5 = arith.constant 0 : index
    %get3A_6 = vector.load %arg2[%get3A_4, %get3A_5] : memref<2x128xf32, #tpu.memory_space<vmem>>, vector<1x128xf32>
    %div3A_7 = arith.constant 1.000000e+04 : f32
    %div3A_8 = vector.broadcast %div3A_7 : f32 to vector<1x128xf32>
    %div3A_9 = arith.divf %get3A_6, %div3A_8 : vector<1x128xf32>
    %mul3A = arith.mulf %div3A_3, %div3A_3 : vector<1x128xf32>
    %sub3A = arith.subf %div3A_9, %mul3A : vector<1x128xf32>
    %add3A = arith.constant 9.99999974E-6 : f32
    %add3A_10 = vector.broadcast %add3A : f32 to vector<1x128xf32>
    %add3A_11 = arith.addf %sub3A, %add3A_10 : vector<1x128xf32>
    %rsqrt3A = math.rsqrt %add3A_11 : vector<1x128xf32>
    %get3A_12 = arith.constant 0 : index
    %get3A_13 = arith.constant 0 : index
    %get3A_14 = vector.load %arg1[%get3A_12, %get3A_13] : memref<1000x128xf32, #tpu.memory_space<vmem>>, vector<1000x128xf32>
    %sub3A_15 = vector.broadcast %div3A_3 : vector<1x128xf32> to vector<1000x128xf32>
    %sub3A_16 = arith.subf %get3A_14, %sub3A_15 : vector<1000x128xf32>
    %get3A_17 = arith.constant 0 : index
    %get3A_18 = arith.constant 0 : index
    %get3A_19 = vector.load %arg3[%get3A_17, %get3A_18] : memref<1x128xf32, #tpu.memory_space<vmem>>, vector<1x128xf32>
    %mul3A_20 = arith.mulf %rsqrt3A, %get3A_19 : vector<1x128xf32>
    %mul3A_21 = vector.broadcast %mul3A_20 : vector<1x128xf32> to vector<1000x128xf32>
    %mul3A_22 = arith.mulf %sub3A_16, %mul3A_21 : vector<1000x128xf32>
    %get3A_23 = arith.constant 0 : index
    %get3A_24 = arith.constant 0 : index
    %get3A_25 = vector.load %arg4[%get3A_23, %get3A_24] : memref<1x128xf32, #tpu.memory_space<vmem>>, vector<1x128xf32>
    %add3A_26 = vector.broadcast %get3A_25 : vector<1x128xf32> to vector<1000x128xf32>
    %add3A_27 = arith.addf %mul3A_22, %add3A_26 : vector<1000x128xf32>
    %max3A = arith.constant 0.000000e+00 : f32
    %max3A_28 = vector.broadcast %max3A : f32 to vector<1000x128xf32>
    %max3A_29 = arith.maximumf %add3A_27, %max3A_28 : vector<1000x128xf32>
    %get3A_30 = arith.constant 0 : index
    %get3A_31 = arith.constant 0 : index
    %get3A_32 = vector.load %arg5[%get3A_30, %get3A_31] : memref<128x128xf32, #tpu.memory_space<vmem>>, vector<128x128xf32>
    %dot_general3A = arith.constant dense<0.000000e+00> : vector<1000x128xf32>
    %dot_general3A_33 = tpu.matmul %max3A_29, %get3A_32, %dot_general3A {dimension_numbers = #tpu.dot_dimension_numbers<[1], [0], [0], [1], [0, 0, 1, 1], [], []>, precision = #tpu.contract_precision<fp32>, transpose_lhs_hint = false} : vector<1000x128xf32>, vector<128x128xf32>, vector<1000x128xf32> -> vector<1000x128xf32>
    %get3A_34 = arith.constant 0 : index
    %get3A_35 = arith.constant 0 : index
    %get3A_36 = vector.load %arg6[%get3A_34, %get3A_35] : memref<1x128xf32, #tpu.memory_space<vmem>>, vector<1x128xf32>
    %add3A_37 = vector.broadcast %get3A_36 : vector<1x128xf32> to vector<1000x128xf32>
    %add3A_38 = arith.addf %dot_general3A_33, %add3A_37 : vector<1000x128xf32>
    %max3A_39 = arith.constant 0.000000e+00 : f32
    %max3A_40 = vector.broadcast %max3A_39 : f32 to vector<1000x128xf32>
    %max3A_41 = arith.maximumf %add3A_38, %max3A_40 : vector<1000x128xf32>
    %swap3A = arith.constant 0 : index
    %swap3A_42 = arith.constant 0 : index
    %swap3A_43 = vector.load %arg8[%swap3A, %swap3A_42] : memref<1000x128xf32, #tpu.memory_space<vmem>>, vector<1000x128xf32>
    tpu.vector_store %arg8[%swap3A, %swap3A_42], %max3A_41 {strides = array<i32>} : memref<1000x128xf32, #tpu.memory_space<vmem>>, vector<1000x128xf32>,
    %get3A_44 = arith.constant 0 : index
    %get3A_45 = arith.constant 0 : index
    %get3A_46 = vector.load %arg7[%get3A_44, %get3A_45] : memref<1000x1xi32, #tpu.memory_space<vmem>>, vector<1000x1xi32>
    %iota3A = tpu.iota {dimensions = array<i32: 1>} : vector<1000x128xi32>
    %eq3A = vector.broadcast %get3A_46 : vector<1000x1xi32> to vector<1000x128xi32>
    %eq3A_47 = arith.cmpi eq, %eq3A, %iota3A : vector<1000x128xi32>
    %convert_element_type3A = arith.extui %eq3A_47 : vector<1000x128xi1> to vector<1000x128xi32>
    %convert_element_type3A_48 = arith.sitofp %convert_element_type3A : vector<1000x128xi32> to vector<1000x128xf32>
    %dot_general3A_49 = arith.constant dense<0.000000e+00> : vector<128x128xf32>
    %dot_general3A_50 = tpu.matmul %convert_element_type3A_48, %max3A_41, %dot_general3A_49 {dimension_numbers = #tpu.dot_dimension_numbers<[0], [0], [1], [1], [0, 1, 1, 1], [], []>, precision = #tpu.contract_precision<fp32>, transpose_lhs_hint = false} : vector<1000x128xf32>, vector<1000x128xf32>, vector<128x128xf32> -> vector<128x128xf32>
    %eq3A_51 = arith.constant 0 : i32
    %eq3A_52 = arith.cmpi eq, %arg0, %eq3A_51 : i32
    %convert_element_type3A_53 = arith.extui %eq3A_52 : i1 to i32
    %cond3A = arith.constant 0 : i32
    %cond3A_54 = arith.cmpi ne, %convert_element_type3A_53, %cond3A : i32
    scf.if %cond3A_54 {
      %swap3A_59 = arith.constant 0 : index
      %swap3A_60 = arith.constant 0 : index
      %swap3A_61 = vector.load %arg9[%swap3A_59, %swap3A_60] : memref<128x128xf32, #tpu.memory_space<vmem>>, vector<128x128xf32>
      tpu.vector_store %arg9[%swap3A_59, %swap3A_60], %dot_general3A_50 {strides = array<i32>} : memref<128x128xf32, #tpu.memory_space<vmem>>, vector<128x128xf32>,
    } else {
    }
    %gt3A = arith.constant 0 : i32
    %gt3A_55 = arith.cmpi sgt, %arg0, %gt3A : i32
    %convert_element_type3A_56 = arith.extui %gt3A_55 : i1 to i32
    %cond3A_57 = arith.constant 0 : i32
    %cond3A_58 = arith.cmpi ne, %convert_element_type3A_56, %cond3A_57 : i32
    scf.if %cond3A_58 {
      %get3A_59 = arith.constant 0 : index
      %get3A_60 = arith.constant 0 : index
      %get3A_61 = vector.load %arg9[%get3A_59, %get3A_60] : memref<128x128xf32, #tpu.memory_space<vmem>>, vector<128x128xf32>
      %add3A_62 = arith.addf %get3A_61, %dot_general3A_50 : vector<128x128xf32>
      %swap3A_63 = arith.constant 0 : index
      %swap3A_64 = arith.constant 0 : index
      %swap3A_65 = vector.load %arg9[%swap3A_63, %swap3A_64] : memref<128x128xf32, #tpu.memory_space<vmem>>, vector<128x128xf32>
      tpu.vector_store %arg9[%swap3A_63, %swap3A_64], %add3A_62 {strides = array<i32>} : memref<128x128xf32, #tpu.memory_space<vmem>>, vector<128x128xf32>,
    } else {
    }
    return
  }
  func.func @transform_0(%arg0: i32) -> (i32, i32) {
    %c0_i32 = arith.constant 0 : i32
    %c0_i32_0 = arith.constant 0 : i32
    return %arg0, %c0_i32 : i32, i32
  }
  func.func @transform_1(%arg0: i32) -> (i32, i32) {
    %c0_i32 = arith.constant 0 : i32
    %c0_i32_0 = arith.constant 0 : i32
    %c0_i32_1 = arith.constant 0 : i32
    return %c0_i32, %c0_i32_0 : i32, i32
  }
  func.func @transform_2(%arg0: i32) -> (i32, i32) {
    %c0_i32 = arith.constant 0 : i32
    %c0_i32_0 = arith.constant 0 : i32
    %c0_i32_1 = arith.constant 0 : i32
    return %c0_i32, %c0_i32_0 : i32, i32
  }
  func.func @transform_3(%arg0: i32) -> (i32, i32) {
    %c0_i32 = arith.constant 0 : i32
    %c0_i32_0 = arith.constant 0 : i32
    %c0_i32_1 = arith.constant 0 : i32
    return %c0_i32, %c0_i32_0 : i32, i32
  }
  func.func @transform_4(%arg0: i32) -> (i32, i32) {
    %c0_i32 = arith.constant 0 : i32
    %c0_i32_0 = arith.constant 0 : i32
    %c0_i32_1 = arith.constant 0 : i32
    return %c0_i32, %c0_i32_0 : i32, i32
  }
  func.func @transform_5(%arg0: i32) -> (i32, i32) {
    %c0_i32 = arith.constant 0 : i32
    %c0_i32_0 = arith.constant 0 : i32
    %c0_i32_1 = arith.constant 0 : i32
    return %c0_i32, %c0_i32_0 : i32, i32
  }
  func.func @transform_6(%arg0: i32) -> (i32, i32) {
    %c0_i32 = arith.constant 0 : i32
    %c0_i32_0 = arith.constant 0 : i32
    return %arg0, %c0_i32 : i32, i32
  }
  func.func @transform_7(%arg0: i32) -> (i32, i32) {
    %c0_i32 = arith.constant 0 : i32
    %c0_i32_0 = arith.constant 0 : i32
    return %arg0, %c0_i32 : i32, i32
  }
  func.func @transform_8(%arg0: i32) -> (i32, i32) {
    %c0_i32 = arith.constant 0 : i32
    %c0_i32_0 = arith.constant 0 : i32
    %c0_i32_1 = arith.constant 0 : i32
    return %c0_i32, %c0_i32_0 : i32, i32
  }
}

module attributes {stable_mosaic.version = 14 : i64} {
  func.func @body(%arg0: memref<128x128xf32, #tpu.memory_space<vmem>>, %arg1: memref<128x128xf32, #tpu.memory_space<vmem>>, %arg2: memref<128x128xf32, #tpu.memory_space<vmem>>, %arg3: memref<128x128xf32, #tpu.memory_space<vmem>>, %arg4: memref<128x128xf32, #tpu.memory_space<vmem>>, %arg5: memref<128x128xf32, #tpu.memory_space<vmem>>, %arg6: memref<1x128xf32, #tpu.memory_space<vmem>>, %arg7: memref<128x128xf32, #tpu.memory_space<vmem>>, %arg8: memref<1x128xf32, #tpu.memory_space<vmem>>, %arg9: memref<128x128xf32, #tpu.memory_space<vmem>>, %arg10: memref<1x128xf32, #tpu.memory_space<vmem>>, %arg11: memref<128x128xf32, #tpu.memory_space<vmem>>) attributes {dimension_semantics = [], scalar_prefetch = 0 : i64, scratch_operands = 0 : i64, tpu.core_type = #tpu.core_type<tc>} {
    %get3A = arith.constant 0 : index
    %get3A_0 = arith.constant 0 : index
    %get3A_1 = vector.load %arg0[%get3A, %get3A_0] : memref<128x128xf32, #tpu.memory_space<vmem>>, vector<128x128xf32>
    %get3A_2 = arith.constant 0 : index
    %get3A_3 = arith.constant 0 : index
    %get3A_4 = vector.load %arg3[%get3A_2, %get3A_3] : memref<128x128xf32, #tpu.memory_space<vmem>>, vector<128x128xf32>
    %dot_general3A = arith.constant dense<0.000000e+00> : vector<128x128xf32>
    %dot_general3A_5 = tpu.matmul %get3A_1, %get3A_4, %dot_general3A {dimension_numbers = #tpu.dot_dimension_numbers<[1], [0], [0], [1], [0, 0, 1, 1], [], []>, precision = #tpu.contract_precision<fp32>, transpose_lhs_hint = false} : vector<128x128xf32>, vector<128x128xf32>, vector<128x128xf32> -> vector<128x128xf32>
    %get3A_6 = arith.constant 0 : index
    %get3A_7 = arith.constant 0 : index
    %get3A_8 = vector.load %arg1[%get3A_6, %get3A_7] : memref<128x128xf32, #tpu.memory_space<vmem>>, vector<128x128xf32>
    %get3A_9 = arith.constant 0 : index
    %get3A_10 = arith.constant 0 : index
    %get3A_11 = vector.load %arg4[%get3A_9, %get3A_10] : memref<128x128xf32, #tpu.memory_space<vmem>>, vector<128x128xf32>
    %dot_general3A_12 = arith.constant dense<0.000000e+00> : vector<128x128xf32>
    %dot_general3A_13 = tpu.matmul %get3A_8, %get3A_11, %dot_general3A_12 {dimension_numbers = #tpu.dot_dimension_numbers<[1], [0], [0], [1], [0, 0, 1, 1], [], []>, precision = #tpu.contract_precision<fp32>, transpose_lhs_hint = false} : vector<128x128xf32>, vector<128x128xf32>, vector<128x128xf32> -> vector<128x128xf32>
    %add3A = arith.addf %dot_general3A_5, %dot_general3A_13 : vector<128x128xf32>
    %get3A_14 = arith.constant 0 : index
    %get3A_15 = arith.constant 0 : index
    %get3A_16 = vector.load %arg2[%get3A_14, %get3A_15] : memref<128x128xf32, #tpu.memory_space<vmem>>, vector<128x128xf32>
    %get3A_17 = arith.constant 0 : index
    %get3A_18 = arith.constant 0 : index
    %get3A_19 = vector.load %arg5[%get3A_17, %get3A_18] : memref<128x128xf32, #tpu.memory_space<vmem>>, vector<128x128xf32>
    %dot_general3A_20 = arith.constant dense<0.000000e+00> : vector<128x128xf32>
    %dot_general3A_21 = tpu.matmul %get3A_16, %get3A_19, %dot_general3A_20 {dimension_numbers = #tpu.dot_dimension_numbers<[1], [0], [0], [1], [0, 0, 1, 1], [], []>, precision = #tpu.contract_precision<fp32>, transpose_lhs_hint = false} : vector<128x128xf32>, vector<128x128xf32>, vector<128x128xf32> -> vector<128x128xf32>
    %add3A_22 = arith.addf %add3A, %dot_general3A_21 : vector<128x128xf32>
    %get3A_23 = arith.constant 0 : index
    %get3A_24 = arith.constant 0 : index
    %get3A_25 = vector.load %arg6[%get3A_23, %get3A_24] : memref<1x128xf32, #tpu.memory_space<vmem>>, vector<1x128xf32>
    %add3A_26 = vector.broadcast %get3A_25 : vector<1x128xf32> to vector<128x128xf32>
    %add3A_27 = arith.addf %add3A_22, %add3A_26 : vector<128x128xf32>
    %max3A = arith.constant 0.000000e+00 : f32
    %max3A_28 = vector.broadcast %max3A : f32 to vector<128x128xf32>
    %max3A_29 = arith.maximumf %add3A_27, %max3A_28 : vector<128x128xf32>
    %get3A_30 = arith.constant 0 : index
    %get3A_31 = arith.constant 0 : index
    %get3A_32 = vector.load %arg7[%get3A_30, %get3A_31] : memref<128x128xf32, #tpu.memory_space<vmem>>, vector<128x128xf32>
    %dot_general3A_33 = arith.constant dense<0.000000e+00> : vector<128x128xf32>
    %dot_general3A_34 = tpu.matmul %max3A_29, %get3A_32, %dot_general3A_33 {dimension_numbers = #tpu.dot_dimension_numbers<[1], [0], [0], [1], [0, 0, 1, 1], [], []>, precision = #tpu.contract_precision<fp32>, transpose_lhs_hint = false} : vector<128x128xf32>, vector<128x128xf32>, vector<128x128xf32> -> vector<128x128xf32>
    %get3A_35 = arith.constant 0 : index
    %get3A_36 = arith.constant 0 : index
    %get3A_37 = vector.load %arg8[%get3A_35, %get3A_36] : memref<1x128xf32, #tpu.memory_space<vmem>>, vector<1x128xf32>
    %add3A_38 = vector.broadcast %get3A_37 : vector<1x128xf32> to vector<128x128xf32>
    %add3A_39 = arith.addf %dot_general3A_34, %add3A_38 : vector<128x128xf32>
    %max3A_40 = arith.constant 0.000000e+00 : f32
    %max3A_41 = vector.broadcast %max3A_40 : f32 to vector<128x128xf32>
    %max3A_42 = arith.maximumf %add3A_39, %max3A_41 : vector<128x128xf32>
    %get3A_43 = arith.constant 0 : index
    %get3A_44 = arith.constant 0 : index
    %get3A_45 = vector.load %arg9[%get3A_43, %get3A_44] : memref<128x128xf32, #tpu.memory_space<vmem>>, vector<128x128xf32>
    %dot_general3A_46 = arith.constant dense<0.000000e+00> : vector<128x128xf32>
    %dot_general3A_47 = tpu.matmul %max3A_42, %get3A_45, %dot_general3A_46 {dimension_numbers = #tpu.dot_dimension_numbers<[1], [0], [0], [1], [0, 0, 1, 1], [], []>, precision = #tpu.contract_precision<fp32>, transpose_lhs_hint = false} : vector<128x128xf32>, vector<128x128xf32>, vector<128x128xf32> -> vector<128x128xf32>
    %get3A_48 = arith.constant 0 : index
    %get3A_49 = arith.constant 0 : index
    %get3A_50 = vector.load %arg10[%get3A_48, %get3A_49] : memref<1x128xf32, #tpu.memory_space<vmem>>, vector<1x128xf32>
    %add3A_51 = vector.broadcast %get3A_50 : vector<1x128xf32> to vector<128x128xf32>
    %add3A_52 = arith.addf %dot_general3A_47, %add3A_51 : vector<128x128xf32>
    %swap3A = arith.constant 0 : index
    %swap3A_53 = arith.constant 0 : index
    %swap3A_54 = vector.load %arg11[%swap3A, %swap3A_53] : memref<128x128xf32, #tpu.memory_space<vmem>>, vector<128x128xf32>
    tpu.vector_store %arg11[%swap3A, %swap3A_53], %add3A_52 {strides = array<i32>} : memref<128x128xf32, #tpu.memory_space<vmem>>, vector<128x128xf32>,
    return
  }
}

</mosaic_0001>

<sc_bundles>
// kernel: kernel.12.cloned.1.call-start
scs
__scs_entry_jumppad:
0x0: {  	(pc) =	sbr.rel $0x88, $3  }
0x1: {  	(tag) =	ssettag $0x0;
	lr =	simm.s32 $0x1  }
0x2: {  	[smem:$0x3F92] =	sst lr;
	_ =	strace $0xD0000000  }
0x3: {  	_ = 	snop  }
0x4: {  	_ = 	snop  }
0x5: {  	_ = 	snop  }
0x6: {  	_ = 	snop  }
0x7: {  	_ = 	snop  }
__scs_overlays_trampoline_lowered:
0x8: {  	[smem:$0x3FA1] =	sst s0  }
0x9: {  	[smem:$0x3FA2] =	sst s1  }
0xa: {  	[smem:$0x3FA3] =	sst s2  }
0xb: {  	[smem:$0x3FA4] =	sst s3  }
0xc: {  	[smem:$0x3FA5] =	sst s4  }
0xd: {  	[smem:$0x3FA6] =	sst s5  }
0xe: {  	[smem:$0x3FA7] =	sst s6  }
0xf: {  	[smem:$0x3FA8] =	sst s7  }
0x10: {  	[smem:$0x3FA9] =	sst s8  }
0x11: {  	[smem:$0x3FAA] =	sst s9;
	s0 =	simm.s32 @!p0 $0x0  }
0x12: {  	s1 =	sld [smem:$0x3F90];
	s0 =	simm.s32 @p0 $0x1  }
0x13: {  	[smem:$0x3FAB] =	sst s0;
	s0 =	simm.s32 @!p1 $0x0  }
0x14: {  	s2 =	sld [smem:$0x3F8F];
	s0 =	simm.s32 @p1 $0x1  }
0x15: {  	[smem:$0x3FAC] =	sst s0;
	s0 =	simm.s32 @!p2 $0x0  }
0x16: {  	s3 =	sld [smem:$0x3FDB];
	s0 =	simm.s32 @p2 $0x1  }
0x17: {  	s4 =	simm.s32 $0x1BF5;
	[smem:$0x3FAE] =	sst s0  }
0x18: {  	s0 =	sld [smem:$0x3F91];
	_ =	swait.ge [sflag:s4], $0x0  }
0x19: {  	s7 =	sld [smem:$0x3F92]  }
0x1a: {  	s8 =	sadd.s32 $0xFFFFE003, lr  }
0x1b: {  	s9 =	sadd.s32 $0xFFFFFEF7, lr;
	s5 =	simm.s32 $0xFFFFFFFF;
	p2 =	slt.u32 s8, $0xFFFFF086  }
0x1c: {  	p1 =	slt.u32 s9, $0xF7A;
	s5 =	simm.s32 @!p2 $0x0  }
0x1d: {  	s5 =	simm.s32 @p1 $0x1;
	p0 =	seq.s32 s7, s2  }
0x1e: {  	s7 =	smul.u32 @!p0 $0xF7A, s2;
	p2 =	seq.s32 @!p0 s5, $0x0  }
0x1f: {  	s9 =	smul.u32 $0xF7A, s1;
	s8 =	simm.s32 @!p0 $0x1BF5;
	p2 =	por !p2, p0  }
0x20: {  	[sflag:s8] =	ssyncset.s32 @!p0 $0xFFFFF086;
	s6 =	sadd.s32 @!p0 s3, s7;
	s7 =	simm.s32 @!p0 $0x108  }
0x21: {  	s3 =	sadd.s32 s3, s9;
	s6 =	sadd.s32 @!p0 $0x88, s6;
	s7 =	simm.s32 @p2 $0x1082  }
0x22: {  	[simem:s7], [sflag:s8] =	dma.local @!p0 [hbm:s6], $0xF7A  }
0x23: {  	s9 =	sor.u32 $0xD0000000, s2;
	s6 =	simm.s32 $0x108;
	_ =	swait.ge @!p0 [sflag:s8], $0x0  }
0x24: {  	s3 =	sadd.s32 $0x88, s3;
	s6 =	simm.s32 @!p1 $0x1082;
	[sflag:s4] =	ssyncset.s32 $0xFFFFF086  }
0x25: {  	[simem:s6], [sflag:s4] =	dma.local [hbm:s3], $0xF7A  }
0x26: {  	[smem:$0x3F92] =	sst s1;
	(tag) =	ssettag s2;
	_ =	strace s9  }
0x27: {  	s1 =	sld [smem:$0x3FA2]  }
0x28: {  	s2 =	sld [smem:$0x3FA3]  }
0x29: {  	s4 =	sld [smem:$0x3FA5]  }
0x2a: {  	p0 =	seq.s32 s5, $0x0;
	s5 =	sld [smem:$0x3FA6]  }
0x2b: {  	s6 =	sld [smem:$0x3FA7]  }
0x2c: {  	s7 =	sld [smem:$0x3FA8]  }
0x2d: {  	s3 =	simm.s32 $0x108;
	s8 =	sld [smem:$0x3FA9]  }
0x2e: {  	s3 =	simm.s32 @!p0 $0x1082;
	s9 =	sld [smem:$0x3FAA]  }
0x2f: {  	lr =	sadd.s32 s0, s3;
	s0 =	sld [smem:$0x3FA1]  }
0x30: {  	s3 =	sld [smem:$0x3FA4]  }
0x31: {  	[smem:$0x3FAD] =	sst s10  }
0x32: {  	s10 =	sld [smem:$0x3FAB];
	_ =	sdelay $0x3  }
0x33: {  	p0 =	seq.s32 s10, $0x1;
	s10 =	sld [smem:$0x3FAD];
	_ =	sdelay $0x3  }
0x34: {  	[smem:$0x3FAD] =	sst s10  }
0x35: {  	s10 =	sld [smem:$0x3FAC];
	_ =	sdelay $0x3  }
0x36: {  	p1 =	seq.s32 s10, $0x1;
	s10 =	sld [smem:$0x3FAD];
	_ =	sdelay $0x3  }
0x37: {  	[smem:$0x3FAD] =	sst s10  }
0x38: {  	s10 =	sld [smem:$0x3FAE]  }
0x39: {  	_ = 	snop;
	(pc) =	sbr.ind lr, $3  }
0x3a: {  	_ = 	snop  }
0x3b: {  	_ = 	snop  }
0x3c: {  	p2 =	seq.s32 s10, $0x1;
	s10 =	sld [smem:$0x3FAD]  }
0x3d: {  	_ =	shalt  }
0x3e: {  	_ =	shalt  }
0x3f: {  	_ =	shalt  }
0x40: {  	_ =	shalt  }
0x41: {  	_ =	shalt  }
0x42: {  	_ =	shalt  }
0x43: {  	_ =	shalt  }
0x44: {  	_ =	shalt  }
0x45: {  	_ =	shalt  }
0x46: {  	_ =	shalt  }
0x47: {  	_ =	shalt  }
0x48: {  	_ =	shalt  }
0x49: {  	_ =	shalt  }
0x4a: {  	_ =	shalt  }
0x4b: {  	_ =	shalt  }
0x4c: {  	_ =	shalt  }
0x4d: {  	_ =	shalt  }
0x4e: {  	_ =	shalt  }
0x4f: {  	_ =	shalt  }
0x50: {  	_ =	shalt  }
0x51: {  	_ =	shalt  }
0x52: {  	_ =	shalt  }
0x53: {  	_ =	shalt  }
0x54: {  	_ =	shalt  }
0x55: {  	_ =	shalt  }
0x56: {  	_ =	shalt  }
0x57: {  	_ =	shalt  }
0x58: {  	_ =	shalt  }
0x59: {  	_ =	shalt  }
0x5a: {  	_ =	shalt  }
0x5b: {  	_ =	shalt  }
0x5c: {  	_ =	shalt  }
0x5d: {  	_ =	shalt  }
0x5e: {  	_ =	shalt  }
0x5f: {  	_ =	shalt  }
0x60: {  	_ =	shalt  }
0x61: {  	_ =	shalt  }
0x62: {  	_ =	shalt  }
0x63: {  	_ =	shalt  }
0x64: {  	_ =	shalt  }
0x65: {  	_ =	shalt  }
0x66: {  	_ =	shalt  }
0x67: {  	_ =	shalt  }
0x68: {  	_ =	shalt  }
0x69: {  	_ =	shalt  }
0x6a: {  	_ =	shalt  }
0x6b: {  	_ =	shalt  }
0x6c: {  	_ =	shalt  }
0x6d: {  	_ =	shalt  }
0x6e: {  	_ =	shalt  }
0x6f: {  	_ =	shalt  }
0x70: {  	_ =	shalt  }
0x71: {  	_ =	shalt  }
0x72: {  	_ =	shalt  }
0x73: {  	_ =	shalt  }
0x74: {  	_ =	shalt  }
0x75: {  	_ =	shalt  }
0x76: {  	_ =	shalt  }
0x77: {  	_ =	shalt  }
0x78: {  	_ =	shalt  }
0x79: {  	_ =	shalt  }
0x7a: {  	_ =	shalt  }
0x7b: {  	_ =	shalt  }
0x7c: {  	_ =	shalt  }
0x7d: {  	_ =	shalt  }
0x7e: {  	_ =	shalt  }
0x7f: {  	_ =	shalt  }
0x80: {  	_ =	shalt  }
0x81: {  	_ =	shalt  }
0x82: {  	_ =	shalt  }
0x83: {  	_ =	shalt  }
0x84: {  	_ =	shalt  }
0x85: {  	_ =	shalt  }
0x86: {  	_ =	shalt  }
0x87: {  	_ =	shalt  }
.Lfunc_end0:
.L_simem_size_0:
called_computation_lowered:
.L_overlay_start_0:
0x88: {  	s2 =	sld [smem:$0x3FD9]  }
0x89: {  	s3 =	sld [smem:$0x3FFE];
	_ =	sdelay $0x1  }
0x8a: {  	s1 =	srdreg.scid  }
0x8b: {  	s0 =	sand.u32 $0x1, s1  }
0x8c: {  	s17 =	sshll.u32 s0, $0xA;
	s2 =	sadd.s32 s3, s2  }
0x8d: {  	s2 =	sadd.s32 s2, s17  }
0x8e: {  	[smem:$0x3FB9] =	sst s2  }
0x8f: {  	_ = 	snop  }
0x90: {  	s2 =	sld [smem:$0x3FC9];
	(tm) =	ssettm $0x1  }
0x91: {  	s18 =	sld [smem:$0x3FFB];
	_ =	sdelay $0x3  }
0x92: {  	_ =	strace s18  }
0x93: {  	s3 =	sld [smem:$0x3FFC];
	_ =	sdelay $0x3  }
0x94: {  	_ =	strace s3  }
0x95: {  	s3 =	sld [smem:$0x3FFD];
	_ =	sdelay $0x3  }
0x96: {  	_ =	strace s3  }
0x97: {  	_ =	strace $0x8FFFFFFF  }
0x98: {  	s19 =	sld [smem:$0x3FDB];
	_ =	sdelay $0x1  }
0x99: {  	s4 =	simm.s32 $_scs_section_size  }
0x9a: {  	s5 =	simm.s32 $_size__tile_overlayer_lowered;
	s6 =	simm.s32 $_tile_overlayer_lowered  }
0x9b: {  	s22 =	simm.s32 $0x1BFF;
	s21 =	sshll.u32 s6, $0x1;
	s3 =	sadd.s32 s4, s19  }
0x9c: {  	s7 =	simm.s32 $0x0;
	s20 =	sshll.u32 s5, $0x1;
	s5 =	sadd.s32 s21, s3  }
0x9d: {  	[timem:s7], [sflag:s22] =	dma.local [hbm:s5], s20  }
0x9e: {  	_ =	swait.ge [sflag:s22], s20  }
0x9f: {  	s4 =	ssub.s32 $0x0, s20;
	[sflag:s22] =	ssyncset.done $0x0  }
0xa0: {  	[sflag:s22] =	ssyncadd.s32 s4;
	_ =	sdelay $0x1  }
0xa1: {  	s23 =	simm.s32 $0x1B8B  }
0xa2: {  	_ =	swait.ge [sflag:s23], $0x1  }
0xa3: {  	[sflag:s23] =	ssyncset.done $0x0  }
0xa4: {  	s25 =	simm.s32 $0x1B8E;
	s24 =	sld [smem:$0x3FFE];
	[sflag:s23] =	ssyncadd.s32 $0xFFFFFFFF  }
0xa5: {  	s26 =	simm.s32 $execute0_lowered;
	[smem:$0x3FD2] =	sst s25  }
0xa6: {  	s5 =	sshll.u32 s26, $0x1;
	_ =	strace $0x80000046;
	[dreg:$0x1] =	wrdreg $0xFFFFFFFF  }
0xa7: {  	s28 =	simm.s32 $_size_execute0_lowered;
	s3 =	sadd.s32 s3, s5;
	[dreg:$0x0] =	wrdreg $0x0  }
0xa8: {  	s5 =	sshll.u32 s28, $0x1;
	[dreg:$0x2] =	wrdreg s3  }
0xa9: {  	[dreg:$0x3] =	wrdreg s5  }
0xaa: {  	[dreg:$0x4] =	wrdreg $0xC0  }
0xab: {  	_ =	task [dreg:s7], $0x5FFFF  }
0xac: {  	[dreg:$0x1] =	wrdreg $0xFFFFFFFF  }
0xad: {  	[dreg:$0x0] =	wrdreg $0x60  }
0xae: {  	[dreg:$0x2] =	wrdreg s2  }
0xaf: {  	[dreg:$0x3] =	wrdreg s24  }
0xb0: {  	[dreg:$0x4] =	wrdreg $0x86000  }
0xb1: {  	[dreg:$0x5] =	wrdreg $0x9  }
0xb2: {  	_ =	task.clear_ibuf [dreg:s7], $0x6FFFF;
	_ =	strace $0x90000046  }
0xb3: {  	s29 =	simm.s32 $0x9;
	_ =	strace $0x80000048  }
0xb4: {  	_ =	swait.ge [sflag:s29], $0x1  }
0xb5: {  	[sflag:s29] =	ssyncadd.s32 $0xFFFFFFFF  }
0xb6: {  	_ =	strace $0x90000048  }
0xb7: {  	_ =	sfence  }
0xb8: {  	s30 =	sld [smem:$0x0];
	_ =	sdelay $0x2  }
0xb9: {  	s31 =	sshll.u32 s1, $0xD;
	s1 =	sshrl.u32 s1, $0x2  }
0xba: {  	s3 =	sand.u32 $0x4000, s31;
	s1 =	sadd.s32 s1, s30  }
0xbb: {  	s0 =	sor.u32 s3, s0;
	s1 =	sshll.u32 s1, $0x11  }
0xbc: {  	s0 =	sor.u32 s1, s0  }
0xbd: {  	s0 =	sadd.s32 $0x8F2B, s0  }
0xbe: {  	[sflag:s0] =	ssyncadd.remote.s32 $0x1  }
0xbf: {  	_ =	sfence.sel $0xFFFF  }
0xc0: {  	[dreg:$0x0] =	wrdreg $0xFFFFFFFF;
	(pc) =	sbr.abs _section_cstart, $3  }
0xc1: {  	[dreg:$0x1] =	wrdreg $0xFFFFFFFF  }
0xc2: {  	_ =	task.clear_ibuf [dreg:s7], $0x2FFFF;
	_ =	strace $0x9FFFFFFF  }
0xc3: {  	(tm) =	ssettm $0x7FFFFFFF  }
tec
execute0_lowered:
.L_overlay_start_1:
0x0: {  	(tag) =	ssettag $0x1  }
0x1: {  	s1 =	rddreg [dreg:$0x0]  }
0x2: {  	s7 =	rddreg [dreg:$0x1]  }
0x3: {  	s2 =	rddreg [dreg:$0x2];
	s3 =	srdreg.scid  }
0x4: {  	s0 =	rddreg [dreg:$0x3];
	s4 =	simm.s32 $0x0;
	s14 =	simm.s32 $0x80  }
0x5: {  	s15 =	simm.s32 $0x200;
	s16 =	simm.s32 $0x4200;
	s8 =	sand.u32 $0x1, s3  }
0x6: {  	s17 =	simm.s32 $0x1;
	s3 =	stileid.u32;
	s9 =	smul.u32 $0x140000, s8  }
0x7: {  	s18 =	simm.s32 $0x180;
	s21 =	simm.s32 $0x0;
	s10 =	smul.u32 $0x14000, s3  }
0x8: {  	[smem:$0x7FF] =	sst s4;
	s5 =	sadd.s32 $0xF800, s7;
	s30 =	smul.u32 $0x50000, s3  }
0x9: {  	s6 =	sadd.s32 $0x5800, s7;
	_ =	strace $0x80000047;
	s12 =	smul.u32 $0x28000, s8  }
0xa: {  	s11 =	ssub.s32 $0x2, s8;
	s13 =	smul.u32 $0x2800, s3;
	s19 =	sshll.u32 s3, $0x6  }
0xb: {  	s31 =	sshrl.u32 s11, $0x1;
	s19 =	sor.u32 $0x1C02, s19;
	s9 =	sadd.s32 s10, s9  }
0xc: {  	s10 =	sshrl.u32 s30, $0x2;
	s11 =	ssub.s32 s11, s31;
	s9 =	sshrl.u32 s9, $0x3  }
0xd: {  	s9 =	sadd.s32 s9, s7;
	s7 =	sadd.s32 s10, s2;
	s10 =	sadd.s32 s13, s12  }
0xe: {  	s12 =	simm.s32 $0x2;
	s13 =	simm.s32 $0x100;
	s8 =	sadd.s32 $0x19800, s9  }
0xf: {  	v0 =	vimm.f32 $0.0e+00;
	s9 =	smax.u32 s11, $0x1;
	s11 =	simm.s32 $0x8200;
	s20 =	sshrl.u32 s7, $0x3  }
.LBB2_1:
0x10: {  	[tilespmem:$0x8200] =	vst v0  }
0x11: {  	[tilespmem:$0x8210] =	vst v0  }
0x12: {  	[tilespmem:$0x8220] =	vst v0  }
0x13: {  	[tilespmem:$0x8230] =	vst v0  }
0x14: {  	[tilespmem:$0x8240] =	vst v0  }
0x15: {  	[tilespmem:$0x8250] =	vst v0  }
0x16: {  	[tilespmem:$0x8260] =	vst v0  }
0x17: {  	[tilespmem:$0x8270] =	vst v0  }
0x18: {  	[tilespmem:$0x8280] =	vst v0  }
0x19: {  	[tilespmem:$0x8290] =	vst v0  }
0x1a: {  	[tilespmem:$0x82A0] =	vst v0  }
0x1b: {  	[tilespmem:$0x82B0] =	vst v0  }
0x1c: {  	[tilespmem:$0x82C0] =	vst v0  }
0x1d: {  	[tilespmem:$0x82D0] =	vst v0  }
0x1e: {  	[tilespmem:$0x82E0] =	vst v0  }
0x1f: {  	[tilespmem:$0x82F0] =	vst v0  }
0x20: {  	[tilespmem:$0x8300] =	vst v0  }
0x21: {  	[tilespmem:$0x8310] =	vst v0  }
0x22: {  	[tilespmem:$0x8320] =	vst v0  }
0x23: {  	[tilespmem:$0x8330] =	vst v0  }
0x24: {  	[tilespmem:$0x8340] =	vst v0  }
0x25: {  	[tilespmem:$0x8350] =	vst v0  }
0x26: {  	[tilespmem:$0x8360] =	vst v0  }
0x27: {  	[tilespmem:$0x8370] =	vst v0  }
0x28: {  	[tilespmem:$0x8380] =	vst v0  }
0x29: {  	[tilespmem:$0x8390] =	vst v0  }
0x2a: {  	[tilespmem:$0x83A0] =	vst v0  }
0x2b: {  	[tilespmem:$0x83B0] =	vst v0  }
0x2c: {  	[tilespmem:$0x83C0] =	vst v0  }
0x2d: {  	[tilespmem:$0x83D0] =	vst v0  }
0x2e: {  	[tilespmem:$0x83E0] =	vst v0  }
0x2f: {  	[tilespmem:$0x83F0] =	vst v0  }
0x30: {  	[tilespmem:$0x8400] =	vst v0  }
0x31: {  	[tilespmem:$0x8410] =	vst v0  }
0x32: {  	[tilespmem:$0x8420] =	vst v0  }
0x33: {  	[tilespmem:$0x8430] =	vst v0  }
0x34: {  	[tilespmem:$0x8440] =	vst v0  }
0x35: {  	[tilespmem:$0x8450] =	vst v0  }
0x36: {  	[tilespmem:$0x8460] =	vst v0  }
0x37: {  	[tilespmem:$0x8470] =	vst v0  }
0x38: {  	[tilespmem:$0x8480] =	vst v0  }
0x39: {  	[tilespmem:$0x8490] =	vst v0  }
0x3a: {  	[tilespmem:$0x84A0] =	vst v0  }
0x3b: {  	[tilespmem:$0x84B0] =	vst v0  }
0x3c: {  	[tilespmem:$0x84C0] =	vst v0  }
0x3d: {  	[tilespmem:$0x84D0] =	vst v0  }
0x3e: {  	[tilespmem:$0x84E0] =	vst v0  }
0x3f: {  	[tilespmem:$0x84F0] =	vst v0  }
0x40: {  	[tilespmem:$0x8500] =	vst v0  }
0x41: {  	[tilespmem:$0x8510] =	vst v0  }
0x42: {  	[tilespmem:$0x8520] =	vst v0  }
0x43: {  	[tilespmem:$0x8530] =	vst v0  }
0x44: {  	[tilespmem:$0x8540] =	vst v0  }
0x45: {  	[tilespmem:$0x8550] =	vst v0  }
0x46: {  	[tilespmem:$0x8560] =	vst v0  }
0x47: {  	[tilespmem:$0x8570] =	vst v0  }
0x48: {  	[tilespmem:$0x8580] =	vst v0  }
0x49: {  	[tilespmem:$0x8590] =	vst v0  }
0x4a: {  	[tilespmem:$0x85A0] =	vst v0  }
0x4b: {  	[tilespmem:$0x85B0] =	vst v0  }
0x4c: {  	[tilespmem:$0x85C0] =	vst v0  }
0x4d: {  	[tilespmem:$0x85D0] =	vst v0  }
0x4e: {  	[tilespmem:$0x85E0] =	vst v0  }
0x4f: {  	[tilespmem:$0x85F0] =	vst v0;
	s22 =	sadd.s32 $0x0, s7  }
0x50: {  	[spmem:s22] =	stream.linear.scatter [tilespmem:s11], [sflag:$0x2], $0x400, $0x38;
	[tilespmem:$0x1C600] =	vst v63  }
0x51: {  	s22 =	simm.s32 $0x1000;
	_ =	swait.ge [sflag:s12], $0x400  }
.LBB2_2:
0x52: {  	s23 =	sshra.s32 s22, $0x2;
	[sflag:s12] =	ssyncset.done $0x0;
	p0 =	sne.s32 s22, $0x4F000  }
.Ltmp0:
0x53: {  	s23 =	sadd.s32 s23, s7;
	[sflag:s12] =	ssyncadd.s32 $0xFFFFFC00;
	(pc) =	sbr.rel @p0 .LBB2_2-.Ltmp0, $3  }
0x54: {  	[spmem:s23] =	stream.linear.scatter [tilespmem:s11], [sflag:$0x2], $0x400, $0x38;
	[tilespmem:$0x1C600] =	vst v63  }
0x55: {  	s22 =	sadd.s32 $0x1000, s22;
	_ =	sdelay $0x1  }
0x56: {  	_ =	swait.ge [sflag:s12], $0x400  }
0x57: {  	s22 =	simm.s32 $0x0;
	s23 =	sadd.s32 $0x0, s10  }
0x58: {  	s23 =	sand.u32 $0xFFC00, s23;
	s22 =	sand.u32 $0x300, s22  }
0x59: {  	[sflag:s12] =	ssyncset.done $0x0;
	s22 =	sor.u32 s22, s23  }
0x5a: {  	[sflag:s12] =	ssyncadd.s32 $0xFFFFFC00;
	s22 =	sshrl.u32 s22, $0x3  }
0x5b: {  	[bflag:$0x0] =	sbarrier.arrive $0xFFFF;
	s29 =	sadd.s32 s5, s22  }
0x5c: {  	[tilespmem:s4], [sflag:$0x2] =	stream.linear.gather [hbm4b:s29+s4], $0x100, $0x38;
	[tilespmem:$0x1C600] =	vst v63  }
0x5d: {  	_ =	swait.ge [sflag:s12], $0x100  }
0x5e: {  	[sflag:s12] =	ssyncset.done $0x0  }
0x5f: {  	s22 =	sadd.s32 s6, s22;
	[sflag:s12] =	ssyncadd.s32 $0xFFFFFF00  }
0x60: {  	[tilespmem:s13], [sflag:$0x2] =	stream.linear.gather [hbm4b:s22+s4], $0x100, $0x38;
	[tilespmem:$0x1C600] =	vst v63  }
0x61: {  	_ =	swait.ge [sflag:s12], $0x100  }
0x62: {  	[sflag:s12] =	ssyncset.done $0x0  }
0x63: {  	[sflag:s12] =	ssyncadd.s32 $0xFFFFFF00  }
0x64: {  	[tilespmem:s15], [sflag:$0x1] =	stream.indirect.gather [hbm4b:s1+s14], $0x80, s4, s14, $0xb8;
	[tilespmem:$0x1C600] =	vst v63  }
0x65: {  	_ = 	snop  }
0x66: {  	[tilespmem:s16], [sflag:$0x1] =	stream.indirect.gather [hbm4b:s1+s14], $0x80, s14, s14, $0xb8;
	[tilespmem:$0x1C600] =	vst v63  }
0x67: {  	_ =	swait.ge [sflag:s17], $0x4000  }
0x68: {  	[sflag:s17] =	ssyncset.done $0x0  }
0x69: {  	[sflag:s17] =	ssyncadd.s32 $0xFFFFC000  }
0x6a: {  	_ =	swait.ge [sflag:s17], $0x4000  }
0x6b: {  	[sflag:s17] =	ssyncset.done $0x0  }
0x6c: {  	[sflag:s17] =	ssyncadd.s32 $0xFFFFC000  }
0x6d: {  	[spmem:s2] =	stream.indirect.scatter.add.f32 [tilespmem:s15], [sflag:$0x2], $0x80, s13, s14, $0xb8;
	[tilespmem:$0x1C600] =	vst v63  }
0x6e: {  	_ =	swait.ge [sflag:s12], $0x4000  }
0x6f: {  	[sflag:s12] =	ssyncset.done $0x0  }
0x70: {  	s30 =	simm.s32 $0x100;
	s31 =	sadd.s32 $0x100, s10;
	[sflag:s12] =	ssyncadd.s32 $0xFFFFC000  }
0x71: {  	[spmem:s2] =	stream.indirect.scatter.add.f32 [tilespmem:s16], [sflag:$0x2], $0x80, s18, s14, $0xb8;
	[tilespmem:$0x1C600] =	vst v63  }
0x72: {  	s24 =	sand.u32 $0x300, s30;
	s23 =	sand.u32 $0xFFC00, s31;
	_ =	swait.ge [sflag:s12], $0x4000  }
0x73: {  	s23 =	sor.u32 s24, s23;
	s22 =	simm.s32 $0x200;
	[sflag:s12] =	ssyncset.done $0x0  }
.LBB2_4:
0x74: {  	s23 =	sshrl.u32 s23, $0x3  }
0x75: {  	[sflag:s12] =	ssyncadd.s32 $0xFFFFC000;
	s24 =	smov.u32 s22;
	s25 =	sadd.s32 $0x100, s22  }
0x76: {  	p0 =	sne.s32 s22, $0x2700;
	s22 =	sadd.s32 s5, s23  }
0x77: {  	[tilespmem:s4], [sflag:$0x2] =	stream.linear.gather [hbm4b:s22+s4], $0x100, $0x38;
	[tilespmem:$0x1C600] =	vst v63  }
0x78: {  	_ =	swait.ge [sflag:s12], $0x100  }
0x79: {  	[sflag:s12] =	ssyncset.done $0x0  }
0x7a: {  	s22 =	sadd.s32 s6, s23;
	[sflag:s12] =	ssyncadd.s32 $0xFFFFFF00  }
0x7b: {  	[tilespmem:s13], [sflag:$0x2] =	stream.linear.gather [hbm4b:s22+s4], $0x100, $0x38;
	[tilespmem:$0x1C600] =	vst v63  }
0x7c: {  	_ =	swait.ge [sflag:s12], $0x100  }
0x7d: {  	[sflag:s12] =	ssyncset.done $0x0  }
0x7e: {  	[sflag:s12] =	ssyncadd.s32 $0xFFFFFF00  }
0x7f: {  	[tilespmem:s15], [sflag:$0x1] =	stream.indirect.gather [hbm4b:s1+s14], $0x80, s4, s14, $0xb8;
	[tilespmem:$0x1C600] =	vst v63  }
0x80: {  	_ = 	snop  }
0x81: {  	[tilespmem:s16], [sflag:$0x1] =	stream.indirect.gather [hbm4b:s1+s14], $0x80, s14, s14, $0xb8;
	[tilespmem:$0x1C600] =	vst v63  }
0x82: {  	_ =	swait.ge [sflag:s17], $0x4000  }
0x83: {  	[sflag:s17] =	ssyncset.done $0x0  }
0x84: {  	[sflag:s17] =	ssyncadd.s32 $0xFFFFC000  }
0x85: {  	_ =	swait.ge [sflag:s17], $0x4000  }
0x86: {  	[sflag:s17] =	ssyncset.done $0x0  }
0x87: {  	[sflag:s17] =	ssyncadd.s32 $0xFFFFC000  }
0x88: {  	[spmem:s2] =	stream.indirect.scatter.add.f32 [tilespmem:s15], [sflag:$0x2], $0x80, s13, s14, $0xb8;
	[tilespmem:$0x1C600] =	vst v63  }
0x89: {  	_ =	swait.ge [sflag:s12], $0x4000  }
.Ltmp1:
0x8a: {  	[sflag:s12] =	ssyncset.done $0x0;
	(pc) =	sbr.rel @p0 .LBB2_4-.Ltmp1, $4  }
0x8b: {  	s22 =	sadd.s32 s24, s10;
	[sflag:s12] =	ssyncadd.s32 $0xFFFFC000  }
0x8c: {  	[spmem:s2] =	stream.indirect.scatter.add.f32 [tilespmem:s16], [sflag:$0x2], $0x80, s18, s14, $0xb8;
	[tilespmem:$0x1C600] =	vst v63  }
0x8d: {  	s23 =	sand.u32 $0x300, s24;
	s22 =	sand.u32 $0xFFC00, s22;
	_ =	swait.ge [sflag:s12], $0x4000  }
0x8e: {  	s23 =	sor.u32 s23, s22;
	s22 =	smov.u32 s25;
	[sflag:s12] =	ssyncset.done $0x0  }
0x8f: {  	s22 =	sshrl.u32 s23, $0x3  }
0x90: {  	[sflag:s12] =	ssyncadd.s32 $0xFFFFC000;
	s23 =	sadd.s32 s5, s22  }
0x91: {  	[tilespmem:s4], [sflag:$0x2] =	stream.linear.gather [hbm4b:s23+s4], $0x100, $0x38;
	[tilespmem:$0x1C600] =	vst v63  }
0x92: {  	_ =	swait.ge [sflag:s12], $0x100  }
0x93: {  	[sflag:s12] =	ssyncset.done $0x0  }
0x94: {  	s22 =	sadd.s32 s6, s22;
	[sflag:s12] =	ssyncadd.s32 $0xFFFFFF00  }
0x95: {  	[tilespmem:s13], [sflag:$0x2] =	stream.linear.gather [hbm4b:s22+s4], $0x100, $0x38;
	[tilespmem:$0x1C600] =	vst v63  }
0x96: {  	_ =	swait.ge [sflag:s12], $0x100  }
0x97: {  	[sflag:s12] =	ssyncset.done $0x0  }
0x98: {  	[sflag:s12] =	ssyncadd.s32 $0xFFFFFF00  }
0x99: {  	[tilespmem:s15], [sflag:$0x1] =	stream.indirect.gather [hbm4b:s1+s14], $0x80, s4, s14, $0xb8;
	[tilespmem:$0x1C600] =	vst v63  }
0x9a: {  	_ = 	snop  }
0x9b: {  	[tilespmem:s16], [sflag:$0x1] =	stream.indirect.gather [hbm4b:s1+s14], $0x80, s14, s14, $0xb8;
	[tilespmem:$0x1C600] =	vst v63  }
0x9c: {  	_ =	swait.ge [sflag:s17], $0x4000  }
0x9d: {  	[sflag:s17] =	ssyncset.done $0x0  }
0x9e: {  	[sflag:s17] =	ssyncadd.s32 $0xFFFFC000  }
0x9f: {  	_ =	swait.ge [sflag:s17], $0x4000  }
0xa0: {  	[sflag:s17] =	ssyncset.done $0x0  }
0xa1: {  	[sflag:s17] =	ssyncadd.s32 $0xFFFFC000  }
0xa2: {  	[spmem:s2] =	stream.indirect.scatter.add.f32 [tilespmem:s15], [sflag:$0x2], $0x80, s13, s14, $0xb8;
	[tilespmem:$0x1C600] =	vst v63  }
0xa3: {  	_ =	swait.ge [sflag:s12], $0x4000  }
0xa4: {  	[sflag:s12] =	ssyncset.done $0x0  }
0xa5: {  	[sflag:s12] =	ssyncadd.s32 $0xFFFFC000  }
0xa6: {  	[spmem:s2] =	stream.indirect.scatter.add.f32 [tilespmem:s16], [sflag:$0x2], $0x80, s18, s14, $0xb8;
	[tilespmem:$0x1C600] =	vst v63  }
0xa7: {  	_ =	swait.ge [sflag:s12], $0x4000  }
0xa8: {  	s21 =	sadd.s32 $0x1, s21;
	[sflag:s12] =	ssyncset.done $0x0  }
0xa9: {  	p0 =	sne.s32 s21, s9;
	[sflag:s12] =	ssyncadd.s32 $0xFFFFC000  }
.Ltmp2:
0xaa: {  	[bflag:$0x0] =	sbarrier.arrive $0xFFFF;
	(pc) =	sbr.rel @p0 .LBB2_1-.Ltmp2, $4  }
0xab: {  	[hbm:s8], [sflag:s19] =	dma.local [spmem:s20], $0x2800  }
0xac: {  	_ =	swait.ge [sflag:s12], $0x2800  }
0xad: {  	[sflag:s12] =	ssyncset.done $0x0  }
0xae: {  	[sflag:s12] =	ssyncadd.s32 $0xFFFFD800  }
0xaf: {  	_ =	sfence.sel $0x180000  }
0xb0: {  	[bflag:$0x0] =	sbarrier.arrive $0xFFFF  }
0xb1: {  	p0 =	sne.s32 s3, $0x0;
	_ =	strace $0x90000047  }
0xb2: {  	s0 =	sadd.s32 @!p0 $0x100000, s0;
	[bflag:$0x2] =	sbarrier.arrive $0xFFFF  }
0xb3: {  	[sflag:s0] =	ssyncadd.tile.s32 @!p0 $0x1;
	_ =	shalt  }
.Lfunc_end2:
_tile_overlayer_lowered:
.L_overlay_start_2:
0xb4: {  	(tag) =	ssettag $0x2  }
0xb5: {  	s0 =	rddreg [dreg:$0x0];
	s2 =	stileid.u32  }
0xb6: {  	s1 =	rddreg [dreg:$0x1];
	p0 =	sne.s32 s2, $0x0  }
0xb7: {  	s3 =	rddreg [dreg:$0x2];
	[bflag:$0x3] =	sbarrier.arrive $0xFFFF;
	s2 =	simm.s32 @!p0 $0x1C02  }
0xb8: {  	[timem:s3], [sflag:s2] =	dma.local @!p0 [hbm:s0], s1  }
0xb9: {  	s0 =	simm.s32 @!p0 $0x2  }
0xba: {  	_ =	swait.ge @!p0 [sflag:s0], s1  }
0xbb: {  	s1 =	ssub.s32 @!p0 $0x0, s1;
	[sflag:s0] =	ssyncset.done @!p0 $0x0  }
0xbc: {  	[sflag:s0] =	ssyncadd.s32 @!p0 s1  }
0xbd: {  	[bflag:$0x3] =	sbarrier.arrive $0xFFFF  }
0xbe: {  	_ =	shalt  }

// kernel: kernel.15.cloned.1.call-start
scs
__scs_entry_jumppad:
0x0: {  	(pc) =	sbr.rel $0x88, $3  }
0x1: {  	(tag) =	ssettag $0x0;
	lr =	simm.s32 $0x1  }
0x2: {  	[smem:$0x3F92] =	sst lr;
	_ =	strace $0xD0000000  }
0x3: {  	_ = 	snop  }
0x4: {  	_ = 	snop  }
0x5: {  	_ = 	snop  }
0x6: {  	_ = 	snop  }
0x7: {  	_ = 	snop  }
__scs_overlays_trampoline_lowered:
0x8: {  	[smem:$0x3FA1] =	sst s0  }
0x9: {  	[smem:$0x3FA2] =	sst s1  }
0xa: {  	[smem:$0x3FA3] =	sst s2  }
0xb: {  	[smem:$0x3FA4] =	sst s3  }
0xc: {  	[smem:$0x3FA5] =	sst s4  }
0xd: {  	[smem:$0x3FA6] =	sst s5  }
0xe: {  	[smem:$0x3FA7] =	sst s6  }
0xf: {  	[smem:$0x3FA8] =	sst s7  }
0x10: {  	[smem:$0x3FA9] =	sst s8  }
0x11: {  	[smem:$0x3FAA] =	sst s9;
	s0 =	simm.s32 @!p0 $0x0  }
0x12: {  	s1 =	sld [smem:$0x3F90];
	s0 =	simm.s32 @p0 $0x1  }
0x13: {  	[smem:$0x3FAB] =	sst s0;
	s0 =	simm.s32 @!p1 $0x0  }
0x14: {  	s2 =	sld [smem:$0x3F8F];
	s0 =	simm.s32 @p1 $0x1  }
0x15: {  	[smem:$0x3FAC] =	sst s0;
	s0 =	simm.s32 @!p2 $0x0  }
0x16: {  	s3 =	sld [smem:$0x3FDB];
	s0 =	simm.s32 @p2 $0x1  }
0x17: {  	s4 =	simm.s32 $0x1BF5;
	[smem:$0x3FAE] =	sst s0  }
0x18: {  	s0 =	sld [smem:$0x3F91];
	_ =	swait.ge [sflag:s4], $0x0  }
0x19: {  	s7 =	sld [smem:$0x3F92]  }
0x1a: {  	s8 =	sadd.s32 $0xFFFFE003, lr  }
0x1b: {  	s9 =	sadd.s32 $0xFFFFFEF7, lr;
	s5 =	simm.s32 $0xFFFFFFFF;
	p2 =	slt.u32 s8, $0xFFFFF086  }
0x1c: {  	p1 =	slt.u32 s9, $0xF7A;
	s5 =	simm.s32 @!p2 $0x0  }
0x1d: {  	s5 =	simm.s32 @p1 $0x1;
	p0 =	seq.s32 s7, s2  }
0x1e: {  	s7 =	smul.u32 @!p0 $0xF7A, s2;
	p2 =	seq.s32 @!p0 s5, $0x0  }
0x1f: {  	s9 =	smul.u32 $0xF7A, s1;
	s8 =	simm.s32 @!p0 $0x1BF5;
	p2 =	por !p2, p0  }
0x20: {  	[sflag:s8] =	ssyncset.s32 @!p0 $0xFFFFF086;
	s6 =	sadd.s32 @!p0 s3, s7;
	s7 =	simm.s32 @!p0 $0x108  }
0x21: {  	s3 =	sadd.s32 s3, s9;
	s6 =	sadd.s32 @!p0 $0x88, s6;
	s7 =	simm.s32 @p2 $0x1082  }
0x22: {  	[simem:s7], [sflag:s8] =	dma.local @!p0 [hbm:s6], $0xF7A  }
0x23: {  	s9 =	sor.u32 $0xD0000000, s2;
	s6 =	simm.s32 $0x108;
	_ =	swait.ge @!p0 [sflag:s8], $0x0  }
0x24: {  	s3 =	sadd.s32 $0x88, s3;
	s6 =	simm.s32 @!p1 $0x1082;
	[sflag:s4] =	ssyncset.s32 $0xFFFFF086  }
0x25: {  	[simem:s6], [sflag:s4] =	dma.local [hbm:s3], $0xF7A  }
0x26: {  	[smem:$0x3F92] =	sst s1;
	(tag) =	ssettag s2;
	_ =	strace s9  }
0x27: {  	s1 =	sld [smem:$0x3FA2]  }
0x28: {  	s2 =	sld [smem:$0x3FA3]  }
0x29: {  	s4 =	sld [smem:$0x3FA5]  }
0x2a: {  	p0 =	seq.s32 s5, $0x0;
	s5 =	sld [smem:$0x3FA6]  }
0x2b: {  	s6 =	sld [smem:$0x3FA7]  }
0x2c: {  	s7 =	sld [smem:$0x3FA8]  }
0x2d: {  	s3 =	simm.s32 $0x108;
	s8 =	sld [smem:$0x3FA9]  }
0x2e: {  	s3 =	simm.s32 @!p0 $0x1082;
	s9 =	sld [smem:$0x3FAA]  }
0x2f: {  	lr =	sadd.s32 s0, s3;
	s0 =	sld [smem:$0x3FA1]  }
0x30: {  	s3 =	sld [smem:$0x3FA4]  }
0x31: {  	[smem:$0x3FAD] =	sst s10  }
0x32: {  	s10 =	sld [smem:$0x3FAB];
	_ =	sdelay $0x3  }
0x33: {  	p0 =	seq.s32 s10, $0x1;
	s10 =	sld [smem:$0x3FAD];
	_ =	sdelay $0x3  }
0x34: {  	[smem:$0x3FAD] =	sst s10  }
0x35: {  	s10 =	sld [smem:$0x3FAC];
	_ =	sdelay $0x3  }
0x36: {  	p1 =	seq.s32 s10, $0x1;
	s10 =	sld [smem:$0x3FAD];
	_ =	sdelay $0x3  }
0x37: {  	[smem:$0x3FAD] =	sst s10  }
0x38: {  	s10 =	sld [smem:$0x3FAE]  }
0x39: {  	_ = 	snop;
	(pc) =	sbr.ind lr, $3  }
0x3a: {  	_ = 	snop  }
0x3b: {  	_ = 	snop  }
0x3c: {  	p2 =	seq.s32 s10, $0x1;
	s10 =	sld [smem:$0x3FAD]  }
0x3d: {  	_ =	shalt  }
0x3e: {  	_ =	shalt  }
0x3f: {  	_ =	shalt  }
0x40: {  	_ =	shalt  }
0x41: {  	_ =	shalt  }
0x42: {  	_ =	shalt  }
0x43: {  	_ =	shalt  }
0x44: {  	_ =	shalt  }
0x45: {  	_ =	shalt  }
0x46: {  	_ =	shalt  }
0x47: {  	_ =	shalt  }
0x48: {  	_ =	shalt  }
0x49: {  	_ =	shalt  }
0x4a: {  	_ =	shalt  }
0x4b: {  	_ =	shalt  }
0x4c: {  	_ =	shalt  }
0x4d: {  	_ =	shalt  }
0x4e: {  	_ =	shalt  }
0x4f: {  	_ =	shalt  }
0x50: {  	_ =	shalt  }
0x51: {  	_ =	shalt  }
0x52: {  	_ =	shalt  }
0x53: {  	_ =	shalt  }
0x54: {  	_ =	shalt  }
0x55: {  	_ =	shalt  }
0x56: {  	_ =	shalt  }
0x57: {  	_ =	shalt  }
0x58: {  	_ =	shalt  }
0x59: {  	_ =	shalt  }
0x5a: {  	_ =	shalt  }
0x5b: {  	_ =	shalt  }
0x5c: {  	_ =	shalt  }
0x5d: {  	_ =	shalt  }
0x5e: {  	_ =	shalt  }
0x5f: {  	_ =	shalt  }
0x60: {  	_ =	shalt  }
0x61: {  	_ =	shalt  }
0x62: {  	_ =	shalt  }
0x63: {  	_ =	shalt  }
0x64: {  	_ =	shalt  }
0x65: {  	_ =	shalt  }
0x66: {  	_ =	shalt  }
0x67: {  	_ =	shalt  }
0x68: {  	_ =	shalt  }
0x69: {  	_ =	shalt  }
0x6a: {  	_ =	shalt  }
0x6b: {  	_ =	shalt  }
0x6c: {  	_ =	shalt  }
0x6d: {  	_ =	shalt  }
0x6e: {  	_ =	shalt  }
0x6f: {  	_ =	shalt  }
0x70: {  	_ =	shalt  }
0x71: {  	_ =	shalt  }
0x72: {  	_ =	shalt  }
0x73: {  	_ =	shalt  }
0x74: {  	_ =	shalt  }
0x75: {  	_ =	shalt  }
0x76: {  	_ =	shalt  }
0x77: {  	_ =	shalt  }
0x78: {  	_ =	shalt  }
0x79: {  	_ =	shalt  }
0x7a: {  	_ =	shalt  }
0x7b: {  	_ =	shalt  }
0x7c: {  	_ =	shalt  }
0x7d: {  	_ =	shalt  }
0x7e: {  	_ =	shalt  }
0x7f: {  	_ =	shalt  }
0x80: {  	_ =	shalt  }
0x81: {  	_ =	shalt  }
0x82: {  	_ =	shalt  }
0x83: {  	_ =	shalt  }
0x84: {  	_ =	shalt  }
0x85: {  	_ =	shalt  }
0x86: {  	_ =	shalt  }
0x87: {  	_ =	shalt  }
.Lfunc_end0:
.L_simem_size_0:
called_computation.1_lowered:
.L_overlay_start_0:
0x88: {  	s2 =	sld [smem:$0x3FD9]  }
0x89: {  	s3 =	sld [smem:$0x3FFE];
	_ =	sdelay $0x1  }
0x8a: {  	s1 =	srdreg.scid  }
0x8b: {  	s0 =	sand.u32 $0x1, s1  }
0x8c: {  	s16 =	sshll.u32 s0, $0xA;
	s2 =	sadd.s32 s3, s2  }
0x8d: {  	s2 =	sadd.s32 s2, s16  }
0x8e: {  	[smem:$0x3FB9] =	sst s2  }
0x8f: {  	_ = 	snop  }
0x90: {  	(tm) =	ssettm $0x1  }
0x91: {  	s17 =	sld [smem:$0x3FFB];
	_ =	sdelay $0x3  }
0x92: {  	_ =	strace s17  }
0x93: {  	s2 =	sld [smem:$0x3FFC];
	_ =	sdelay $0x3  }
0x94: {  	_ =	strace s2  }
0x95: {  	s2 =	sld [smem:$0x3FFD];
	_ =	sdelay $0x3  }
0x96: {  	_ =	strace s2  }
0x97: {  	_ =	strace $0x8FFFFFFF  }
0x98: {  	s18 =	sld [smem:$0x3FDB];
	_ =	sdelay $0x1  }
0x99: {  	s19 =	simm.s32 $_scs_section_size  }
0x9a: {  	s4 =	simm.s32 $_size__tile_overlayer_lowered;
	s5 =	simm.s32 $_tile_overlayer_lowered  }
0x9b: {  	s22 =	simm.s32 $0x1BFF;
	s21 =	sshll.u32 s5, $0x1;
	s2 =	sadd.s32 s19, s18  }
0x9c: {  	s6 =	simm.s32 $0x0;
	s20 =	sshll.u32 s4, $0x1;
	s4 =	sadd.s32 s21, s2  }
0x9d: {  	[timem:s6], [sflag:s22] =	dma.local [hbm:s4], s20  }
0x9e: {  	_ =	swait.ge [sflag:s22], s20  }
0x9f: {  	s3 =	ssub.s32 $0x0, s20;
	[sflag:s22] =	ssyncset.done $0x0  }
0xa0: {  	[sflag:s22] =	ssyncadd.s32 s3;
	_ =	sdelay $0x1  }
0xa1: {  	s23 =	simm.s32 $0x1B8B  }
0xa2: {  	_ =	swait.ge [sflag:s23], $0x1  }
0xa3: {  	[sflag:s23] =	ssyncset.done $0x0  }
0xa4: {  	s25 =	simm.s32 $0x1B8E;
	s24 =	sld [smem:$0x3FFE];
	[sflag:s23] =	ssyncadd.s32 $0xFFFFFFFF  }
0xa5: {  	s26 =	simm.s32 $execute0_lowered;
	[smem:$0x3FD2] =	sst s25  }
0xa6: {  	s4 =	sshll.u32 s26, $0x1;
	_ =	strace $0x80000049;
	[dreg:$0x1] =	wrdreg $0xFFFFFFFF  }
0xa7: {  	s28 =	simm.s32 $_size_execute0_lowered;
	s2 =	sadd.s32 s2, s4;
	[dreg:$0x0] =	wrdreg $0x0  }
0xa8: {  	s4 =	sshll.u32 s28, $0x1;
	[dreg:$0x2] =	wrdreg s2  }
0xa9: {  	[dreg:$0x3] =	wrdreg s4  }
0xaa: {  	[dreg:$0x4] =	wrdreg $0xC0  }
0xab: {  	_ =	task [dreg:s6], $0x5FFFF  }
0xac: {  	[dreg:$0x1] =	wrdreg $0xFFFFFFFF  }
0xad: {  	[dreg:$0x0] =	wrdreg $0x60  }
0xae: {  	[dreg:$0x2] =	wrdreg s24  }
0xaf: {  	[dreg:$0x3] =	wrdreg $0x86000  }
0xb0: {  	[dreg:$0x4] =	wrdreg $0x9  }
0xb1: {  	_ =	task.clear_ibuf [dreg:s6], $0x5FFFF;
	_ =	strace $0x90000049  }
0xb2: {  	s29 =	simm.s32 $0x9;
	_ =	strace $0x8000004B  }
0xb3: {  	_ =	swait.ge [sflag:s29], $0x1  }
0xb4: {  	[sflag:s29] =	ssyncadd.s32 $0xFFFFFFFF  }
0xb5: {  	_ =	strace $0x9000004B  }
0xb6: {  	_ =	sfence  }
0xb7: {  	s30 =	sld [smem:$0x0];
	_ =	sdelay $0x2  }
0xb8: {  	s31 =	sshll.u32 s1, $0xD;
	s1 =	sshrl.u32 s1, $0x2  }
0xb9: {  	s3 =	sand.u32 $0x4000, s31;
	s1 =	sadd.s32 s1, s30  }
0xba: {  	s0 =	sor.u32 s3, s0;
	s1 =	sshll.u32 s1, $0x11  }
0xbb: {  	s0 =	sor.u32 s1, s0  }
0xbc: {  	s0 =	sadd.s32 $0x8F2B, s0  }
0xbd: {  	[sflag:s0] =	ssyncadd.remote.s32 $0x1  }
0xbe: {  	_ =	sfence.sel $0xFFFF  }
0xbf: {  	[dreg:$0x0] =	wrdreg $0xFFFFFFFF;
	(pc) =	sbr.abs _section_cstart, $3  }
0xc0: {  	[dreg:$0x1] =	wrdreg $0xFFFFFFFF  }
0xc1: {  	_ =	task.clear_ibuf [dreg:s6], $0x2FFFF;
	_ =	strace $0x9FFFFFFF  }
0xc2: {  	(tm) =	ssettm $0x7FFFFFFF  }
0xc3: {  	_ =	shalt  }
tec
execute0_lowered:
.L_overlay_start_1:
0x0: {  	(tag) =	ssettag $0x1  }
0x1: {  	s7 =	rddreg [dreg:$0x0]  }
0x2: {  	s1 =	rddreg [dreg:$0x1]  }
0x3: {  	s2 =	srdreg.scid;
	s0 =	rddreg [dreg:$0x2]  }
0x4: {  	s3 =	simm.s32 $0x0;
	s14 =	simm.s32 $0x80;
	s15 =	simm.s32 $0x200  }
0x5: {  	s16 =	simm.s32 $0x4200;
	s17 =	simm.s32 $0x1;
	s8 =	sand.u32 $0x1, s2  }
0x6: {  	s18 =	simm.s32 $0x180;
	s2 =	stileid.u32;
	s9 =	smul.u32 $0x140000, s8  }
0x7: {  	s21 =	simm.s32 $0x0;
	[smem:$0x7FF] =	sst s3;
	s10 =	smul.u32 $0x14000, s2  }
0x8: {  	s4 =	sadd.s32 $0x19800, s7;
	s5 =	sadd.s32 $0xF800, s7;
	s30 =	smul.u32 $0x50000, s2  }
0x9: {  	s6 =	sadd.s32 $0x5800, s7;
	_ =	strace $0x8000004A;
	s12 =	smul.u32 $0x28000, s8  }
0xa: {  	s11 =	ssub.s32 $0x2, s8;
	s13 =	smul.u32 $0x2800, s2;
	s19 =	sshll.u32 s2, $0x6  }
0xb: {  	s31 =	sshrl.u32 s11, $0x1;
	s19 =	sor.u32 $0x1C02, s19;
	s9 =	sadd.s32 s10, s9  }
0xc: {  	s10 =	sshrl.u32 s30, $0x2;
	s11 =	ssub.s32 s11, s31;
	s9 =	sshrl.u32 s9, $0x3  }
0xd: {  	s9 =	sadd.s32 s9, s7;
	s7 =	sadd.s32 s10, s1;
	s10 =	sadd.s32 s13, s12  }
0xe: {  	s12 =	simm.s32 $0x2;
	s13 =	simm.s32 $0x100;
	s8 =	sadd.s32 $0x40A00, s9  }
0xf: {  	v0 =	vimm.f32 $0.0e+00;
	s9 =	smax.u32 s11, $0x1;
	s11 =	simm.s32 $0x8200;
	s20 =	sshrl.u32 s7, $0x3  }
.LBB2_1:
0x10: {  	[tilespmem:$0x8200] =	vst v0  }
0x11: {  	[tilespmem:$0x8210] =	vst v0  }
0x12: {  	[tilespmem:$0x8220] =	vst v0  }
0x13: {  	[tilespmem:$0x8230] =	vst v0  }
0x14: {  	[tilespmem:$0x8240] =	vst v0  }
0x15: {  	[tilespmem:$0x8250] =	vst v0  }
0x16: {  	[tilespmem:$0x8260] =	vst v0  }
0x17: {  	[tilespmem:$0x8270] =	vst v0  }
0x18: {  	[tilespmem:$0x8280] =	vst v0  }
0x19: {  	[tilespmem:$0x8290] =	vst v0  }
0x1a: {  	[tilespmem:$0x82A0] =	vst v0  }
0x1b: {  	[tilespmem:$0x82B0] =	vst v0  }
0x1c: {  	[tilespmem:$0x82C0] =	vst v0  }
0x1d: {  	[tilespmem:$0x82D0] =	vst v0  }
0x1e: {  	[tilespmem:$0x82E0] =	vst v0  }
0x1f: {  	[tilespmem:$0x82F0] =	vst v0  }
0x20: {  	[tilespmem:$0x8300] =	vst v0  }
0x21: {  	[tilespmem:$0x8310] =	vst v0  }
0x22: {  	[tilespmem:$0x8320] =	vst v0  }
0x23: {  	[tilespmem:$0x8330] =	vst v0  }
0x24: {  	[tilespmem:$0x8340] =	vst v0  }
0x25: {  	[tilespmem:$0x8350] =	vst v0  }
0x26: {  	[tilespmem:$0x8360] =	vst v0  }
0x27: {  	[tilespmem:$0x8370] =	vst v0  }
0x28: {  	[tilespmem:$0x8380] =	vst v0  }
0x29: {  	[tilespmem:$0x8390] =	vst v0  }
0x2a: {  	[tilespmem:$0x83A0] =	vst v0  }
0x2b: {  	[tilespmem:$0x83B0] =	vst v0  }
0x2c: {  	[tilespmem:$0x83C0] =	vst v0  }
0x2d: {  	[tilespmem:$0x83D0] =	vst v0  }
0x2e: {  	[tilespmem:$0x83E0] =	vst v0  }
0x2f: {  	[tilespmem:$0x83F0] =	vst v0  }
0x30: {  	[tilespmem:$0x8400] =	vst v0  }
0x31: {  	[tilespmem:$0x8410] =	vst v0  }
0x32: {  	[tilespmem:$0x8420] =	vst v0  }
0x33: {  	[tilespmem:$0x8430] =	vst v0  }
0x34: {  	[tilespmem:$0x8440] =	vst v0  }
0x35: {  	[tilespmem:$0x8450] =	vst v0  }
0x36: {  	[tilespmem:$0x8460] =	vst v0  }
0x37: {  	[tilespmem:$0x8470] =	vst v0  }
0x38: {  	[tilespmem:$0x8480] =	vst v0  }
0x39: {  	[tilespmem:$0x8490] =	vst v0  }
0x3a: {  	[tilespmem:$0x84A0] =	vst v0  }
0x3b: {  	[tilespmem:$0x84B0] =	vst v0  }
0x3c: {  	[tilespmem:$0x84C0] =	vst v0  }
0x3d: {  	[tilespmem:$0x84D0] =	vst v0  }
0x3e: {  	[tilespmem:$0x84E0] =	vst v0  }
0x3f: {  	[tilespmem:$0x84F0] =	vst v0  }
0x40: {  	[tilespmem:$0x8500] =	vst v0  }
0x41: {  	[tilespmem:$0x8510] =	vst v0  }
0x42: {  	[tilespmem:$0x8520] =	vst v0  }
0x43: {  	[tilespmem:$0x8530] =	vst v0  }
0x44: {  	[tilespmem:$0x8540] =	vst v0  }
0x45: {  	[tilespmem:$0x8550] =	vst v0  }
0x46: {  	[tilespmem:$0x8560] =	vst v0  }
0x47: {  	[tilespmem:$0x8570] =	vst v0  }
0x48: {  	[tilespmem:$0x8580] =	vst v0  }
0x49: {  	[tilespmem:$0x8590] =	vst v0  }
0x4a: {  	[tilespmem:$0x85A0] =	vst v0  }
0x4b: {  	[tilespmem:$0x85B0] =	vst v0  }
0x4c: {  	[tilespmem:$0x85C0] =	vst v0  }
0x4d: {  	[tilespmem:$0x85D0] =	vst v0  }
0x4e: {  	[tilespmem:$0x85E0] =	vst v0  }
0x4f: {  	[tilespmem:$0x85F0] =	vst v0;
	s22 =	sadd.s32 $0x0, s7  }
0x50: {  	[spmem:s22] =	stream.linear.scatter [tilespmem:s11], [sflag:$0x2], $0x400, $0x38;
	[tilespmem:$0x1C600] =	vst v63  }
0x51: {  	s22 =	simm.s32 $0x1000;
	_ =	swait.ge [sflag:s12], $0x400  }
.LBB2_2:
0x52: {  	s23 =	sshra.s32 s22, $0x2;
	[sflag:s12] =	ssyncset.done $0x0;
	p0 =	sne.s32 s22, $0x4F000  }
.Ltmp0:
0x53: {  	s23 =	sadd.s32 s23, s7;
	[sflag:s12] =	ssyncadd.s32 $0xFFFFFC00;
	(pc) =	sbr.rel @p0 .LBB2_2-.Ltmp0, $3  }
0x54: {  	[spmem:s23] =	stream.linear.scatter [tilespmem:s11], [sflag:$0x2], $0x400, $0x38;
	[tilespmem:$0x1C600] =	vst v63  }
0x55: {  	s22 =	sadd.s32 $0x1000, s22;
	_ =	sdelay $0x1  }
0x56: {  	_ =	swait.ge [sflag:s12], $0x400  }
0x57: {  	s22 =	simm.s32 $0x0;
	s23 =	sadd.s32 $0x0, s10  }
0x58: {  	s23 =	sand.u32 $0xFFC00, s23;
	s22 =	sand.u32 $0x300, s22  }
0x59: {  	[sflag:s12] =	ssyncset.done $0x0;
	s22 =	sor.u32 s22, s23  }
0x5a: {  	[sflag:s12] =	ssyncadd.s32 $0xFFFFFC00;
	s22 =	sshrl.u32 s22, $0x3  }
0x5b: {  	[bflag:$0x0] =	sbarrier.arrive $0xFFFF;
	s29 =	sadd.s32 s5, s22  }
0x5c: {  	[tilespmem:s3], [sflag:$0x2] =	stream.linear.gather [hbm4b:s29+s3], $0x100, $0x38;
	[tilespmem:$0x1C600] =	vst v63  }
0x5d: {  	_ =	swait.ge [sflag:s12], $0x100  }
0x5e: {  	[sflag:s12] =	ssyncset.done $0x0  }
0x5f: {  	s22 =	sadd.s32 s6, s22;
	[sflag:s12] =	ssyncadd.s32 $0xFFFFFF00  }
0x60: {  	[tilespmem:s13], [sflag:$0x2] =	stream.linear.gather [hbm4b:s22+s3], $0x100, $0x38;
	[tilespmem:$0x1C600] =	vst v63  }
0x61: {  	_ =	swait.ge [sflag:s12], $0x100  }
0x62: {  	[sflag:s12] =	ssyncset.done $0x0  }
0x63: {  	[sflag:s12] =	ssyncadd.s32 $0xFFFFFF00  }
0x64: {  	[tilespmem:s15], [sflag:$0x1] =	stream.indirect.gather [hbm4b:s4+s14], $0x80, s3, s14, $0xb8;
	[tilespmem:$0x1C600] =	vst v63  }
0x65: {  	_ = 	snop  }
0x66: {  	[tilespmem:s16], [sflag:$0x1] =	stream.indirect.gather [hbm4b:s4+s14], $0x80, s14, s14, $0xb8;
	[tilespmem:$0x1C600] =	vst v63  }
0x67: {  	_ =	swait.ge [sflag:s17], $0x4000  }
0x68: {  	[sflag:s17] =	ssyncset.done $0x0  }
0x69: {  	[sflag:s17] =	ssyncadd.s32 $0xFFFFC000  }
0x6a: {  	_ =	swait.ge [sflag:s17], $0x4000  }
0x6b: {  	[sflag:s17] =	ssyncset.done $0x0  }
0x6c: {  	[sflag:s17] =	ssyncadd.s32 $0xFFFFC000  }
0x6d: {  	[spmem:s1] =	stream.indirect.scatter.add.f32 [tilespmem:s15], [sflag:$0x2], $0x80, s13, s14, $0xb8;
	[tilespmem:$0x1C600] =	vst v63  }
0x6e: {  	_ =	swait.ge [sflag:s12], $0x4000  }
0x6f: {  	[sflag:s12] =	ssyncset.done $0x0  }
0x70: {  	s30 =	simm.s32 $0x100;
	s31 =	sadd.s32 $0x100, s10;
	[sflag:s12] =	ssyncadd.s32 $0xFFFFC000  }
0x71: {  	[spmem:s1] =	stream.indirect.scatter.add.f32 [tilespmem:s16], [sflag:$0x2], $0x80, s18, s14, $0xb8;
	[tilespmem:$0x1C600] =	vst v63  }
0x72: {  	s24 =	sand.u32 $0x300, s30;
	s23 =	sand.u32 $0xFFC00, s31;
	_ =	swait.ge [sflag:s12], $0x4000  }
0x73: {  	s23 =	sor.u32 s24, s23;
	s22 =	simm.s32 $0x200;
	[sflag:s12] =	ssyncset.done $0x0  }
.LBB2_4:
0x74: {  	s23 =	sshrl.u32 s23, $0x3  }
0x75: {  	[sflag:s12] =	ssyncadd.s32 $0xFFFFC000;
	s24 =	smov.u32 s22;
	s25 =	sadd.s32 $0x100, s22  }
0x76: {  	p0 =	sne.s32 s22, $0x2700;
	s22 =	sadd.s32 s5, s23  }
0x77: {  	[tilespmem:s3], [sflag:$0x2] =	stream.linear.gather [hbm4b:s22+s3], $0x100, $0x38;
	[tilespmem:$0x1C600] =	vst v63  }
0x78: {  	_ =	swait.ge [sflag:s12], $0x100  }
0x79: {  	[sflag:s12] =	ssyncset.done $0x0  }
0x7a: {  	s22 =	sadd.s32 s6, s23;
	[sflag:s12] =	ssyncadd.s32 $0xFFFFFF00  }
0x7b: {  	[tilespmem:s13], [sflag:$0x2] =	stream.linear.gather [hbm4b:s22+s3], $0x100, $0x38;
	[tilespmem:$0x1C600] =	vst v63  }
0x7c: {  	_ =	swait.ge [sflag:s12], $0x100  }
0x7d: {  	[sflag:s12] =	ssyncset.done $0x0  }
0x7e: {  	[sflag:s12] =	ssyncadd.s32 $0xFFFFFF00  }
0x7f: {  	[tilespmem:s15], [sflag:$0x1] =	stream.indirect.gather [hbm4b:s4+s14], $0x80, s3, s14, $0xb8;
	[tilespmem:$0x1C600] =	vst v63  }
0x80: {  	_ = 	snop  }
0x81: {  	[tilespmem:s16], [sflag:$0x1] =	stream.indirect.gather [hbm4b:s4+s14], $0x80, s14, s14, $0xb8;
	[tilespmem:$0x1C600] =	vst v63  }
0x82: {  	_ =	swait.ge [sflag:s17], $0x4000  }
0x83: {  	[sflag:s17] =	ssyncset.done $0x0  }
0x84: {  	[sflag:s17] =	ssyncadd.s32 $0xFFFFC000  }
0x85: {  	_ =	swait.ge [sflag:s17], $0x4000  }
0x86: {  	[sflag:s17] =	ssyncset.done $0x0  }
0x87: {  	[sflag:s17] =	ssyncadd.s32 $0xFFFFC000  }
0x88: {  	[spmem:s1] =	stream.indirect.scatter.add.f32 [tilespmem:s15], [sflag:$0x2], $0x80, s13, s14, $0xb8;
	[tilespmem:$0x1C600] =	vst v63  }
0x89: {  	_ =	swait.ge [sflag:s12], $0x4000  }
.Ltmp1:
0x8a: {  	[sflag:s12] =	ssyncset.done $0x0;
	(pc) =	sbr.rel @p0 .LBB2_4-.Ltmp1, $4  }
0x8b: {  	s22 =	sadd.s32 s24, s10;
	[sflag:s12] =	ssyncadd.s32 $0xFFFFC000  }
0x8c: {  	[spmem:s1] =	stream.indirect.scatter.add.f32 [tilespmem:s16], [sflag:$0x2], $0x80, s18, s14, $0xb8;
	[tilespmem:$0x1C600] =	vst v63  }
0x8d: {  	s23 =	sand.u32 $0x300, s24;
	s22 =	sand.u32 $0xFFC00, s22;
	_ =	swait.ge [sflag:s12], $0x4000  }
0x8e: {  	s23 =	sor.u32 s23, s22;
	s22 =	smov.u32 s25;
	[sflag:s12] =	ssyncset.done $0x0  }
0x8f: {  	s22 =	sshrl.u32 s23, $0x3  }
0x90: {  	[sflag:s12] =	ssyncadd.s32 $0xFFFFC000;
	s23 =	sadd.s32 s5, s22  }
0x91: {  	[tilespmem:s3], [sflag:$0x2] =	stream.linear.gather [hbm4b:s23+s3], $0x100, $0x38;
	[tilespmem:$0x1C600] =	vst v63  }
0x92: {  	_ =	swait.ge [sflag:s12], $0x100  }
0x93: {  	[sflag:s12] =	ssyncset.done $0x0  }
0x94: {  	s22 =	sadd.s32 s6, s22;
	[sflag:s12] =	ssyncadd.s32 $0xFFFFFF00  }
0x95: {  	[tilespmem:s13], [sflag:$0x2] =	stream.linear.gather [hbm4b:s22+s3], $0x100, $0x38;
	[tilespmem:$0x1C600] =	vst v63  }
0x96: {  	_ =	swait.ge [sflag:s12], $0x100  }
0x97: {  	[sflag:s12] =	ssyncset.done $0x0  }
0x98: {  	[sflag:s12] =	ssyncadd.s32 $0xFFFFFF00  }
0x99: {  	[tilespmem:s15], [sflag:$0x1] =	stream.indirect.gather [hbm4b:s4+s14], $0x80, s3, s14, $0xb8;
	[tilespmem:$0x1C600] =	vst v63  }
0x9a: {  	_ = 	snop  }
0x9b: {  	[tilespmem:s16], [sflag:$0x1] =	stream.indirect.gather [hbm4b:s4+s14], $0x80, s14, s14, $0xb8;
	[tilespmem:$0x1C600] =	vst v63  }
0x9c: {  	_ =	swait.ge [sflag:s17], $0x4000  }
0x9d: {  	[sflag:s17] =	ssyncset.done $0x0  }
0x9e: {  	[sflag:s17] =	ssyncadd.s32 $0xFFFFC000  }
0x9f: {  	_ =	swait.ge [sflag:s17], $0x4000  }
0xa0: {  	[sflag:s17] =	ssyncset.done $0x0  }
0xa1: {  	[sflag:s17] =	ssyncadd.s32 $0xFFFFC000  }
0xa2: {  	[spmem:s1] =	stream.indirect.scatter.add.f32 [tilespmem:s15], [sflag:$0x2], $0x80, s13, s14, $0xb8;
	[tilespmem:$0x1C600] =	vst v63  }
0xa3: {  	_ =	swait.ge [sflag:s12], $0x4000  }
0xa4: {  	[sflag:s12] =	ssyncset.done $0x0  }
0xa5: {  	[sflag:s12] =	ssyncadd.s32 $0xFFFFC000  }
0xa6: {  	[spmem:s1] =	stream.indirect.scatter.add.f32 [tilespmem:s16], [sflag:$0x2], $0x80, s18, s14, $0xb8;
	[tilespmem:$0x1C600] =	vst v63  }
0xa7: {  	_ =	swait.ge [sflag:s12], $0x4000  }
0xa8: {  	s21 =	sadd.s32 $0x1, s21;
	[sflag:s12] =	ssyncset.done $0x0  }
0xa9: {  	p0 =	sne.s32 s21, s9;
	[sflag:s12] =	ssyncadd.s32 $0xFFFFC000  }
.Ltmp2:
0xaa: {  	[bflag:$0x0] =	sbarrier.arrive $0xFFFF;
	(pc) =	sbr.rel @p0 .LBB2_1-.Ltmp2, $4  }
0xab: {  	[hbm:s8], [sflag:s19] =	dma.local [spmem:s20], $0x2800  }
0xac: {  	_ =	swait.ge [sflag:s12], $0x2800  }
0xad: {  	[sflag:s12] =	ssyncset.done $0x0  }
0xae: {  	[sflag:s12] =	ssyncadd.s32 $0xFFFFD800  }
0xaf: {  	_ =	sfence.sel $0x180000  }
0xb0: {  	[bflag:$0x0] =	sbarrier.arrive $0xFFFF  }
0xb1: {  	p0 =	sne.s32 s2, $0x0;
	_ =	strace $0x9000004A  }
0xb2: {  	s0 =	sadd.s32 @!p0 $0x100000, s0;
	[bflag:$0x2] =	sbarrier.arrive $0xFFFF  }
0xb3: {  	[sflag:s0] =	ssyncadd.tile.s32 @!p0 $0x1;
	_ =	shalt  }
.Lfunc_end2:
_tile_overlayer_lowered:
.L_overlay_start_2:
0xb4: {  	(tag) =	ssettag $0x2  }
0xb5: {  	s0 =	rddreg [dreg:$0x0];
	s2 =	stileid.u32  }
0xb6: {  	s1 =	rddreg [dreg:$0x1];
	p0 =	sne.s32 s2, $0x0  }
0xb7: {  	s3 =	rddreg [dreg:$0x2];
	[bflag:$0x3] =	sbarrier.arrive $0xFFFF;
	s2 =	simm.s32 @!p0 $0x1C02  }
0xb8: {  	[timem:s3], [sflag:s2] =	dma.local @!p0 [hbm:s0], s1  }
0xb9: {  	s0 =	simm.s32 @!p0 $0x2  }
0xba: {  	_ =	swait.ge @!p0 [sflag:s0], s1  }
0xbb: {  	s1 =	ssub.s32 @!p0 $0x0, s1;
	[sflag:s0] =	ssyncset.done @!p0 $0x0  }
0xbc: {  	[sflag:s0] =	ssyncadd.s32 @!p0 s1  }
0xbd: {  	[bflag:$0x3] =	sbarrier.arrive $0xFFFF  }
0xbe: {  	_ =	shalt  }

// kernel: kernel.18.cloned.1.call-start
scs
__scs_entry_jumppad:
0x0: {  	(pc) =	sbr.rel $0x88, $3  }
0x1: {  	(tag) =	ssettag $0x0;
	lr =	simm.s32 $0x1  }
0x2: {  	[smem:$0x3F92] =	sst lr;
	_ =	strace $0xD0000000  }
0x3: {  	_ = 	snop  }
0x4: {  	_ = 	snop  }
0x5: {  	_ = 	snop  }
0x6: {  	_ = 	snop  }
0x7: {  	_ = 	snop  }
__scs_overlays_trampoline_lowered:
0x8: {  	[smem:$0x3FA1] =	sst s0  }
0x9: {  	[smem:$0x3FA2] =	sst s1  }
0xa: {  	[smem:$0x3FA3] =	sst s2  }
0xb: {  	[smem:$0x3FA4] =	sst s3  }
0xc: {  	[smem:$0x3FA5] =	sst s4  }
0xd: {  	[smem:$0x3FA6] =	sst s5  }
0xe: {  	[smem:$0x3FA7] =	sst s6  }
0xf: {  	[smem:$0x3FA8] =	sst s7  }
0x10: {  	[smem:$0x3FA9] =	sst s8  }
0x11: {  	[smem:$0x3FAA] =	sst s9;
	s0 =	simm.s32 @!p0 $0x0  }
0x12: {  	s1 =	sld [smem:$0x3F90];
	s0 =	simm.s32 @p0 $0x1  }
0x13: {  	[smem:$0x3FAB] =	sst s0;
	s0 =	simm.s32 @!p1 $0x0  }
0x14: {  	s2 =	sld [smem:$0x3F8F];
	s0 =	simm.s32 @p1 $0x1  }
0x15: {  	[smem:$0x3FAC] =	sst s0;
	s0 =	simm.s32 @!p2 $0x0  }
0x16: {  	s3 =	sld [smem:$0x3FDB];
	s0 =	simm.s32 @p2 $0x1  }
0x17: {  	s4 =	simm.s32 $0x1BF5;
	[smem:$0x3FAE] =	sst s0  }
0x18: {  	s0 =	sld [smem:$0x3F91];
	_ =	swait.ge [sflag:s4], $0x0  }
0x19: {  	s7 =	sld [smem:$0x3F92]  }
0x1a: {  	s8 =	sadd.s32 $0xFFFFE003, lr  }
0x1b: {  	s9 =	sadd.s32 $0xFFFFFEF7, lr;
	s5 =	simm.s32 $0xFFFFFFFF;
	p2 =	slt.u32 s8, $0xFFFFF086  }
0x1c: {  	p1 =	slt.u32 s9, $0xF7A;
	s5 =	simm.s32 @!p2 $0x0  }
0x1d: {  	s5 =	simm.s32 @p1 $0x1;
	p0 =	seq.s32 s7, s2  }
0x1e: {  	s7 =	smul.u32 @!p0 $0xF7A, s2;
	p2 =	seq.s32 @!p0 s5, $0x0  }
0x1f: {  	s9 =	smul.u32 $0xF7A, s1;
	s8 =	simm.s32 @!p0 $0x1BF5;
	p2 =	por !p2, p0  }
0x20: {  	[sflag:s8] =	ssyncset.s32 @!p0 $0xFFFFF086;
	s6 =	sadd.s32 @!p0 s3, s7;
	s7 =	simm.s32 @!p0 $0x108  }
0x21: {  	s3 =	sadd.s32 s3, s9;
	s6 =	sadd.s32 @!p0 $0x88, s6;
	s7 =	simm.s32 @p2 $0x1082  }
0x22: {  	[simem:s7], [sflag:s8] =	dma.local @!p0 [hbm:s6], $0xF7A  }
0x23: {  	s9 =	sor.u32 $0xD0000000, s2;
	s6 =	simm.s32 $0x108;
	_ =	swait.ge @!p0 [sflag:s8], $0x0  }
0x24: {  	s3 =	sadd.s32 $0x88, s3;
	s6 =	simm.s32 @!p1 $0x1082;
	[sflag:s4] =	ssyncset.s32 $0xFFFFF086  }
0x25: {  	[simem:s6], [sflag:s4] =	dma.local [hbm:s3], $0xF7A  }
0x26: {  	[smem:$0x3F92] =	sst s1;
	(tag) =	ssettag s2;
	_ =	strace s9  }
0x27: {  	s1 =	sld [smem:$0x3FA2]  }
0x28: {  	s2 =	sld [smem:$0x3FA3]  }
0x29: {  	s4 =	sld [smem:$0x3FA5]  }
0x2a: {  	p0 =	seq.s32 s5, $0x0;
	s5 =	sld [smem:$0x3FA6]  }
0x2b: {  	s6 =	sld [smem:$0x3FA7]  }
0x2c: {  	s7 =	sld [smem:$0x3FA8]  }
0x2d: {  	s3 =	simm.s32 $0x108;
	s8 =	sld [smem:$0x3FA9]  }
0x2e: {  	s3 =	simm.s32 @!p0 $0x1082;
	s9 =	sld [smem:$0x3FAA]  }
0x2f: {  	lr =	sadd.s32 s0, s3;
	s0 =	sld [smem:$0x3FA1]  }
0x30: {  	s3 =	sld [smem:$0x3FA4]  }
0x31: {  	[smem:$0x3FAD] =	sst s10  }
0x32: {  	s10 =	sld [smem:$0x3FAB];
	_ =	sdelay $0x3  }
0x33: {  	p0 =	seq.s32 s10, $0x1;
	s10 =	sld [smem:$0x3FAD];
	_ =	sdelay $0x3  }
0x34: {  	[smem:$0x3FAD] =	sst s10  }
0x35: {  	s10 =	sld [smem:$0x3FAC];
	_ =	sdelay $0x3  }
0x36: {  	p1 =	seq.s32 s10, $0x1;
	s10 =	sld [smem:$0x3FAD];
	_ =	sdelay $0x3  }
0x37: {  	[smem:$0x3FAD] =	sst s10  }
0x38: {  	s10 =	sld [smem:$0x3FAE]  }
0x39: {  	_ = 	snop;
	(pc) =	sbr.ind lr, $3  }
0x3a: {  	_ = 	snop  }
0x3b: {  	_ = 	snop  }
0x3c: {  	p2 =	seq.s32 s10, $0x1;
	s10 =	sld [smem:$0x3FAD]  }
0x3d: {  	_ =	shalt  }
0x3e: {  	_ =	shalt  }
0x3f: {  	_ =	shalt  }
0x40: {  	_ =	shalt  }
0x41: {  	_ =	shalt  }
0x42: {  	_ =	shalt  }
0x43: {  	_ =	shalt  }
0x44: {  	_ =	shalt  }
0x45: {  	_ =	shalt  }
0x46: {  	_ =	shalt  }
0x47: {  	_ =	shalt  }
0x48: {  	_ =	shalt  }
0x49: {  	_ =	shalt  }
0x4a: {  	_ =	shalt  }
0x4b: {  	_ =	shalt  }
0x4c: {  	_ =	shalt  }
0x4d: {  	_ =	shalt  }
0x4e: {  	_ =	shalt  }
0x4f: {  	_ =	shalt  }
0x50: {  	_ =	shalt  }
0x51: {  	_ =	shalt  }
0x52: {  	_ =	shalt  }
0x53: {  	_ =	shalt  }
0x54: {  	_ =	shalt  }
0x55: {  	_ =	shalt  }
0x56: {  	_ =	shalt  }
0x57: {  	_ =	shalt  }
0x58: {  	_ =	shalt  }
0x59: {  	_ =	shalt  }
0x5a: {  	_ =	shalt  }
0x5b: {  	_ =	shalt  }
0x5c: {  	_ =	shalt  }
0x5d: {  	_ =	shalt  }
0x5e: {  	_ =	shalt  }
0x5f: {  	_ =	shalt  }
0x60: {  	_ =	shalt  }
0x61: {  	_ =	shalt  }
0x62: {  	_ =	shalt  }
0x63: {  	_ =	shalt  }
0x64: {  	_ =	shalt  }
0x65: {  	_ =	shalt  }
0x66: {  	_ =	shalt  }
0x67: {  	_ =	shalt  }
0x68: {  	_ =	shalt  }
0x69: {  	_ =	shalt  }
0x6a: {  	_ =	shalt  }
0x6b: {  	_ =	shalt  }
0x6c: {  	_ =	shalt  }
0x6d: {  	_ =	shalt  }
0x6e: {  	_ =	shalt  }
0x6f: {  	_ =	shalt  }
0x70: {  	_ =	shalt  }
0x71: {  	_ =	shalt  }
0x72: {  	_ =	shalt  }
0x73: {  	_ =	shalt  }
0x74: {  	_ =	shalt  }
0x75: {  	_ =	shalt  }
0x76: {  	_ =	shalt  }
0x77: {  	_ =	shalt  }
0x78: {  	_ =	shalt  }
0x79: {  	_ =	shalt  }
0x7a: {  	_ =	shalt  }
0x7b: {  	_ =	shalt  }
0x7c: {  	_ =	shalt  }
0x7d: {  	_ =	shalt  }
0x7e: {  	_ =	shalt  }
0x7f: {  	_ =	shalt  }
0x80: {  	_ =	shalt  }
0x81: {  	_ =	shalt  }
0x82: {  	_ =	shalt  }
0x83: {  	_ =	shalt  }
0x84: {  	_ =	shalt  }
0x85: {  	_ =	shalt  }
0x86: {  	_ =	shalt  }
0x87: {  	_ =	shalt  }
.Lfunc_end0:
.L_simem_size_0:
called_computation.2_lowered:
.L_overlay_start_0:
0x88: {  	s2 =	sld [smem:$0x3FD9]  }
0x89: {  	s3 =	sld [smem:$0x3FFE];
	_ =	sdelay $0x1  }
0x8a: {  	s1 =	srdreg.scid  }
0x8b: {  	s0 =	sand.u32 $0x1, s1  }
0x8c: {  	s16 =	sshll.u32 s0, $0xA;
	s2 =	sadd.s32 s3, s2  }
0x8d: {  	s2 =	sadd.s32 s2, s16  }
0x8e: {  	[smem:$0x3FB9] =	sst s2  }
0x8f: {  	_ = 	snop  }
0x90: {  	(tm) =	ssettm $0x1  }
0x91: {  	s17 =	sld [smem:$0x3FFB];
	_ =	sdelay $0x3  }
0x92: {  	_ =	strace s17  }
0x93: {  	s2 =	sld [smem:$0x3FFC];
	_ =	sdelay $0x3  }
0x94: {  	_ =	strace s2  }
0x95: {  	s2 =	sld [smem:$0x3FFD];
	_ =	sdelay $0x3  }
0x96: {  	_ =	strace s2  }
0x97: {  	_ =	strace $0x8FFFFFFF  }
0x98: {  	s18 =	sld [smem:$0x3FDB];
	_ =	sdelay $0x1  }
0x99: {  	s19 =	simm.s32 $_scs_section_size  }
0x9a: {  	s4 =	simm.s32 $_size__tile_overlayer_lowered;
	s5 =	simm.s32 $_tile_overlayer_lowered  }
0x9b: {  	s22 =	simm.s32 $0x1BFF;
	s21 =	sshll.u32 s5, $0x1;
	s2 =	sadd.s32 s19, s18  }
0x9c: {  	s6 =	simm.s32 $0x0;
	s20 =	sshll.u32 s4, $0x1;
	s4 =	sadd.s32 s21, s2  }
0x9d: {  	[timem:s6], [sflag:s22] =	dma.local [hbm:s4], s20  }
0x9e: {  	_ =	swait.ge [sflag:s22], s20  }
0x9f: {  	s3 =	ssub.s32 $0x0, s20;
	[sflag:s22] =	ssyncset.done $0x0  }
0xa0: {  	[sflag:s22] =	ssyncadd.s32 s3;
	_ =	sdelay $0x1  }
0xa1: {  	s23 =	simm.s32 $0x1B8B  }
0xa2: {  	_ =	swait.ge [sflag:s23], $0x1  }
0xa3: {  	[sflag:s23] =	ssyncset.done $0x0  }
0xa4: {  	s25 =	simm.s32 $0x1B8E;
	s24 =	sld [smem:$0x3FFE];
	[sflag:s23] =	ssyncadd.s32 $0xFFFFFFFF  }
0xa5: {  	s26 =	simm.s32 $execute0_lowered;
	[smem:$0x3FD2] =	sst s25  }
0xa6: {  	s4 =	sshll.u32 s26, $0x1;
	_ =	strace $0x8000004C;
	[dreg:$0x1] =	wrdreg $0xFFFFFFFF  }
0xa7: {  	s28 =	simm.s32 $_size_execute0_lowered;
	s2 =	sadd.s32 s2, s4;
	[dreg:$0x0] =	wrdreg $0x0  }
0xa8: {  	s4 =	sshll.u32 s28, $0x1;
	[dreg:$0x2] =	wrdreg s2  }
0xa9: {  	[dreg:$0x3] =	wrdreg s4  }
0xaa: {  	[dreg:$0x4] =	wrdreg $0xC0  }
0xab: {  	_ =	task [dreg:s6], $0x5FFFF  }
0xac: {  	[dreg:$0x1] =	wrdreg $0xFFFFFFFF  }
0xad: {  	[dreg:$0x0] =	wrdreg $0x60  }
0xae: {  	[dreg:$0x2] =	wrdreg s24  }
0xaf: {  	[dreg:$0x3] =	wrdreg $0x86000  }
0xb0: {  	[dreg:$0x4] =	wrdreg $0x9  }
0xb1: {  	_ =	task.clear_ibuf [dreg:s6], $0x5FFFF;
	_ =	strace $0x9000004C  }
0xb2: {  	s29 =	simm.s32 $0x9;
	_ =	strace $0x8000004E  }
0xb3: {  	_ =	swait.ge [sflag:s29], $0x1  }
0xb4: {  	[sflag:s29] =	ssyncadd.s32 $0xFFFFFFFF  }
0xb5: {  	_ =	strace $0x9000004E  }
0xb6: {  	_ =	sfence  }
0xb7: {  	s30 =	sld [smem:$0x0];
	_ =	sdelay $0x2  }
0xb8: {  	s31 =	sshll.u32 s1, $0xD;
	s1 =	sshrl.u32 s1, $0x2  }
0xb9: {  	s3 =	sand.u32 $0x4000, s31;
	s1 =	sadd.s32 s1, s30  }
0xba: {  	s0 =	sor.u32 s3, s0;
	s1 =	sshll.u32 s1, $0x11  }
0xbb: {  	s0 =	sor.u32 s1, s0  }
0xbc: {  	s0 =	sadd.s32 $0x8F2B, s0  }
0xbd: {  	[sflag:s0] =	ssyncadd.remote.s32 $0x1  }
0xbe: {  	_ =	sfence.sel $0xFFFF  }
0xbf: {  	[dreg:$0x0] =	wrdreg $0xFFFFFFFF;
	(pc) =	sbr.abs _section_cstart, $3  }
0xc0: {  	[dreg:$0x1] =	wrdreg $0xFFFFFFFF  }
0xc1: {  	_ =	task.clear_ibuf [dreg:s6], $0x2FFFF;
	_ =	strace $0x9FFFFFFF  }
0xc2: {  	(tm) =	ssettm $0x7FFFFFFF  }
0xc3: {  	_ =	shalt  }
tec
execute0_lowered:
.L_overlay_start_1:
0x0: {  	(tag) =	ssettag $0x1  }
0x1: {  	s7 =	rddreg [dreg:$0x0]  }
0x2: {  	s1 =	rddreg [dreg:$0x1]  }
0x3: {  	s2 =	srdreg.scid;
	s0 =	rddreg [dreg:$0x2]  }
0x4: {  	s3 =	simm.s32 $0x0;
	s14 =	simm.s32 $0x80;
	s15 =	simm.s32 $0x200  }
0x5: {  	s16 =	simm.s32 $0x4200;
	s17 =	simm.s32 $0x1;
	s8 =	sand.u32 $0x1, s2  }
0x6: {  	s18 =	simm.s32 $0x180;
	s2 =	stileid.u32;
	s9 =	smul.u32 $0x140000, s8  }
0x7: {  	s21 =	simm.s32 $0x0;
	[smem:$0x7FF] =	sst s3;
	s10 =	smul.u32 $0x14000, s2  }
0x8: {  	s4 =	sadd.s32 $0x19800, s7;
	s5 =	sadd.s32 $0xF800, s7;
	s30 =	smul.u32 $0x50000, s2  }
0x9: {  	s6 =	sadd.s32 $0x5800, s7;
	_ =	strace $0x8000004D;
	s12 =	smul.u32 $0x28000, s8  }
0xa: {  	s11 =	ssub.s32 $0x2, s8;
	s13 =	smul.u32 $0x2800, s2;
	s19 =	sshll.u32 s2, $0x6  }
0xb: {  	s31 =	sshrl.u32 s11, $0x1;
	s19 =	sor.u32 $0x1C02, s19;
	s9 =	sadd.s32 s10, s9  }
0xc: {  	s10 =	sshrl.u32 s30, $0x2;
	s11 =	ssub.s32 s11, s31;
	s9 =	sshrl.u32 s9, $0x3  }
0xd: {  	s9 =	sadd.s32 s9, s7;
	s7 =	sadd.s32 s10, s1;
	s10 =	sadd.s32 s13, s12  }
0xe: {  	s12 =	simm.s32 $0x2;
	s13 =	simm.s32 $0x100;
	s8 =	sadd.s32 $0x40A00, s9  }
0xf: {  	v0 =	vimm.f32 $0.0e+00;
	s9 =	smax.u32 s11, $0x1;
	s11 =	simm.s32 $0x8200;
	s20 =	sshrl.u32 s7, $0x3  }
.LBB2_1:
0x10: {  	[tilespmem:$0x8200] =	vst v0  }
0x11: {  	[tilespmem:$0x8210] =	vst v0  }
0x12: {  	[tilespmem:$0x8220] =	vst v0  }
0x13: {  	[tilespmem:$0x8230] =	vst v0  }
0x14: {  	[tilespmem:$0x8240] =	vst v0  }
0x15: {  	[tilespmem:$0x8250] =	vst v0  }
0x16: {  	[tilespmem:$0x8260] =	vst v0  }
0x17: {  	[tilespmem:$0x8270] =	vst v0  }
0x18: {  	[tilespmem:$0x8280] =	vst v0  }
0x19: {  	[tilespmem:$0x8290] =	vst v0  }
0x1a: {  	[tilespmem:$0x82A0] =	vst v0  }
0x1b: {  	[tilespmem:$0x82B0] =	vst v0  }
0x1c: {  	[tilespmem:$0x82C0] =	vst v0  }
0x1d: {  	[tilespmem:$0x82D0] =	vst v0  }
0x1e: {  	[tilespmem:$0x82E0] =	vst v0  }
0x1f: {  	[tilespmem:$0x82F0] =	vst v0  }
0x20: {  	[tilespmem:$0x8300] =	vst v0  }
0x21: {  	[tilespmem:$0x8310] =	vst v0  }
0x22: {  	[tilespmem:$0x8320] =	vst v0  }
0x23: {  	[tilespmem:$0x8330] =	vst v0  }
0x24: {  	[tilespmem:$0x8340] =	vst v0  }
0x25: {  	[tilespmem:$0x8350] =	vst v0  }
0x26: {  	[tilespmem:$0x8360] =	vst v0  }
0x27: {  	[tilespmem:$0x8370] =	vst v0  }
0x28: {  	[tilespmem:$0x8380] =	vst v0  }
0x29: {  	[tilespmem:$0x8390] =	vst v0  }
0x2a: {  	[tilespmem:$0x83A0] =	vst v0  }
0x2b: {  	[tilespmem:$0x83B0] =	vst v0  }
0x2c: {  	[tilespmem:$0x83C0] =	vst v0  }
0x2d: {  	[tilespmem:$0x83D0] =	vst v0  }
0x2e: {  	[tilespmem:$0x83E0] =	vst v0  }
0x2f: {  	[tilespmem:$0x83F0] =	vst v0  }
0x30: {  	[tilespmem:$0x8400] =	vst v0  }
0x31: {  	[tilespmem:$0x8410] =	vst v0  }
0x32: {  	[tilespmem:$0x8420] =	vst v0  }
0x33: {  	[tilespmem:$0x8430] =	vst v0  }
0x34: {  	[tilespmem:$0x8440] =	vst v0  }
0x35: {  	[tilespmem:$0x8450] =	vst v0  }
0x36: {  	[tilespmem:$0x8460] =	vst v0  }
0x37: {  	[tilespmem:$0x8470] =	vst v0  }
0x38: {  	[tilespmem:$0x8480] =	vst v0  }
0x39: {  	[tilespmem:$0x8490] =	vst v0  }
0x3a: {  	[tilespmem:$0x84A0] =	vst v0  }
0x3b: {  	[tilespmem:$0x84B0] =	vst v0  }
0x3c: {  	[tilespmem:$0x84C0] =	vst v0  }
0x3d: {  	[tilespmem:$0x84D0] =	vst v0  }
0x3e: {  	[tilespmem:$0x84E0] =	vst v0  }
0x3f: {  	[tilespmem:$0x84F0] =	vst v0  }
0x40: {  	[tilespmem:$0x8500] =	vst v0  }
0x41: {  	[tilespmem:$0x8510] =	vst v0  }
0x42: {  	[tilespmem:$0x8520] =	vst v0  }
0x43: {  	[tilespmem:$0x8530] =	vst v0  }
0x44: {  	[tilespmem:$0x8540] =	vst v0  }
0x45: {  	[tilespmem:$0x8550] =	vst v0  }
0x46: {  	[tilespmem:$0x8560] =	vst v0  }
0x47: {  	[tilespmem:$0x8570] =	vst v0  }
0x48: {  	[tilespmem:$0x8580] =	vst v0  }
0x49: {  	[tilespmem:$0x8590] =	vst v0  }
0x4a: {  	[tilespmem:$0x85A0] =	vst v0  }
0x4b: {  	[tilespmem:$0x85B0] =	vst v0  }
0x4c: {  	[tilespmem:$0x85C0] =	vst v0  }
0x4d: {  	[tilespmem:$0x85D0] =	vst v0  }
0x4e: {  	[tilespmem:$0x85E0] =	vst v0  }
0x4f: {  	[tilespmem:$0x85F0] =	vst v0;
	s22 =	sadd.s32 $0x0, s7  }
0x50: {  	[spmem:s22] =	stream.linear.scatter [tilespmem:s11], [sflag:$0x2], $0x400, $0x38;
	[tilespmem:$0x1C600] =	vst v63  }
0x51: {  	s22 =	simm.s32 $0x1000;
	_ =	swait.ge [sflag:s12], $0x400  }
.LBB2_2:
0x52: {  	s23 =	sshra.s32 s22, $0x2;
	[sflag:s12] =	ssyncset.done $0x0;
	p0 =	sne.s32 s22, $0x4F000  }
.Ltmp0:
0x53: {  	s23 =	sadd.s32 s23, s7;
	[sflag:s12] =	ssyncadd.s32 $0xFFFFFC00;
	(pc) =	sbr.rel @p0 .LBB2_2-.Ltmp0, $3  }
0x54: {  	[spmem:s23] =	stream.linear.scatter [tilespmem:s11], [sflag:$0x2], $0x400, $0x38;
	[tilespmem:$0x1C600] =	vst v63  }
0x55: {  	s22 =	sadd.s32 $0x1000, s22;
	_ =	sdelay $0x1  }
0x56: {  	_ =	swait.ge [sflag:s12], $0x400  }
0x57: {  	s22 =	simm.s32 $0x0;
	s23 =	sadd.s32 $0x0, s10  }
0x58: {  	s23 =	sand.u32 $0xFFC00, s23;
	s22 =	sand.u32 $0x300, s22  }
0x59: {  	[sflag:s12] =	ssyncset.done $0x0;
	s22 =	sor.u32 s22, s23  }
0x5a: {  	[sflag:s12] =	ssyncadd.s32 $0xFFFFFC00;
	s22 =	sshrl.u32 s22, $0x3  }
0x5b: {  	[bflag:$0x0] =	sbarrier.arrive $0xFFFF;
	s29 =	sadd.s32 s5, s22  }
0x5c: {  	[tilespmem:s3], [sflag:$0x2] =	stream.linear.gather [hbm4b:s29+s3], $0x100, $0x38;
	[tilespmem:$0x1C600] =	vst v63  }
0x5d: {  	_ =	swait.ge [sflag:s12], $0x100  }
0x5e: {  	[sflag:s12] =	ssyncset.done $0x0  }
0x5f: {  	s22 =	sadd.s32 s6, s22;
	[sflag:s12] =	ssyncadd.s32 $0xFFFFFF00  }
0x60: {  	[tilespmem:s13], [sflag:$0x2] =	stream.linear.gather [hbm4b:s22+s3], $0x100, $0x38;
	[tilespmem:$0x1C600] =	vst v63  }
0x61: {  	_ =	swait.ge [sflag:s12], $0x100  }
0x62: {  	[sflag:s12] =	ssyncset.done $0x0  }
0x63: {  	[sflag:s12] =	ssyncadd.s32 $0xFFFFFF00  }
0x64: {  	[tilespmem:s15], [sflag:$0x1] =	stream.indirect.gather [hbm4b:s4+s14], $0x80, s3, s14, $0xb8;
	[tilespmem:$0x1C600] =	vst v63  }
0x65: {  	_ = 	snop  }
0x66: {  	[tilespmem:s16], [sflag:$0x1] =	stream.indirect.gather [hbm4b:s4+s14], $0x80, s14, s14, $0xb8;
	[tilespmem:$0x1C600] =	vst v63  }
0x67: {  	_ =	swait.ge [sflag:s17], $0x4000  }
0x68: {  	[sflag:s17] =	ssyncset.done $0x0  }
0x69: {  	[sflag:s17] =	ssyncadd.s32 $0xFFFFC000  }
0x6a: {  	_ =	swait.ge [sflag:s17], $0x4000  }
0x6b: {  	[sflag:s17] =	ssyncset.done $0x0  }
0x6c: {  	[sflag:s17] =	ssyncadd.s32 $0xFFFFC000  }
0x6d: {  	[spmem:s1] =	stream.indirect.scatter.add.f32 [tilespmem:s15], [sflag:$0x2], $0x80, s13, s14, $0xb8;
	[tilespmem:$0x1C600] =	vst v63  }
0x6e: {  	_ =	swait.ge [sflag:s12], $0x4000  }
0x6f: {  	[sflag:s12] =	ssyncset.done $0x0  }
0x70: {  	s30 =	simm.s32 $0x100;
	s31 =	sadd.s32 $0x100, s10;
	[sflag:s12] =	ssyncadd.s32 $0xFFFFC000  }
0x71: {  	[spmem:s1] =	stream.indirect.scatter.add.f32 [tilespmem:s16], [sflag:$0x2], $0x80, s18, s14, $0xb8;
	[tilespmem:$0x1C600] =	vst v63  }
0x72: {  	s24 =	sand.u32 $0x300, s30;
	s23 =	sand.u32 $0xFFC00, s31;
	_ =	swait.ge [sflag:s12], $0x4000  }
0x73: {  	s23 =	sor.u32 s24, s23;
	s22 =	simm.s32 $0x200;
	[sflag:s12] =	ssyncset.done $0x0  }
.LBB2_4:
0x74: {  	s23 =	sshrl.u32 s23, $0x3  }
0x75: {  	[sflag:s12] =	ssyncadd.s32 $0xFFFFC000;
	s24 =	smov.u32 s22;
	s25 =	sadd.s32 $0x100, s22  }
0x76: {  	p0 =	sne.s32 s22, $0x2700;
	s22 =	sadd.s32 s5, s23  }
0x77: {  	[tilespmem:s3], [sflag:$0x2] =	stream.linear.gather [hbm4b:s22+s3], $0x100, $0x38;
	[tilespmem:$0x1C600] =	vst v63  }
0x78: {  	_ =	swait.ge [sflag:s12], $0x100  }
0x79: {  	[sflag:s12] =	ssyncset.done $0x0  }
0x7a: {  	s22 =	sadd.s32 s6, s23;
	[sflag:s12] =	ssyncadd.s32 $0xFFFFFF00  }
0x7b: {  	[tilespmem:s13], [sflag:$0x2] =	stream.linear.gather [hbm4b:s22+s3], $0x100, $0x38;
	[tilespmem:$0x1C600] =	vst v63  }
0x7c: {  	_ =	swait.ge [sflag:s12], $0x100  }
0x7d: {  	[sflag:s12] =	ssyncset.done $0x0  }
0x7e: {  	[sflag:s12] =	ssyncadd.s32 $0xFFFFFF00  }
0x7f: {  	[tilespmem:s15], [sflag:$0x1] =	stream.indirect.gather [hbm4b:s4+s14], $0x80, s3, s14, $0xb8;
	[tilespmem:$0x1C600] =	vst v63  }
0x80: {  	_ = 	snop  }
0x81: {  	[tilespmem:s16], [sflag:$0x1] =	stream.indirect.gather [hbm4b:s4+s14], $0x80, s14, s14, $0xb8;
	[tilespmem:$0x1C600] =	vst v63  }
0x82: {  	_ =	swait.ge [sflag:s17], $0x4000  }
0x83: {  	[sflag:s17] =	ssyncset.done $0x0  }
0x84: {  	[sflag:s17] =	ssyncadd.s32 $0xFFFFC000  }
0x85: {  	_ =	swait.ge [sflag:s17], $0x4000  }
0x86: {  	[sflag:s17] =	ssyncset.done $0x0  }
0x87: {  	[sflag:s17] =	ssyncadd.s32 $0xFFFFC000  }
0x88: {  	[spmem:s1] =	stream.indirect.scatter.add.f32 [tilespmem:s15], [sflag:$0x2], $0x80, s13, s14, $0xb8;
	[tilespmem:$0x1C600] =	vst v63  }
0x89: {  	_ =	swait.ge [sflag:s12], $0x4000  }
.Ltmp1:
0x8a: {  	[sflag:s12] =	ssyncset.done $0x0;
	(pc) =	sbr.rel @p0 .LBB2_4-.Ltmp1, $4  }
0x8b: {  	s22 =	sadd.s32 s24, s10;
	[sflag:s12] =	ssyncadd.s32 $0xFFFFC000  }
0x8c: {  	[spmem:s1] =	stream.indirect.scatter.add.f32 [tilespmem:s16], [sflag:$0x2], $0x80, s18, s14, $0xb8;
	[tilespmem:$0x1C600] =	vst v63  }
0x8d: {  	s23 =	sand.u32 $0x300, s24;
	s22 =	sand.u32 $0xFFC00, s22;
	_ =	swait.ge [sflag:s12], $0x4000  }
0x8e: {  	s23 =	sor.u32 s23, s22;
	s22 =	smov.u32 s25;
	[sflag:s12] =	ssyncset.done $0x0  }
0x8f: {  	s22 =	sshrl.u32 s23, $0x3  }
0x90: {  	[sflag:s12] =	ssyncadd.s32 $0xFFFFC000;
	s23 =	sadd.s32 s5, s22  }
0x91: {  	[tilespmem:s3], [sflag:$0x2] =	stream.linear.gather [hbm4b:s23+s3], $0x100, $0x38;
	[tilespmem:$0x1C600] =	vst v63  }
0x92: {  	_ =	swait.ge [sflag:s12], $0x100  }
0x93: {  	[sflag:s12] =	ssyncset.done $0x0  }
0x94: {  	s22 =	sadd.s32 s6, s22;
	[sflag:s12] =	ssyncadd.s32 $0xFFFFFF00  }
0x95: {  	[tilespmem:s13], [sflag:$0x2] =	stream.linear.gather [hbm4b:s22+s3], $0x100, $0x38;
	[tilespmem:$0x1C600] =	vst v63  }
0x96: {  	_ =	swait.ge [sflag:s12], $0x100  }
0x97: {  	[sflag:s12] =	ssyncset.done $0x0  }
0x98: {  	[sflag:s12] =	ssyncadd.s32 $0xFFFFFF00  }
0x99: {  	[tilespmem:s15], [sflag:$0x1] =	stream.indirect.gather [hbm4b:s4+s14], $0x80, s3, s14, $0xb8;
	[tilespmem:$0x1C600] =	vst v63  }
0x9a: {  	_ = 	snop  }
0x9b: {  	[tilespmem:s16], [sflag:$0x1] =	stream.indirect.gather [hbm4b:s4+s14], $0x80, s14, s14, $0xb8;
	[tilespmem:$0x1C600] =	vst v63  }
0x9c: {  	_ =	swait.ge [sflag:s17], $0x4000  }
0x9d: {  	[sflag:s17] =	ssyncset.done $0x0  }
0x9e: {  	[sflag:s17] =	ssyncadd.s32 $0xFFFFC000  }
0x9f: {  	_ =	swait.ge [sflag:s17], $0x4000  }
0xa0: {  	[sflag:s17] =	ssyncset.done $0x0  }
0xa1: {  	[sflag:s17] =	ssyncadd.s32 $0xFFFFC000  }
0xa2: {  	[spmem:s1] =	stream.indirect.scatter.add.f32 [tilespmem:s15], [sflag:$0x2], $0x80, s13, s14, $0xb8;
	[tilespmem:$0x1C600] =	vst v63  }
0xa3: {  	_ =	swait.ge [sflag:s12], $0x4000  }
0xa4: {  	[sflag:s12] =	ssyncset.done $0x0  }
0xa5: {  	[sflag:s12] =	ssyncadd.s32 $0xFFFFC000  }
0xa6: {  	[spmem:s1] =	stream.indirect.scatter.add.f32 [tilespmem:s16], [sflag:$0x2], $0x80, s18, s14, $0xb8;
	[tilespmem:$0x1C600] =	vst v63  }
0xa7: {  	_ =	swait.ge [sflag:s12], $0x4000  }
0xa8: {  	s21 =	sadd.s32 $0x1, s21;
	[sflag:s12] =	ssyncset.done $0x0  }
0xa9: {  	p0 =	sne.s32 s21, s9;
	[sflag:s12] =	ssyncadd.s32 $0xFFFFC000  }
.Ltmp2:
0xaa: {  	[bflag:$0x0] =	sbarrier.arrive $0xFFFF;
	(pc) =	sbr.rel @p0 .LBB2_1-.Ltmp2, $4  }
0xab: {  	[hbm:s8], [sflag:s19] =	dma.local [spmem:s20], $0x2800  }
0xac: {  	_ =	swait.ge [sflag:s12], $0x2800  }
0xad: {  	[sflag:s12] =	ssyncset.done $0x0  }
0xae: {  	[sflag:s12] =	ssyncadd.s32 $0xFFFFD800  }
0xaf: {  	_ =	sfence.sel $0x180000  }
0xb0: {  	[bflag:$0x0] =	sbarrier.arrive $0xFFFF  }
0xb1: {  	p0 =	sne.s32 s2, $0x0;
	_ =	strace $0x9000004D  }
0xb2: {  	s0 =	sadd.s32 @!p0 $0x100000, s0;
	[bflag:$0x2] =	sbarrier.arrive $0xFFFF  }
0xb3: {  	[sflag:s0] =	ssyncadd.tile.s32 @!p0 $0x1;
	_ =	shalt  }
.Lfunc_end2:
_tile_overlayer_lowered:
.L_overlay_start_2:
0xb4: {  	(tag) =	ssettag $0x2  }
0xb5: {  	s0 =	rddreg [dreg:$0x0];
	s2 =	stileid.u32  }
0xb6: {  	s1 =	rddreg [dreg:$0x1];
	p0 =	sne.s32 s2, $0x0  }
0xb7: {  	s3 =	rddreg [dreg:$0x2];
	[bflag:$0x3] =	sbarrier.arrive $0xFFFF;
	s2 =	simm.s32 @!p0 $0x1C02  }
0xb8: {  	[timem:s3], [sflag:s2] =	dma.local @!p0 [hbm:s0], s1  }
0xb9: {  	s0 =	simm.s32 @!p0 $0x2  }
0xba: {  	_ =	swait.ge @!p0 [sflag:s0], s1  }
0xbb: {  	s1 =	ssub.s32 @!p0 $0x0, s1;
	[sflag:s0] =	ssyncset.done @!p0 $0x0  }
0xbc: {  	[sflag:s0] =	ssyncadd.s32 @!p0 s1  }
0xbd: {  	[bflag:$0x3] =	sbarrier.arrive $0xFFFF  }
0xbe: {  	_ =	shalt  }

</sc_bundles>
